<compile_context>
chip_gen: v7x
topology: tpu7x:2x2x1
jax: 0.10.2.dev20260603
libtpu: 0.0.44.dev20260713+nightly
codegen_flags: <defaults>
</compile_context>

<pallas_src>
import functools

import jax
import jax.numpy as jnp
from jax import lax
from jax.experimental import pallas as pl
from jax.experimental.pallas import tpu as pltpu
from jax.experimental.pallas import tpu_sc as plsc

N = 10000
E = 320000
D = 128
DE = 16
CUTOFF = 5.0

NC = 2
NS = 16
NW = NC * NS



def _silu(x):
    return x * jax.nn.sigmoid(x)


def _a1_body(ns_ref, w1_ref, b1_ref, w2_ref, b2_ref, so_ref):
    h = _silu(jnp.dot(ns_ref[...], w1_ref[...],
                      preferred_element_type=jnp.float32) + b1_ref[...])
    so_ref[...] = jnp.dot(h, w2_ref[...],
                          preferred_element_type=jnp.float32) + b2_ref[...]


def _a2_body(es_ref, norms_ref, wf_ref, bf_ref, fw_ref):
    fw = jnp.dot(es_ref[...], wf_ref[...],
                 preferred_element_type=jnp.float32) + bf_ref[...]
    r = norms_ref[...]
    cut = jnp.where(r < CUTOFF,
                    0.5 * (jnp.cos(jnp.pi * r / CUTOFF) + 1.0), 0.0)
    fw_ref[...] = fw * cut


def _m_body(fw_ref, sog_ref, nsvg_ref, ev_ref, msg_ref):
    fo = fw_ref[...] * sog_ref[...]
    gn = fo[:, 0:D]
    ge = fo[:, D:2 * D]
    msg_ref[0] = fo[:, 2 * D:3 * D]
    nsvg = nsvg_ref[...]
    ev = ev_ref[...]
    for k in range(3):
        msg_ref[1 + k] = nsvg[:, k * D:(k + 1) * D] * gn + ge * ev[:, k:k + 1]


def _b_body(ns_ref, nsv_ref, dp_ref, u_ref, v_ref, wa1_ref, ba1_ref,
            wa2_ref, ba2_ref, outs_ref, outv_ref):
    ns2 = ns_ref[...] + dp_ref[0]
    nv = [nsv_ref[:, k * D:(k + 1) * D] + dp_ref[1 + k] for k in range(3)]
    u = u_ref[...]
    v = v_ref[...]
    uv = [jnp.dot(nv[k], u, preferred_element_type=jnp.float32)
          for k in range(3)]
    vv = [jnp.dot(nv[k], v, preferred_element_type=jnp.float32)
          for k in range(3)]
    vv_sq = vv[0] * vv[0] + vv[1] * vv[1] + vv[2] * vv[2]
    inner = uv[0] * vv[0] + uv[1] * vv[1] + uv[2] * vv[2]
    wa1 = wa1_ref[...]
    h = (jnp.dot(ns2, wa1[0:D, :], preferred_element_type=jnp.float32)
         + jnp.dot(vv_sq, wa1[D:2 * D, :], preferred_element_type=jnp.float32)
         + ba1_ref[...])
    a = jnp.dot(_silu(h), wa2_ref[...],
                preferred_element_type=jnp.float32) + ba2_ref[...]
    outs_ref[...] = ns2 + a[:, 0:D] + a[:, D:2 * D] * inner
    for k in range(3):
        outv_ref[:, k * D:(k + 1) * D] = nv[k] + a[:, 2 * D:3 * D] * uv[k]



def _sc_mesh():
    return plsc.VectorSubcoreMesh(core_axis_name="c", subcore_axis_name="s",
                                  num_cores=NC, num_subcores=NS)

_G_EW = E // NW
_G_BLK = 80
_G_NB = _G_EW // _G_BLK

_S_BLK = 128
_EPAD = 2560 * _S_BLK
_S_EW = _EPAD // NS
_S_NB = _S_EW // _S_BLK
_S_CHUNK = 32
_NPAD = 10240
_N_SUB = _NPAD // NS


def _gather_rows_body(table_hbm, src_hbm, out_hbm, idx_v, buf0, buf1,
                      sem0, sem1):
    wid = lax.axis_index("s") * NC + lax.axis_index("c")
    base = wid * _G_EW
    pltpu.sync_copy(src_hbm.at[pl.ds(base, _G_EW)], idx_v)

    def gather(i, buf, sem):
        return pltpu.async_copy(
            table_hbm.at[idx_v.at[pl.ds(i * _G_BLK, _G_BLK)]], buf, sem)

    gather(0, buf0, sem0)

    @pl.loop(0, _G_NB)
    def _(i):
        nxt = i + 1

        @pl.when(nxt < _G_NB)
        def _():
            @pl.when(lax.rem(nxt, 2) == 0)
            def _():
                gather(nxt, buf0, sem0)

            @pl.when(lax.rem(nxt, 2) == 1)
            def _():
                gather(nxt, buf1, sem1)

        @pl.when(lax.rem(i, 2) == 0)
        def _():
            pltpu.make_async_copy(
                table_hbm.at[idx_v.at[pl.ds(i * _G_BLK, _G_BLK)]], buf0,
                sem0).wait()
            pltpu.sync_copy(buf0, out_hbm.at[pl.ds(base + i * _G_BLK, _G_BLK)])

        @pl.when(lax.rem(i, 2) == 1)
        def _():
            pltpu.make_async_copy(
                table_hbm.at[idx_v.at[pl.ds(i * _G_BLK, _G_BLK)]], buf1,
                sem1).wait()
            pltpu.sync_copy(buf1, out_hbm.at[pl.ds(base + i * _G_BLK, _G_BLK)])


def _gather_call(table, src):
    k = pl.kernel(
        _gather_rows_body,
        out_type=jax.ShapeDtypeStruct((E, table.shape[1]), jnp.float32),
        mesh=_sc_mesh(),
        scratch_types=[
            pltpu.VMEM((_G_EW,), jnp.int32),
            pltpu.VMEM((_G_BLK, table.shape[1]), jnp.float32),
            pltpu.VMEM((_G_BLK, table.shape[1]), jnp.float32),
            pltpu.SemaphoreType.DMA,
            pltpu.SemaphoreType.DMA,
        ],
    )
    return k(table, src)


def _scatter_body(msg_hbm, dst_hbm, zeros_hbm, dp_hbm, acc, idx_v, buf0, buf1,
                  sem0, sem1):
    core = lax.axis_index("c")
    sid = lax.axis_index("s")

    for p_i in range(2):
        plane = 2 * core + p_i
        pltpu.sync_copy(zeros_hbm, acc.at[pl.ds(sid * _N_SUB, _N_SUB)])
        plsc.subcore_barrier()

        def load(i, buf, sem):
            return pltpu.async_copy(
                msg_hbm.at[plane, pl.ds(sid * _S_EW + i * _S_BLK, _S_BLK)],
                buf, sem)

        @pl.loop(0, _S_NB // _S_CHUNK)
        def _(chunk):
            pltpu.sync_copy(
                dst_hbm.at[pl.ds(sid * _S_NB + chunk * _S_CHUNK, _S_CHUNK)],
                idx_v)
            base = chunk * _S_CHUNK
            load(base, buf0, sem0)

            @pl.loop(0, _S_CHUNK)
            def _(j):
                i = base + j
                nxt = i + 1

                @pl.when(jnp.logical_and(nxt < _S_NB, j + 1 < _S_CHUNK))
                def _():
                    @pl.when(lax.rem(nxt, 2) == 0)
                    def _():
                        load(nxt, buf0, sem0)

                    @pl.when(lax.rem(nxt, 2) == 1)
                    def _():
                        load(nxt, buf1, sem1)

                @pl.when(lax.rem(i, 2) == 0)
                def _():
                    pltpu.make_async_copy(
                        msg_hbm.at[plane,
                                   pl.ds(sid * _S_EW + i * _S_BLK, _S_BLK)],
                        buf0, sem0).wait()
                    pltpu.sync_copy(buf0, acc.at[idx_v.at[j]], add=True)

                @pl.when(lax.rem(i, 2) == 1)
                def _():
                    pltpu.make_async_copy(
                        msg_hbm.at[plane,
                                   pl.ds(sid * _S_EW + i * _S_BLK, _S_BLK)],
                        buf1, sem1).wait()
                    pltpu.sync_copy(buf1, acc.at[idx_v.at[j]], add=True)

        plsc.subcore_barrier()
        pltpu.sync_copy(acc.at[pl.ds(sid * _N_SUB, _N_SUB)],
                        dp_hbm.at[plane, pl.ds(sid * _N_SUB, _N_SUB)])
        plsc.subcore_barrier()


def _scatter_call(msg, dst_r, zeros_sub):
    k = pl.kernel(
        _scatter_body,
        out_type=jax.ShapeDtypeStruct((4, _NPAD, D), jnp.float32),
        mesh=_sc_mesh(),
        scratch_types=[
            pltpu.VMEM_SHARED((_NPAD, D), jnp.float32),
            pltpu.VMEM((_S_CHUNK, _S_BLK), jnp.int32),
            pltpu.VMEM((_S_BLK, D), jnp.float32),
            pltpu.VMEM((_S_BLK, D), jnp.float32),
            pltpu.SemaphoreType.DMA,
            pltpu.SemaphoreType.DMA,
        ],
    )
    return k(msg, dst_r, zeros_sub)




def kernel(node_states_scalar, node_states_vector, edge_states, edge_vectors,
           edge_norms, edge_index, Wf, bf, Ws1, bs1, Ws2, bs2, U, V,
           Wa1, ba1, Wa2, ba2):
    ns = node_states_scalar
    nsv_flat = node_states_vector.reshape(N, 3 * D)
    src = edge_index[:, 0]
    dst_r = jnp.concatenate(
        [edge_index[:, 1],
         jnp.full((_EPAD - E,), N, jnp.int32)]).reshape(_EPAD // _S_BLK,
                                                        _S_BLK)
    zeros_sub = jnp.zeros((_N_SUB, D), jnp.float32)

    bn = 1000
    so = pl.pallas_call(
        _a1_body,
        grid=(N // bn,),
        in_specs=[
            pl.BlockSpec((bn, D), lambda i: (i, 0)),
            pl.BlockSpec((D, D), lambda i: (0, 0)),
            pl.BlockSpec((1, D), lambda i: (0, 0)),
            pl.BlockSpec((D, 3 * D), lambda i: (0, 0)),
            pl.BlockSpec((1, 3 * D), lambda i: (0, 0)),
        ],
        out_specs=pl.BlockSpec((bn, 3 * D), lambda i: (i, 0)),
        out_shape=jax.ShapeDtypeStruct((N, 3 * D), jnp.float32),
    )(ns, Ws1, bs1.reshape(1, D), Ws2, bs2.reshape(1, 3 * D))

    be = 4000
    fw = pl.pallas_call(
        _a2_body,
        grid=(E // be,),
        in_specs=[
            pl.BlockSpec((be, DE), lambda i: (i, 0)),
            pl.BlockSpec((be, 1), lambda i: (i, 0)),
            pl.BlockSpec((DE, 3 * D), lambda i: (0, 0)),
            pl.BlockSpec((1, 3 * D), lambda i: (0, 0)),
        ],
        out_specs=pl.BlockSpec((be, 3 * D), lambda i: (i, 0)),
        out_shape=jax.ShapeDtypeStruct((E, 3 * D), jnp.float32),
    )(edge_states, edge_norms, Wf, bf.reshape(1, 3 * D))

    nsv_g = _gather_call(nsv_flat, src)
    so_g = _gather_call(so, src)

    bm = 2000
    msg = pl.pallas_call(
        _m_body,
        grid=(E // bm,),
        in_specs=[
            pl.BlockSpec((bm, 3 * D), lambda i: (i, 0)),
            pl.BlockSpec((bm, 3 * D), lambda i: (i, 0)),
            pl.BlockSpec((bm, 3 * D), lambda i: (i, 0)),
            pl.BlockSpec((bm, 3), lambda i: (i, 0)),
        ],
        out_specs=pl.BlockSpec((4, bm, D), lambda i: (0, i, 0)),
        out_shape=jax.ShapeDtypeStruct((4, _EPAD, D), jnp.float32),
    )(fw, so_g, nsv_g, edge_vectors)

    dp = _scatter_call(msg, dst_r, zeros_sub)

    outs, outv = pl.pallas_call(
        _b_body,
        grid=(N // bn,),
        in_specs=[
            pl.BlockSpec((bn, D), lambda i: (i, 0)),
            pl.BlockSpec((bn, 3 * D), lambda i: (i, 0)),
            pl.BlockSpec((4, bn, D), lambda i: (0, i, 0)),
            pl.BlockSpec((D, D), lambda i: (0, 0)),
            pl.BlockSpec((D, D), lambda i: (0, 0)),
            pl.BlockSpec((2 * D, D), lambda i: (0, 0)),
            pl.BlockSpec((1, D), lambda i: (0, 0)),
            pl.BlockSpec((D, 3 * D), lambda i: (0, 0)),
            pl.BlockSpec((1, 3 * D), lambda i: (0, 0)),
        ],
        out_specs=[
            pl.BlockSpec((bn, D), lambda i: (i, 0)),
            pl.BlockSpec((bn, 3 * D), lambda i: (i, 0)),
        ],
        out_shape=[
            jax.ShapeDtypeStruct((N, D), jnp.float32),
            jax.ShapeDtypeStruct((N, 3 * D), jnp.float32),
        ],
    )(ns, nsv_flat, dp, U, V, Wa1, ba1.reshape(1, D), Wa2,
      ba2.reshape(1, 3 * D))

    return outs, outv.reshape(N, 3, D)

# --- scband reference (transcript-rebuilt; emitter-appended) ---
"""Pipeline reference for scband-pai-nninteraction-block-31559419691312 (READ-ONLY COPY).

The authoritative reference and input builder live on the scoring server;
editing this copy changes nothing except your own understanding.
"""

import jax, jax.numpy as jnp
import numpy as np

N = 10000
E = 320000
D = 128
DE = 16
CUTOFF = 5.0


def _silu(x):
    return x * jax.nn.sigmoid(x)


def _cosine_cutoff(r, cutoff):
    return jnp.where(r < cutoff, 0.5 * (jnp.cos(jnp.pi * r / cutoff) + 1.0), 0.0)


def _lin_w(key, fan_in, fan_out):
    lim = 1.0 / np.sqrt(fan_in)
    return jax.random.uniform(key, (fan_in, fan_out), jnp.float32, -lim, lim)


def _lin_b(key, fan_in, fan_out):
    lim = 1.0 / np.sqrt(fan_in)
    return jax.random.uniform(key, (fan_out,), jnp.float32, -lim, lim)


def setup_inputs(seed: int = 0):
    key = jax.random.key(seed)
    ks = jax.random.split(key, 24)
    inp = {}
    inp["node_states_scalar"] = jax.random.normal(ks[0], (N, D), jnp.float32)
    inp["node_states_vector"] = jax.random.normal(ks[1], (N, 3, D), jnp.float32)
    inp["edge_states"] = jax.random.normal(ks[2], (E, DE), jnp.float32)
    inp["edge_vectors"] = jax.random.normal(ks[3], (E, 3), jnp.float32)
    inp["edge_norms"] = jax.random.uniform(ks[4], (E, 1), jnp.float32) * CUTOFF
    inp["edge_index"] = jax.random.randint(ks[5], (E, 2), 0, N, jnp.int32)
    inp["Wf"] = _lin_w(ks[6], DE, 3 * D)
    inp["bf"] = _lin_b(ks[7], DE, 3 * D)
    inp["Ws1"] = _lin_w(ks[8], D, D)
    inp["bs1"] = _lin_b(ks[9], D, D)
    inp["Ws2"] = _lin_w(ks[10], D, 3 * D)
    inp["bs2"] = _lin_b(ks[11], D, 3 * D)
    inp["U"] = _lin_w(ks[12], D, D)
    inp["V"] = _lin_w(ks[13], D, D)
    inp["Wa1"] = _lin_w(ks[14], 2 * D, D)
    inp["ba1"] = _lin_b(ks[15], 2 * D, D)
    inp["Wa2"] = _lin_w(ks[16], D, 3 * D)
    inp["ba2"] = _lin_b(ks[17], D, 3 * D)
    return inp


def reference(node_states_scalar, node_states_vector, edge_states, edge_vectors, edge_norms, edge_index, Wf, bf, Ws1, bs1, Ws2, bs2, U, V, Wa1, ba1, Wa2, ba2):
    # message function
    filter_weight = edge_states @ Wf + bf
    filter_weight = filter_weight * _cosine_cutoff(edge_norms, CUTOFF)
    scalar_output = _silu(node_states_scalar @ Ws1 + bs1) @ Ws2 + bs2
    src = edge_index[:, 0]
    dst = edge_index[:, 1]
    filter_output = filter_weight * scalar_output[src]
    gate_nodes = filter_output[:, :D][:, None, :]
    gate_edges = filter_output[:, D:2 * D][:, None, :]
    messages_scalar = filter_output[:, 2 * D:]
    gated_node_states_vector = node_states_vector[src] * gate_nodes
    gated_edge_vectors = gate_edges * edge_vectors[:, :, None]
    messages_vector = gated_node_states_vector + gated_edge_vectors
    delta_s_m = jnp.zeros_like(node_states_scalar).at[dst].add(messages_scalar)
    delta_v_m = jnp.zeros_like(node_states_vector).at[dst].add(messages_vector)
    ns = node_states_scalar + delta_s_m
    nv = node_states_vector + delta_v_m
    # node state update function
    Uv = nv @ U
    Vv = nv @ V
    Vv_sq = jnp.sum(Vv ** 2, axis=1)
    a = _silu(jnp.concatenate((ns, Vv_sq), axis=1) @ Wa1 + ba1) @ Wa2 + ba2
    a_ss = a[:, :D]
    a_sv = a[:, D:2 * D]
    a_vv = a[:, 2 * D:]
    inner = jnp.sum(Uv * Vv, axis=1)
    delta_s_u = a_ss + a_sv * inner
    delta_v_u = a_vv[:, None, :] * Uv
    return (ns + delta_s_u, nv + delta_v_u)

if __name__ == "__main__":
    import jax
    _d = setup_inputs()
    print(jax.jit(kernel)(*tuple(_d.values())))

</pallas_src>

<mosaic_0001>
#map = affine_map<(d0, d1) -> (0, 0)>
#map1 = affine_map<(d0, d1) -> (0)>
module attributes {stable_mosaic.version = 14 : i64} {
  func.func @_gather_rows_body(%arg0: i32, %arg1: i32, %arg2: memref<10000x384xf32, #tpu.memory_space<hbm>>, %arg3: memref<320000xi32, #tpu.memory_space<hbm>>, %arg4: memref<320000x384xf32, #tpu.memory_space<hbm>>, %arg5: memref<10000xi32, #tpu.memory_space<vmem>>, %arg6: memref<80x384xf32, #tpu.memory_space<vmem>>, %arg7: memref<80x384xf32, #tpu.memory_space<vmem>>, %arg8: memref<!tpu.dma_semaphore, #tpu.memory_space<semaphore_mem>>, %arg9: memref<!tpu.dma_semaphore, #tpu.memory_space<semaphore_mem>>) attributes {dimension_semantics = [#tpu.dimension_semantics<core_parallel>, #tpu.dimension_semantics<subcore_parallel>], iteration_bounds = array<i64: 2, 16>, scalar_prefetch = 0 : i64, scratch_operands = 5 : i64, tpu.core_type = #tpu.core_type<sc_vector_subcore>, window_params = [{transform_indices = #map}, {transform_indices = #map1}, {transform_indices = #map}]} {
    %mul3A = arith.constant 2 : i32
    %mul3A_0 = arith.muli %arg1, %mul3A : i32
    %add3A = arith.addi %mul3A_0, %arg0 : i32
    %mul3A_1 = arith.constant 10000 : i32
    %mul3A_2 = arith.muli %add3A, %mul3A_1 : i32
    "tpu.region"() ({
      %run_scoped3A = tpu.sem_alloc : memref<!tpu.dma_semaphore, #tpu.memory_space<semaphore_mem>>
      %dma_start3A_11 = tpu.memref_slice %arg3[%mul3A_2] : memref<320000xi32, #tpu.memory_space<hbm>> -> memref<10000xi32, #tpu.memory_space<hbm>>
      %dma_start3A_12 = tpu.memref_slice %arg3[%mul3A_2] : memref<320000xi32, #tpu.memory_space<hbm>> -> memref<10000xi32, #tpu.memory_space<hbm>>
      tpu.enqueue_dma source(%dma_start3A_12 : memref<10000xi32, #tpu.memory_space<hbm>>) target(%arg5 : memref<10000xi32, #tpu.memory_space<vmem>>) target_semaphore(%run_scoped3A : memref<!tpu.dma_semaphore, #tpu.memory_space<semaphore_mem>>)
      %dma_wait3A = tpu.memref_slice %arg3[%mul3A_2] : memref<320000xi32, #tpu.memory_space<hbm>> -> memref<10000xi32, #tpu.memory_space<hbm>>
      %dma_wait3A_13 = tpu.memref_slice %arg3[%mul3A_2] : memref<320000xi32, #tpu.memory_space<hbm>> -> memref<10000xi32, #tpu.memory_space<hbm>>
      tpu.wait_dma2 semaphore(%run_scoped3A : memref<!tpu.dma_semaphore, #tpu.memory_space<semaphore_mem>>) src(%dma_wait3A_13 : memref<10000xi32, #tpu.memory_space<hbm>>) dst(%arg5 : memref<10000xi32, #tpu.memory_space<vmem>>)
      tpu.yield
    }) : () -> ()
    %dma_start3A = arith.constant 0 : i32
    %dma_start3A_3 = tpu.memref_slice %arg5[%dma_start3A] : memref<10000xi32, #tpu.memory_space<vmem>> -> memref<80xi32, #tpu.memory_space<vmem>>
    %dma_start3A_4 = arith.constant 0 : i32
    %dma_start3A_5 = arith.constant 0 : i32
    %dma_start3A_6 = tpu.memref_slice %arg2[%dma_start3A_4, %dma_start3A_5] : memref<10000x384xf32, #tpu.memory_space<hbm>> -> memref<10000x384xf32, #tpu.memory_space<hbm>>
    tpu.enqueue_indirect_dma source(%dma_start3A_6 : memref<10000x384xf32, #tpu.memory_space<hbm>>) target(%arg6 : memref<80x384xf32, #tpu.memory_space<vmem>>) offsets(%dma_start3A_3 : memref<80xi32, #tpu.memory_space<vmem>>) semaphore(%arg8 : memref<!tpu.dma_semaphore, #tpu.memory_space<semaphore_mem>>)
    %scan3A = arith.constant 0 : i32
    %scan3A_7 = arith.constant 125 : i32
    %scan3A_8 = arith.addi %scan3A, %scan3A_7 : i32
    %scan3A_9 = arith.constant 1 : i32
    scf.for %scan3A_11 = %scan3A to %scan3A_8 step %scan3A_9  : i32 {
      %mul3A_12 = arith.constant 1 : i32
      %mul3A_13 = arith.muli %scan3A_11, %mul3A_12 : i32
      %add3A_14 = arith.constant 0 : i32
      %add3A_15 = arith.addi %add3A_14, %mul3A_13 : i32
      %add3A_16 = arith.constant 1 : i32
      %add3A_17 = arith.addi %add3A_15, %add3A_16 : i32
      %lt3A = arith.constant 125 : i32
      %lt3A_18 = arith.cmpi slt, %add3A_17, %lt3A : i32
      %convert_element_type3A = arith.extui %lt3A_18 : i1 to i32
      %cond3A = arith.constant 0 : i32
      %cond3A_19 = arith.cmpi ne, %convert_element_type3A, %cond3A : i32
      scf.if %cond3A_19 {
        %rem3A_32 = arith.constant 2 : i32
        %rem3A_33 = arith.remsi %add3A_17, %rem3A_32 : i32
        %eq3A_34 = arith.constant 0 : i32
        %eq3A_35 = arith.cmpi eq, %rem3A_33, %eq3A_34 : i32
        %convert_element_type3A_36 = arith.extui %eq3A_35 : i1 to i32
        %cond3A_37 = arith.constant 0 : i32
        %cond3A_38 = arith.cmpi ne, %convert_element_type3A_36, %cond3A_37 : i32
        scf.if %cond3A_38 {
          %mul3A_46 = arith.constant 80 : i32
          %mul3A_47 = arith.muli %add3A_17, %mul3A_46 : i32
          %dma_start3A_48 = tpu.memref_slice %arg5[%mul3A_47] : memref<10000xi32, #tpu.memory_space<vmem>> -> memref<80xi32, #tpu.memory_space<vmem>>
          %dma_start3A_49 = arith.constant 0 : i32
          %dma_start3A_50 = arith.constant 0 : i32
          %dma_start3A_51 = tpu.memref_slice %arg2[%dma_start3A_49, %dma_start3A_50] : memref<10000x384xf32, #tpu.memory_space<hbm>> -> memref<10000x384xf32, #tpu.memory_space<hbm>>
          tpu.enqueue_indirect_dma source(%dma_start3A_51 : memref<10000x384xf32, #tpu.memory_space<hbm>>) target(%arg6 : memref<80x384xf32, #tpu.memory_space<vmem>>) offsets(%dma_start3A_48 : memref<80xi32, #tpu.memory_space<vmem>>) semaphore(%arg8 : memref<!tpu.dma_semaphore, #tpu.memory_space<semaphore_mem>>)
        } else {
        }
        %rem3A_39 = arith.constant 2 : i32
        %rem3A_40 = arith.remsi %add3A_17, %rem3A_39 : i32
        %eq3A_41 = arith.constant 1 : i32
        %eq3A_42 = arith.cmpi eq, %rem3A_40, %eq3A_41 : i32
        %convert_element_type3A_43 = arith.extui %eq3A_42 : i1 to i32
        %cond3A_44 = arith.constant 0 : i32
        %cond3A_45 = arith.cmpi ne, %convert_element_type3A_43, %cond3A_44 : i32
        scf.if %cond3A_45 {
          %mul3A_46 = arith.constant 80 : i32
          %mul3A_47 = arith.muli %add3A_17, %mul3A_46 : i32
          %dma_start3A_48 = tpu.memref_slice %arg5[%mul3A_47] : memref<10000xi32, #tpu.memory_space<vmem>> -> memref<80xi32, #tpu.memory_space<vmem>>
          %dma_start3A_49 = arith.constant 0 : i32
          %dma_start3A_50 = arith.constant 0 : i32
          %dma_start3A_51 = tpu.memref_slice %arg2[%dma_start3A_49, %dma_start3A_50] : memref<10000x384xf32, #tpu.memory_space<hbm>> -> memref<10000x384xf32, #tpu.memory_space<hbm>>
          tpu.enqueue_indirect_dma source(%dma_start3A_51 : memref<10000x384xf32, #tpu.memory_space<hbm>>) target(%arg7 : memref<80x384xf32, #tpu.memory_space<vmem>>) offsets(%dma_start3A_48 : memref<80xi32, #tpu.memory_space<vmem>>) semaphore(%arg9 : memref<!tpu.dma_semaphore, #tpu.memory_space<semaphore_mem>>)
        } else {
        }
      } else {
      }
      %rem3A = arith.constant 2 : i32
      %rem3A_20 = arith.remsi %add3A_15, %rem3A : i32
      %eq3A = arith.constant 0 : i32
      %eq3A_21 = arith.cmpi eq, %rem3A_20, %eq3A : i32
      %convert_element_type3A_22 = arith.extui %eq3A_21 : i1 to i32
      %cond3A_23 = arith.constant 0 : i32
      %cond3A_24 = arith.cmpi ne, %convert_element_type3A_22, %cond3A_23 : i32
      scf.if %cond3A_24 {
        %mul3A_32 = arith.constant 80 : i32
        %mul3A_33 = arith.muli %add3A_15, %mul3A_32 : i32
        %dma_wait3A = tpu.memref_slice %arg5[%mul3A_33] : memref<10000xi32, #tpu.memory_space<vmem>> -> memref<80xi32, #tpu.memory_space<vmem>>
        %dma_wait3A_34 = arith.constant 0 : i32
        %dma_wait3A_35 = arith.constant 0 : i32
        %dma_wait3A_36 = tpu.memref_slice %arg2[%dma_wait3A_34, %dma_wait3A_35] : memref<10000x384xf32, #tpu.memory_space<hbm>> -> memref<10000x384xf32, #tpu.memory_space<hbm>>
        tpu.wait_indirect_dma semaphore(%arg8 : memref<!tpu.dma_semaphore, #tpu.memory_space<semaphore_mem>>) src(%dma_wait3A_36 : memref<10000x384xf32, #tpu.memory_space<hbm>>) dst(%arg6 : memref<80x384xf32, #tpu.memory_space<vmem>>)
        %mul3A_37 = arith.constant 80 : i32
        %mul3A_38 = arith.muli %add3A_15, %mul3A_37 : i32
        %add3A_39 = arith.addi %mul3A_2, %mul3A_38 : i32
        "tpu.region"() ({
          %run_scoped3A = tpu.sem_alloc : memref<!tpu.dma_semaphore, #tpu.memory_space<semaphore_mem>>
          %dma_start3A_40 = arith.constant 0 : i32
          %dma_start3A_41 = tpu.memref_slice %arg4[%add3A_39, %dma_start3A_40] : memref<320000x384xf32, #tpu.memory_space<hbm>> -> memref<80x384xf32, #tpu.memory_space<hbm>>
          %dma_start3A_42 = arith.constant 0 : i32
          %dma_start3A_43 = tpu.memref_slice %arg4[%add3A_39, %dma_start3A_42] : memref<320000x384xf32, #tpu.memory_space<hbm>> -> memref<80x384xf32, #tpu.memory_space<hbm>>
          tpu.enqueue_dma source(%arg6 : memref<80x384xf32, #tpu.memory_space<vmem>>) target(%dma_start3A_43 : memref<80x384xf32, #tpu.memory_space<hbm>>) target_semaphore(%run_scoped3A : memref<!tpu.dma_semaphore, #tpu.memory_space<semaphore_mem>>)
          %dma_wait3A_44 = arith.constant 0 : i32
          %dma_wait3A_45 = tpu.memref_slice %arg4[%add3A_39, %dma_wait3A_44] : memref<320000x384xf32, #tpu.memory_space<hbm>> -> memref<80x384xf32, #tpu.memory_space<hbm>>
          %dma_wait3A_46 = arith.constant 0 : i32
          %dma_wait3A_47 = tpu.memref_slice %arg4[%add3A_39, %dma_wait3A_46] : memref<320000x384xf32, #tpu.memory_space<hbm>> -> memref<80x384xf32, #tpu.memory_space<hbm>>
          tpu.wait_dma2 semaphore(%run_scoped3A : memref<!tpu.dma_semaphore, #tpu.memory_space<semaphore_mem>>) src(%arg6 : memref<80x384xf32, #tpu.memory_space<vmem>>) dst(%dma_wait3A_47 : memref<80x384xf32, #tpu.memory_space<hbm>>)
          tpu.yield
        }) : () -> ()
      } else {
      }
      %rem3A_25 = arith.constant 2 : i32
      %rem3A_26 = arith.remsi %add3A_15, %rem3A_25 : i32
      %eq3A_27 = arith.constant 1 : i32
      %eq3A_28 = arith.cmpi eq, %rem3A_26, %eq3A_27 : i32
      %convert_element_type3A_29 = arith.extui %eq3A_28 : i1 to i32
      %cond3A_30 = arith.constant 0 : i32
      %cond3A_31 = arith.cmpi ne, %convert_element_type3A_29, %cond3A_30 : i32
      scf.if %cond3A_31 {
        %mul3A_32 = arith.constant 80 : i32
        %mul3A_33 = arith.muli %add3A_15, %mul3A_32 : i32
        %dma_wait3A = tpu.memref_slice %arg5[%mul3A_33] : memref<10000xi32, #tpu.memory_space<vmem>> -> memref<80xi32, #tpu.memory_space<vmem>>
        %dma_wait3A_34 = arith.constant 0 : i32
        %dma_wait3A_35 = arith.constant 0 : i32
        %dma_wait3A_36 = tpu.memref_slice %arg2[%dma_wait3A_34, %dma_wait3A_35] : memref<10000x384xf32, #tpu.memory_space<hbm>> -> memref<10000x384xf32, #tpu.memory_space<hbm>>
        tpu.wait_indirect_dma semaphore(%arg9 : memref<!tpu.dma_semaphore, #tpu.memory_space<semaphore_mem>>) src(%dma_wait3A_36 : memref<10000x384xf32, #tpu.memory_space<hbm>>) dst(%arg7 : memref<80x384xf32, #tpu.memory_space<vmem>>)
        %mul3A_37 = arith.constant 80 : i32
        %mul3A_38 = arith.muli %add3A_15, %mul3A_37 : i32
        %add3A_39 = arith.addi %mul3A_2, %mul3A_38 : i32
        "tpu.region"() ({
          %run_scoped3A = tpu.sem_alloc : memref<!tpu.dma_semaphore, #tpu.memory_space<semaphore_mem>>
          %dma_start3A_40 = arith.constant 0 : i32
          %dma_start3A_41 = tpu.memref_slice %arg4[%add3A_39, %dma_start3A_40] : memref<320000x384xf32, #tpu.memory_space<hbm>> -> memref<80x384xf32, #tpu.memory_space<hbm>>
          %dma_start3A_42 = arith.constant 0 : i32
          %dma_start3A_43 = tpu.memref_slice %arg4[%add3A_39, %dma_start3A_42] : memref<320000x384xf32, #tpu.memory_space<hbm>> -> memref<80x384xf32, #tpu.memory_space<hbm>>
          tpu.enqueue_dma source(%arg7 : memref<80x384xf32, #tpu.memory_space<vmem>>) target(%dma_start3A_43 : memref<80x384xf32, #tpu.memory_space<hbm>>) target_semaphore(%run_scoped3A : memref<!tpu.dma_semaphore, #tpu.memory_space<semaphore_mem>>)
          %dma_wait3A_44 = arith.constant 0 : i32
          %dma_wait3A_45 = tpu.memref_slice %arg4[%add3A_39, %dma_wait3A_44] : memref<320000x384xf32, #tpu.memory_space<hbm>> -> memref<80x384xf32, #tpu.memory_space<hbm>>
          %dma_wait3A_46 = arith.constant 0 : i32
          %dma_wait3A_47 = tpu.memref_slice %arg4[%add3A_39, %dma_wait3A_46] : memref<320000x384xf32, #tpu.memory_space<hbm>> -> memref<80x384xf32, #tpu.memory_space<hbm>>
          tpu.wait_dma2 semaphore(%run_scoped3A : memref<!tpu.dma_semaphore, #tpu.memory_space<semaphore_mem>>) src(%arg7 : memref<80x384xf32, #tpu.memory_space<vmem>>) dst(%dma_wait3A_47 : memref<80x384xf32, #tpu.memory_space<hbm>>)
          tpu.yield
        }) : () -> ()
      } else {
      }
    }
    %scan3A_10 = arith.constant 125 : i32
    return
  }
}

#map = affine_map<(d0, d1) -> (0, 0)>
#map1 = affine_map<(d0, d1) -> (0)>
module attributes {stable_mosaic.version = 14 : i64} {
  func.func @_gather_rows_body(%arg0: i32, %arg1: i32, %arg2: memref<10000x384xf32, #tpu.memory_space<hbm>>, %arg3: memref<320000xi32, #tpu.memory_space<hbm>>, %arg4: memref<320000x384xf32, #tpu.memory_space<hbm>>, %arg5: memref<10000xi32, #tpu.memory_space<vmem>>, %arg6: memref<80x384xf32, #tpu.memory_space<vmem>>, %arg7: memref<80x384xf32, #tpu.memory_space<vmem>>, %arg8: memref<!tpu.dma_semaphore, #tpu.memory_space<semaphore_mem>>, %arg9: memref<!tpu.dma_semaphore, #tpu.memory_space<semaphore_mem>>) attributes {dimension_semantics = [#tpu.dimension_semantics<core_parallel>, #tpu.dimension_semantics<subcore_parallel>], iteration_bounds = array<i64: 2, 16>, scalar_prefetch = 0 : i64, scratch_operands = 5 : i64, tpu.core_type = #tpu.core_type<sc_vector_subcore>, window_params = [{transform_indices = #map}, {transform_indices = #map1}, {transform_indices = #map}]} {
    %mul3A = arith.constant 2 : i32
    %mul3A_0 = arith.muli %arg1, %mul3A : i32
    %add3A = arith.addi %mul3A_0, %arg0 : i32
    %mul3A_1 = arith.constant 10000 : i32
    %mul3A_2 = arith.muli %add3A, %mul3A_1 : i32
    "tpu.region"() ({
      %run_scoped3A = tpu.sem_alloc : memref<!tpu.dma_semaphore, #tpu.memory_space<semaphore_mem>>
      %dma_start3A_11 = tpu.memref_slice %arg3[%mul3A_2] : memref<320000xi32, #tpu.memory_space<hbm>> -> memref<10000xi32, #tpu.memory_space<hbm>>
      %dma_start3A_12 = tpu.memref_slice %arg3[%mul3A_2] : memref<320000xi32, #tpu.memory_space<hbm>> -> memref<10000xi32, #tpu.memory_space<hbm>>
      tpu.enqueue_dma source(%dma_start3A_12 : memref<10000xi32, #tpu.memory_space<hbm>>) target(%arg5 : memref<10000xi32, #tpu.memory_space<vmem>>) target_semaphore(%run_scoped3A : memref<!tpu.dma_semaphore, #tpu.memory_space<semaphore_mem>>)
      %dma_wait3A = tpu.memref_slice %arg3[%mul3A_2] : memref<320000xi32, #tpu.memory_space<hbm>> -> memref<10000xi32, #tpu.memory_space<hbm>>
      %dma_wait3A_13 = tpu.memref_slice %arg3[%mul3A_2] : memref<320000xi32, #tpu.memory_space<hbm>> -> memref<10000xi32, #tpu.memory_space<hbm>>
      tpu.wait_dma2 semaphore(%run_scoped3A : memref<!tpu.dma_semaphore, #tpu.memory_space<semaphore_mem>>) src(%dma_wait3A_13 : memref<10000xi32, #tpu.memory_space<hbm>>) dst(%arg5 : memref<10000xi32, #tpu.memory_space<vmem>>)
      tpu.yield
    }) : () -> ()
    %dma_start3A = arith.constant 0 : i32
    %dma_start3A_3 = tpu.memref_slice %arg5[%dma_start3A] : memref<10000xi32, #tpu.memory_space<vmem>> -> memref<80xi32, #tpu.memory_space<vmem>>
    %dma_start3A_4 = arith.constant 0 : i32
    %dma_start3A_5 = arith.constant 0 : i32
    %dma_start3A_6 = tpu.memref_slice %arg2[%dma_start3A_4, %dma_start3A_5] : memref<10000x384xf32, #tpu.memory_space<hbm>> -> memref<10000x384xf32, #tpu.memory_space<hbm>>
    tpu.enqueue_indirect_dma source(%dma_start3A_6 : memref<10000x384xf32, #tpu.memory_space<hbm>>) target(%arg6 : memref<80x384xf32, #tpu.memory_space<vmem>>) offsets(%dma_start3A_3 : memref<80xi32, #tpu.memory_space<vmem>>) semaphore(%arg8 : memref<!tpu.dma_semaphore, #tpu.memory_space<semaphore_mem>>)
    %scan3A = arith.constant 0 : i32
    %scan3A_7 = arith.constant 125 : i32
    %scan3A_8 = arith.addi %scan3A, %scan3A_7 : i32
    %scan3A_9 = arith.constant 1 : i32
    scf.for %scan3A_11 = %scan3A to %scan3A_8 step %scan3A_9  : i32 {
      %mul3A_12 = arith.constant 1 : i32
      %mul3A_13 = arith.muli %scan3A_11, %mul3A_12 : i32
      %add3A_14 = arith.constant 0 : i32
      %add3A_15 = arith.addi %add3A_14, %mul3A_13 : i32
      %add3A_16 = arith.constant 1 : i32
      %add3A_17 = arith.addi %add3A_15, %add3A_16 : i32
      %lt3A = arith.constant 125 : i32
      %lt3A_18 = arith.cmpi slt, %add3A_17, %lt3A : i32
      %convert_element_type3A = arith.extui %lt3A_18 : i1 to i32
      %cond3A = arith.constant 0 : i32
      %cond3A_19 = arith.cmpi ne, %convert_element_type3A, %cond3A : i32
      scf.if %cond3A_19 {
        %rem3A_32 = arith.constant 2 : i32
        %rem3A_33 = arith.remsi %add3A_17, %rem3A_32 : i32
        %eq3A_34 = arith.constant 0 : i32
        %eq3A_35 = arith.cmpi eq, %rem3A_33, %eq3A_34 : i32
        %convert_element_type3A_36 = arith.extui %eq3A_35 : i1 to i32
        %cond3A_37 = arith.constant 0 : i32
        %cond3A_38 = arith.cmpi ne, %convert_element_type3A_36, %cond3A_37 : i32
        scf.if %cond3A_38 {
          %mul3A_46 = arith.constant 80 : i32
          %mul3A_47 = arith.muli %add3A_17, %mul3A_46 : i32
          %dma_start3A_48 = tpu.memref_slice %arg5[%mul3A_47] : memref<10000xi32, #tpu.memory_space<vmem>> -> memref<80xi32, #tpu.memory_space<vmem>>
          %dma_start3A_49 = arith.constant 0 : i32
          %dma_start3A_50 = arith.constant 0 : i32
          %dma_start3A_51 = tpu.memref_slice %arg2[%dma_start3A_49, %dma_start3A_50] : memref<10000x384xf32, #tpu.memory_space<hbm>> -> memref<10000x384xf32, #tpu.memory_space<hbm>>
          tpu.enqueue_indirect_dma source(%dma_start3A_51 : memref<10000x384xf32, #tpu.memory_space<hbm>>) target(%arg6 : memref<80x384xf32, #tpu.memory_space<vmem>>) offsets(%dma_start3A_48 : memref<80xi32, #tpu.memory_space<vmem>>) semaphore(%arg8 : memref<!tpu.dma_semaphore, #tpu.memory_space<semaphore_mem>>)
        } else {
        }
        %rem3A_39 = arith.constant 2 : i32
        %rem3A_40 = arith.remsi %add3A_17, %rem3A_39 : i32
        %eq3A_41 = arith.constant 1 : i32
        %eq3A_42 = arith.cmpi eq, %rem3A_40, %eq3A_41 : i32
        %convert_element_type3A_43 = arith.extui %eq3A_42 : i1 to i32
        %cond3A_44 = arith.constant 0 : i32
        %cond3A_45 = arith.cmpi ne, %convert_element_type3A_43, %cond3A_44 : i32
        scf.if %cond3A_45 {
          %mul3A_46 = arith.constant 80 : i32
          %mul3A_47 = arith.muli %add3A_17, %mul3A_46 : i32
          %dma_start3A_48 = tpu.memref_slice %arg5[%mul3A_47] : memref<10000xi32, #tpu.memory_space<vmem>> -> memref<80xi32, #tpu.memory_space<vmem>>
          %dma_start3A_49 = arith.constant 0 : i32
          %dma_start3A_50 = arith.constant 0 : i32
          %dma_start3A_51 = tpu.memref_slice %arg2[%dma_start3A_49, %dma_start3A_50] : memref<10000x384xf32, #tpu.memory_space<hbm>> -> memref<10000x384xf32, #tpu.memory_space<hbm>>
          tpu.enqueue_indirect_dma source(%dma_start3A_51 : memref<10000x384xf32, #tpu.memory_space<hbm>>) target(%arg7 : memref<80x384xf32, #tpu.memory_space<vmem>>) offsets(%dma_start3A_48 : memref<80xi32, #tpu.memory_space<vmem>>) semaphore(%arg9 : memref<!tpu.dma_semaphore, #tpu.memory_space<semaphore_mem>>)
        } else {
        }
      } else {
      }
      %rem3A = arith.constant 2 : i32
      %rem3A_20 = arith.remsi %add3A_15, %rem3A : i32
      %eq3A = arith.constant 0 : i32
      %eq3A_21 = arith.cmpi eq, %rem3A_20, %eq3A : i32
      %convert_element_type3A_22 = arith.extui %eq3A_21 : i1 to i32
      %cond3A_23 = arith.constant 0 : i32
      %cond3A_24 = arith.cmpi ne, %convert_element_type3A_22, %cond3A_23 : i32
      scf.if %cond3A_24 {
        %mul3A_32 = arith.constant 80 : i32
        %mul3A_33 = arith.muli %add3A_15, %mul3A_32 : i32
        %dma_wait3A = tpu.memref_slice %arg5[%mul3A_33] : memref<10000xi32, #tpu.memory_space<vmem>> -> memref<80xi32, #tpu.memory_space<vmem>>
        %dma_wait3A_34 = arith.constant 0 : i32
        %dma_wait3A_35 = arith.constant 0 : i32
        %dma_wait3A_36 = tpu.memref_slice %arg2[%dma_wait3A_34, %dma_wait3A_35] : memref<10000x384xf32, #tpu.memory_space<hbm>> -> memref<10000x384xf32, #tpu.memory_space<hbm>>
        tpu.wait_indirect_dma semaphore(%arg8 : memref<!tpu.dma_semaphore, #tpu.memory_space<semaphore_mem>>) src(%dma_wait3A_36 : memref<10000x384xf32, #tpu.memory_space<hbm>>) dst(%arg6 : memref<80x384xf32, #tpu.memory_space<vmem>>)
        %mul3A_37 = arith.constant 80 : i32
        %mul3A_38 = arith.muli %add3A_15, %mul3A_37 : i32
        %add3A_39 = arith.addi %mul3A_2, %mul3A_38 : i32
        "tpu.region"() ({
          %run_scoped3A = tpu.sem_alloc : memref<!tpu.dma_semaphore, #tpu.memory_space<semaphore_mem>>
          %dma_start3A_40 = arith.constant 0 : i32
          %dma_start3A_41 = tpu.memref_slice %arg4[%add3A_39, %dma_start3A_40] : memref<320000x384xf32, #tpu.memory_space<hbm>> -> memref<80x384xf32, #tpu.memory_space<hbm>>
          %dma_start3A_42 = arith.constant 0 : i32
          %dma_start3A_43 = tpu.memref_slice %arg4[%add3A_39, %dma_start3A_42] : memref<320000x384xf32, #tpu.memory_space<hbm>> -> memref<80x384xf32, #tpu.memory_space<hbm>>
          tpu.enqueue_dma source(%arg6 : memref<80x384xf32, #tpu.memory_space<vmem>>) target(%dma_start3A_43 : memref<80x384xf32, #tpu.memory_space<hbm>>) target_semaphore(%run_scoped3A : memref<!tpu.dma_semaphore, #tpu.memory_space<semaphore_mem>>)
          %dma_wait3A_44 = arith.constant 0 : i32
          %dma_wait3A_45 = tpu.memref_slice %arg4[%add3A_39, %dma_wait3A_44] : memref<320000x384xf32, #tpu.memory_space<hbm>> -> memref<80x384xf32, #tpu.memory_space<hbm>>
          %dma_wait3A_46 = arith.constant 0 : i32
          %dma_wait3A_47 = tpu.memref_slice %arg4[%add3A_39, %dma_wait3A_46] : memref<320000x384xf32, #tpu.memory_space<hbm>> -> memref<80x384xf32, #tpu.memory_space<hbm>>
          tpu.wait_dma2 semaphore(%run_scoped3A : memref<!tpu.dma_semaphore, #tpu.memory_space<semaphore_mem>>) src(%arg6 : memref<80x384xf32, #tpu.memory_space<vmem>>) dst(%dma_wait3A_47 : memref<80x384xf32, #tpu.memory_space<hbm>>)
          tpu.yield
        }) : () -> ()
      } else {
      }
      %rem3A_25 = arith.constant 2 : i32
      %rem3A_26 = arith.remsi %add3A_15, %rem3A_25 : i32
      %eq3A_27 = arith.constant 1 : i32
      %eq3A_28 = arith.cmpi eq, %rem3A_26, %eq3A_27 : i32
      %convert_element_type3A_29 = arith.extui %eq3A_28 : i1 to i32
      %cond3A_30 = arith.constant 0 : i32
      %cond3A_31 = arith.cmpi ne, %convert_element_type3A_29, %cond3A_30 : i32
      scf.if %cond3A_31 {
        %mul3A_32 = arith.constant 80 : i32
        %mul3A_33 = arith.muli %add3A_15, %mul3A_32 : i32
        %dma_wait3A = tpu.memref_slice %arg5[%mul3A_33] : memref<10000xi32, #tpu.memory_space<vmem>> -> memref<80xi32, #tpu.memory_space<vmem>>
        %dma_wait3A_34 = arith.constant 0 : i32
        %dma_wait3A_35 = arith.constant 0 : i32
        %dma_wait3A_36 = tpu.memref_slice %arg2[%dma_wait3A_34, %dma_wait3A_35] : memref<10000x384xf32, #tpu.memory_space<hbm>> -> memref<10000x384xf32, #tpu.memory_space<hbm>>
        tpu.wait_indirect_dma semaphore(%arg9 : memref<!tpu.dma_semaphore, #tpu.memory_space<semaphore_mem>>) src(%dma_wait3A_36 : memref<10000x384xf32, #tpu.memory_space<hbm>>) dst(%arg7 : memref<80x384xf32, #tpu.memory_space<vmem>>)
        %mul3A_37 = arith.constant 80 : i32
        %mul3A_38 = arith.muli %add3A_15, %mul3A_37 : i32
        %add3A_39 = arith.addi %mul3A_2, %mul3A_38 : i32
        "tpu.region"() ({
          %run_scoped3A = tpu.sem_alloc : memref<!tpu.dma_semaphore, #tpu.memory_space<semaphore_mem>>
          %dma_start3A_40 = arith.constant 0 : i32
          %dma_start3A_41 = tpu.memref_slice %arg4[%add3A_39, %dma_start3A_40] : memref<320000x384xf32, #tpu.memory_space<hbm>> -> memref<80x384xf32, #tpu.memory_space<hbm>>
          %dma_start3A_42 = arith.constant 0 : i32
          %dma_start3A_43 = tpu.memref_slice %arg4[%add3A_39, %dma_start3A_42] : memref<320000x384xf32, #tpu.memory_space<hbm>> -> memref<80x384xf32, #tpu.memory_space<hbm>>
          tpu.enqueue_dma source(%arg7 : memref<80x384xf32, #tpu.memory_space<vmem>>) target(%dma_start3A_43 : memref<80x384xf32, #tpu.memory_space<hbm>>) target_semaphore(%run_scoped3A : memref<!tpu.dma_semaphore, #tpu.memory_space<semaphore_mem>>)
          %dma_wait3A_44 = arith.constant 0 : i32
          %dma_wait3A_45 = tpu.memref_slice %arg4[%add3A_39, %dma_wait3A_44] : memref<320000x384xf32, #tpu.memory_space<hbm>> -> memref<80x384xf32, #tpu.memory_space<hbm>>
          %dma_wait3A_46 = arith.constant 0 : i32
          %dma_wait3A_47 = tpu.memref_slice %arg4[%add3A_39, %dma_wait3A_46] : memref<320000x384xf32, #tpu.memory_space<hbm>> -> memref<80x384xf32, #tpu.memory_space<hbm>>
          tpu.wait_dma2 semaphore(%run_scoped3A : memref<!tpu.dma_semaphore, #tpu.memory_space<semaphore_mem>>) src(%arg7 : memref<80x384xf32, #tpu.memory_space<vmem>>) dst(%dma_wait3A_47 : memref<80x384xf32, #tpu.memory_space<hbm>>)
          tpu.yield
        }) : () -> ()
      } else {
      }
    }
    %scan3A_10 = arith.constant 125 : i32
    return
  }
}

#map = affine_map<(d0, d1) -> (0, 0, 0)>
#map1 = affine_map<(d0, d1) -> (0, 0)>
module attributes {stable_mosaic.version = 14 : i64} {
  func.func @_scatter_body(%arg0: i32, %arg1: i32, %arg2: memref<4x327680x128xf32, #tpu.memory_space<hbm>>, %arg3: memref<2560x128xi32, #tpu.memory_space<hbm>>, %arg4: memref<640x128xf32, #tpu.memory_space<hbm>>, %arg5: memref<4x10240x128xf32, #tpu.memory_space<hbm>>, %arg6: memref<10240x128xf32, #tpu.memory_space<vmem_shared>>, %arg7: memref<32x128xi32, #tpu.memory_space<vmem>>, %arg8: memref<128x128xf32, #tpu.memory_space<vmem>>, %arg9: memref<128x128xf32, #tpu.memory_space<vmem>>, %arg10: memref<!tpu.dma_semaphore, #tpu.memory_space<semaphore_mem>>, %arg11: memref<!tpu.dma_semaphore, #tpu.memory_space<semaphore_mem>>) attributes {dimension_semantics = [#tpu.dimension_semantics<core_parallel>, #tpu.dimension_semantics<subcore_parallel>], iteration_bounds = array<i64: 2, 16>, scalar_prefetch = 0 : i64, scratch_operands = 6 : i64, tpu.core_type = #tpu.core_type<sc_vector_subcore>, window_params = [{transform_indices = #map}, {transform_indices = #map1}, {transform_indices = #map1}, {transform_indices = #map}]} {
    %mul3A = arith.constant 2 : i32
    %mul3A_0 = arith.muli %mul3A, %arg0 : i32
    %add3A = arith.constant 0 : i32
    %add3A_1 = arith.addi %mul3A_0, %add3A : i32
    %mul3A_2 = arith.constant 640 : i32
    %mul3A_3 = arith.muli %arg1, %mul3A_2 : i32
    "tpu.region"() ({
      %run_scoped3A = tpu.sem_alloc : memref<!tpu.dma_semaphore, #tpu.memory_space<semaphore_mem>>
      %dma_start3A = arith.constant 0 : i32
      %dma_start3A_32 = tpu.memref_slice %arg6[%mul3A_3, %dma_start3A] : memref<10240x128xf32, #tpu.memory_space<vmem_shared>> -> memref<640x128xf32, #tpu.memory_space<vmem_shared>>
      tpu.enqueue_dma source(%arg4 : memref<640x128xf32, #tpu.memory_space<hbm>>) target(%dma_start3A_32 : memref<640x128xf32, #tpu.memory_space<vmem_shared>>) target_semaphore(%run_scoped3A : memref<!tpu.dma_semaphore, #tpu.memory_space<semaphore_mem>>)
      %dma_wait3A = arith.constant 0 : i32
      %dma_wait3A_33 = tpu.memref_slice %arg6[%mul3A_3, %dma_wait3A] : memref<10240x128xf32, #tpu.memory_space<vmem_shared>> -> memref<640x128xf32, #tpu.memory_space<vmem_shared>>
      tpu.wait_dma2 semaphore(%run_scoped3A : memref<!tpu.dma_semaphore, #tpu.memory_space<semaphore_mem>>) src(%arg4 : memref<640x128xf32, #tpu.memory_space<hbm>>) dst(%dma_wait3A_33 : memref<640x128xf32, #tpu.memory_space<vmem_shared>>)
      tpu.yield
    }) : () -> ()
    %barrier3A = arith.constant 0 : index
    tpu.barrier barrier_id(%barrier3A)
    %scan3A = arith.constant 0 : i32
    %scan3A_4 = arith.constant 5 : i32
    %scan3A_5 = arith.addi %scan3A, %scan3A_4 : i32
    %scan3A_6 = arith.constant 1 : i32
    scf.for %scan3A_32 = %scan3A to %scan3A_5 step %scan3A_6  : i32 {
      %mul3A_33 = arith.constant 1 : i32
      %mul3A_34 = arith.muli %scan3A_32, %mul3A_33 : i32
      %add3A_35 = arith.constant 0 : i32
      %add3A_36 = arith.addi %add3A_35, %mul3A_34 : i32
      %mul3A_37 = arith.constant 160 : i32
      %mul3A_38 = arith.muli %arg1, %mul3A_37 : i32
      %mul3A_39 = arith.constant 32 : i32
      %mul3A_40 = arith.muli %add3A_36, %mul3A_39 : i32
      %add3A_41 = arith.addi %mul3A_38, %mul3A_40 : i32
      "tpu.region"() ({
        %run_scoped3A = tpu.sem_alloc : memref<!tpu.dma_semaphore, #tpu.memory_space<semaphore_mem>>
        %dma_start3A_59 = arith.constant 0 : i32
        %dma_start3A_60 = tpu.memref_slice %arg3[%add3A_41, %dma_start3A_59] : memref<2560x128xi32, #tpu.memory_space<hbm>> -> memref<32x128xi32, #tpu.memory_space<hbm>>
        %dma_start3A_61 = arith.constant 0 : i32
        %dma_start3A_62 = tpu.memref_slice %arg3[%add3A_41, %dma_start3A_61] : memref<2560x128xi32, #tpu.memory_space<hbm>> -> memref<32x128xi32, #tpu.memory_space<hbm>>
        tpu.enqueue_dma source(%dma_start3A_62 : memref<32x128xi32, #tpu.memory_space<hbm>>) target(%arg7 : memref<32x128xi32, #tpu.memory_space<vmem>>) target_semaphore(%run_scoped3A : memref<!tpu.dma_semaphore, #tpu.memory_space<semaphore_mem>>)
        %dma_wait3A = arith.constant 0 : i32
        %dma_wait3A_63 = tpu.memref_slice %arg3[%add3A_41, %dma_wait3A] : memref<2560x128xi32, #tpu.memory_space<hbm>> -> memref<32x128xi32, #tpu.memory_space<hbm>>
        %dma_wait3A_64 = arith.constant 0 : i32
        %dma_wait3A_65 = tpu.memref_slice %arg3[%add3A_41, %dma_wait3A_64] : memref<2560x128xi32, #tpu.memory_space<hbm>> -> memref<32x128xi32, #tpu.memory_space<hbm>>
        tpu.wait_dma2 semaphore(%run_scoped3A : memref<!tpu.dma_semaphore, #tpu.memory_space<semaphore_mem>>) src(%dma_wait3A_65 : memref<32x128xi32, #tpu.memory_space<hbm>>) dst(%arg7 : memref<32x128xi32, #tpu.memory_space<vmem>>)
        tpu.yield
      }) : () -> ()
      %mul3A_42 = arith.constant 32 : i32
      %mul3A_43 = arith.muli %add3A_36, %mul3A_42 : i32
      %mul3A_44 = arith.constant 20480 : i32
      %mul3A_45 = arith.muli %arg1, %mul3A_44 : i32
      %mul3A_46 = arith.constant 128 : i32
      %mul3A_47 = arith.muli %mul3A_43, %mul3A_46 : i32
      %add3A_48 = arith.addi %mul3A_45, %mul3A_47 : i32
      %dma_start3A = arith.constant 0 : i32
      %dma_start3A_49 = tpu.memref_slice %arg2[%add3A_1, %add3A_48, %dma_start3A] : memref<4x327680x128xf32, #tpu.memory_space<hbm>> -> memref<1x128x128xf32, #tpu.memory_space<hbm>>
      %dma_start3A_50 = tpu.memref_squeeze %dma_start3A_49 : memref<1x128x128xf32, #tpu.memory_space<hbm>> -> memref<128x128xf32, #tpu.memory_space<hbm>>
      %dma_start3A_51 = arith.constant 0 : i32
      %dma_start3A_52 = tpu.memref_slice %arg2[%add3A_1, %add3A_48, %dma_start3A_51] : memref<4x327680x128xf32, #tpu.memory_space<hbm>> -> memref<1x128x128xf32, #tpu.memory_space<hbm>>
      %dma_start3A_53 = tpu.memref_squeeze %dma_start3A_52 : memref<1x128x128xf32, #tpu.memory_space<hbm>> -> memref<128x128xf32, #tpu.memory_space<hbm>>
      tpu.enqueue_dma source(%dma_start3A_53 : memref<128x128xf32, #tpu.memory_space<hbm>>) target(%arg8 : memref<128x128xf32, #tpu.memory_space<vmem>>) target_semaphore(%arg10 : memref<!tpu.dma_semaphore, #tpu.memory_space<semaphore_mem>>)
      %scan3A_54 = arith.constant 0 : i32
      %scan3A_55 = arith.constant 32 : i32
      %scan3A_56 = arith.addi %scan3A_54, %scan3A_55 : i32
      %scan3A_57 = arith.constant 1 : i32
      scf.for %scan3A_59 = %scan3A_54 to %scan3A_56 step %scan3A_57  : i32 {
        %mul3A_60 = arith.constant 1 : i32
        %mul3A_61 = arith.muli %scan3A_59, %mul3A_60 : i32
        %add3A_62 = arith.constant 0 : i32
        %add3A_63 = arith.addi %add3A_62, %mul3A_61 : i32
        %add3A_64 = arith.addi %mul3A_43, %add3A_63 : i32
        %add3A_65 = arith.constant 1 : i32
        %add3A_66 = arith.addi %add3A_64, %add3A_65 : i32
        %lt3A = arith.constant 160 : i32
        %lt3A_67 = arith.cmpi slt, %add3A_66, %lt3A : i32
        %add3A_68 = arith.constant 1 : i32
        %add3A_69 = arith.addi %add3A_63, %add3A_68 : i32
        %lt3A_70 = arith.constant 32 : i32
        %lt3A_71 = arith.cmpi slt, %add3A_69, %lt3A_70 : i32
        %and3A = arith.andi %lt3A_67, %lt3A_71 : i1
        %convert_element_type3A = arith.extui %and3A : i1 to i32
        %cond3A = arith.constant 0 : i32
        %cond3A_72 = arith.cmpi ne, %convert_element_type3A, %cond3A : i32
        scf.if %cond3A_72 {
          %rem3A_85 = arith.constant 2 : i32
          %rem3A_86 = arith.remsi %add3A_66, %rem3A_85 : i32
          %eq3A_87 = arith.constant 0 : i32
          %eq3A_88 = arith.cmpi eq, %rem3A_86, %eq3A_87 : i32
          %convert_element_type3A_89 = arith.extui %eq3A_88 : i1 to i32
          %cond3A_90 = arith.constant 0 : i32
          %cond3A_91 = arith.cmpi ne, %convert_element_type3A_89, %cond3A_90 : i32
          scf.if %cond3A_91 {
            %mul3A_99 = arith.constant 20480 : i32
            %mul3A_100 = arith.muli %arg1, %mul3A_99 : i32
            %mul3A_101 = arith.constant 128 : i32
            %mul3A_102 = arith.muli %add3A_66, %mul3A_101 : i32
            %add3A_103 = arith.addi %mul3A_100, %mul3A_102 : i32
            %dma_start3A_104 = arith.constant 0 : i32
            %dma_start3A_105 = tpu.memref_slice %arg2[%add3A_1, %add3A_103, %dma_start3A_104] : memref<4x327680x128xf32, #tpu.memory_space<hbm>> -> memref<1x128x128xf32, #tpu.memory_space<hbm>>
            %dma_start3A_106 = tpu.memref_squeeze %dma_start3A_105 : memref<1x128x128xf32, #tpu.memory_space<hbm>> -> memref<128x128xf32, #tpu.memory_space<hbm>>
            %dma_start3A_107 = arith.constant 0 : i32
            %dma_start3A_108 = tpu.memref_slice %arg2[%add3A_1, %add3A_103, %dma_start3A_107] : memref<4x327680x128xf32, #tpu.memory_space<hbm>> -> memref<1x128x128xf32, #tpu.memory_space<hbm>>
            %dma_start3A_109 = tpu.memref_squeeze %dma_start3A_108 : memref<1x128x128xf32, #tpu.memory_space<hbm>> -> memref<128x128xf32, #tpu.memory_space<hbm>>
            tpu.enqueue_dma source(%dma_start3A_109 : memref<128x128xf32, #tpu.memory_space<hbm>>) target(%arg8 : memref<128x128xf32, #tpu.memory_space<vmem>>) target_semaphore(%arg10 : memref<!tpu.dma_semaphore, #tpu.memory_space<semaphore_mem>>)
          } else {
          }
          %rem3A_92 = arith.constant 2 : i32
          %rem3A_93 = arith.remsi %add3A_66, %rem3A_92 : i32
          %eq3A_94 = arith.constant 1 : i32
          %eq3A_95 = arith.cmpi eq, %rem3A_93, %eq3A_94 : i32
          %convert_element_type3A_96 = arith.extui %eq3A_95 : i1 to i32
          %cond3A_97 = arith.constant 0 : i32
          %cond3A_98 = arith.cmpi ne, %convert_element_type3A_96, %cond3A_97 : i32
          scf.if %cond3A_98 {
            %mul3A_99 = arith.constant 20480 : i32
            %mul3A_100 = arith.muli %arg1, %mul3A_99 : i32
            %mul3A_101 = arith.constant 128 : i32
            %mul3A_102 = arith.muli %add3A_66, %mul3A_101 : i32
            %add3A_103 = arith.addi %mul3A_100, %mul3A_102 : i32
            %dma_start3A_104 = arith.constant 0 : i32
            %dma_start3A_105 = tpu.memref_slice %arg2[%add3A_1, %add3A_103, %dma_start3A_104] : memref<4x327680x128xf32, #tpu.memory_space<hbm>> -> memref<1x128x128xf32, #tpu.memory_space<hbm>>
            %dma_start3A_106 = tpu.memref_squeeze %dma_start3A_105 : memref<1x128x128xf32, #tpu.memory_space<hbm>> -> memref<128x128xf32, #tpu.memory_space<hbm>>
            %dma_start3A_107 = arith.constant 0 : i32
            %dma_start3A_108 = tpu.memref_slice %arg2[%add3A_1, %add3A_103, %dma_start3A_107] : memref<4x327680x128xf32, #tpu.memory_space<hbm>> -> memref<1x128x128xf32, #tpu.memory_space<hbm>>
            %dma_start3A_109 = tpu.memref_squeeze %dma_start3A_108 : memref<1x128x128xf32, #tpu.memory_space<hbm>> -> memref<128x128xf32, #tpu.memory_space<hbm>>
            tpu.enqueue_dma source(%dma_start3A_109 : memref<128x128xf32, #tpu.memory_space<hbm>>) target(%arg9 : memref<128x128xf32, #tpu.memory_space<vmem>>) target_semaphore(%arg11 : memref<!tpu.dma_semaphore, #tpu.memory_space<semaphore_mem>>)
          } else {
          }
        } else {
        }
        %rem3A = arith.constant 2 : i32
        %rem3A_73 = arith.remsi %add3A_64, %rem3A : i32
        %eq3A = arith.constant 0 : i32
        %eq3A_74 = arith.cmpi eq, %rem3A_73, %eq3A : i32
        %convert_element_type3A_75 = arith.extui %eq3A_74 : i1 to i32
        %cond3A_76 = arith.constant 0 : i32
        %cond3A_77 = arith.cmpi ne, %convert_element_type3A_75, %cond3A_76 : i32
        scf.if %cond3A_77 {
          %mul3A_85 = arith.constant 20480 : i32
          %mul3A_86 = arith.muli %arg1, %mul3A_85 : i32
          %mul3A_87 = arith.constant 128 : i32
          %mul3A_88 = arith.muli %add3A_64, %mul3A_87 : i32
          %add3A_89 = arith.addi %mul3A_86, %mul3A_88 : i32
          %dma_wait3A = arith.constant 0 : i32
          %dma_wait3A_90 = tpu.memref_slice %arg2[%add3A_1, %add3A_89, %dma_wait3A] : memref<4x327680x128xf32, #tpu.memory_space<hbm>> -> memref<1x128x128xf32, #tpu.memory_space<hbm>>
          %dma_wait3A_91 = tpu.memref_squeeze %dma_wait3A_90 : memref<1x128x128xf32, #tpu.memory_space<hbm>> -> memref<128x128xf32, #tpu.memory_space<hbm>>
          %dma_wait3A_92 = arith.constant 0 : i32
          %dma_wait3A_93 = tpu.memref_slice %arg2[%add3A_1, %add3A_89, %dma_wait3A_92] : memref<4x327680x128xf32, #tpu.memory_space<hbm>> -> memref<1x128x128xf32, #tpu.memory_space<hbm>>
          %dma_wait3A_94 = tpu.memref_squeeze %dma_wait3A_93 : memref<1x128x128xf32, #tpu.memory_space<hbm>> -> memref<128x128xf32, #tpu.memory_space<hbm>>
          tpu.wait_dma2 semaphore(%arg10 : memref<!tpu.dma_semaphore, #tpu.memory_space<semaphore_mem>>) src(%dma_wait3A_94 : memref<128x128xf32, #tpu.memory_space<hbm>>) dst(%arg8 : memref<128x128xf32, #tpu.memory_space<vmem>>)
          "tpu.region"() ({
            %run_scoped3A = tpu.sem_alloc : memref<!tpu.dma_semaphore, #tpu.memory_space<semaphore_mem>>
            %dma_start3A_95 = arith.constant 0 : i32
            %dma_start3A_96 = tpu.memref_slice %arg7[%add3A_63, %dma_start3A_95] : memref<32x128xi32, #tpu.memory_space<vmem>> -> memref<1x128xi32, #tpu.memory_space<vmem>>
            %dma_start3A_97 = tpu.memref_squeeze %dma_start3A_96 : memref<1x128xi32, #tpu.memory_space<vmem>> -> memref<128xi32, #tpu.memory_space<vmem>>
            %dma_start3A_98 = arith.constant 0 : i32
            %dma_start3A_99 = arith.constant 0 : i32
            %dma_start3A_100 = tpu.memref_slice %arg6[%dma_start3A_98, %dma_start3A_99] : memref<10240x128xf32, #tpu.memory_space<vmem_shared>> -> memref<10240x128xf32, #tpu.memory_space<vmem_shared>>
            tpu.enqueue_indirect_dma source(%arg8 : memref<128x128xf32, #tpu.memory_space<vmem>>) target(%dma_start3A_100 : memref<10240x128xf32, #tpu.memory_space<vmem_shared>>) offsets(%dma_start3A_97 : memref<128xi32, #tpu.memory_space<vmem>>) semaphore(%run_scoped3A : memref<!tpu.dma_semaphore, #tpu.memory_space<semaphore_mem>>) {add = true}
            %dma_wait3A_101 = arith.constant 0 : i32
            %dma_wait3A_102 = tpu.memref_slice %arg7[%add3A_63, %dma_wait3A_101] : memref<32x128xi32, #tpu.memory_space<vmem>> -> memref<1x128xi32, #tpu.memory_space<vmem>>
            %dma_wait3A_103 = tpu.memref_squeeze %dma_wait3A_102 : memref<1x128xi32, #tpu.memory_space<vmem>> -> memref<128xi32, #tpu.memory_space<vmem>>
            %dma_wait3A_104 = arith.constant 0 : i32
            %dma_wait3A_105 = arith.constant 0 : i32
            %dma_wait3A_106 = tpu.memref_slice %arg6[%dma_wait3A_104, %dma_wait3A_105] : memref<10240x128xf32, #tpu.memory_space<vmem_shared>> -> memref<10240x128xf32, #tpu.memory_space<vmem_shared>>
            tpu.wait_indirect_dma semaphore(%run_scoped3A : memref<!tpu.dma_semaphore, #tpu.memory_space<semaphore_mem>>) src(%arg8 : memref<128x128xf32, #tpu.memory_space<vmem>>) dst(%dma_wait3A_106 : memref<10240x128xf32, #tpu.memory_space<vmem_shared>>)
            tpu.yield
          }) : () -> ()
        } else {
        }
        %rem3A_78 = arith.constant 2 : i32
        %rem3A_79 = arith.remsi %add3A_64, %rem3A_78 : i32
        %eq3A_80 = arith.constant 1 : i32
        %eq3A_81 = arith.cmpi eq, %rem3A_79, %eq3A_80 : i32
        %convert_element_type3A_82 = arith.extui %eq3A_81 : i1 to i32
        %cond3A_83 = arith.constant 0 : i32
        %cond3A_84 = arith.cmpi ne, %convert_element_type3A_82, %cond3A_83 : i32
        scf.if %cond3A_84 {
          %mul3A_85 = arith.constant 20480 : i32
          %mul3A_86 = arith.muli %arg1, %mul3A_85 : i32
          %mul3A_87 = arith.constant 128 : i32
          %mul3A_88 = arith.muli %add3A_64, %mul3A_87 : i32
          %add3A_89 = arith.addi %mul3A_86, %mul3A_88 : i32
          %dma_wait3A = arith.constant 0 : i32
          %dma_wait3A_90 = tpu.memref_slice %arg2[%add3A_1, %add3A_89, %dma_wait3A] : memref<4x327680x128xf32, #tpu.memory_space<hbm>> -> memref<1x128x128xf32, #tpu.memory_space<hbm>>
          %dma_wait3A_91 = tpu.memref_squeeze %dma_wait3A_90 : memref<1x128x128xf32, #tpu.memory_space<hbm>> -> memref<128x128xf32, #tpu.memory_space<hbm>>
          %dma_wait3A_92 = arith.constant 0 : i32
          %dma_wait3A_93 = tpu.memref_slice %arg2[%add3A_1, %add3A_89, %dma_wait3A_92] : memref<4x327680x128xf32, #tpu.memory_space<hbm>> -> memref<1x128x128xf32, #tpu.memory_space<hbm>>
          %dma_wait3A_94 = tpu.memref_squeeze %dma_wait3A_93 : memref<1x128x128xf32, #tpu.memory_space<hbm>> -> memref<128x128xf32, #tpu.memory_space<hbm>>
          tpu.wait_dma2 semaphore(%arg11 : memref<!tpu.dma_semaphore, #tpu.memory_space<semaphore_mem>>) src(%dma_wait3A_94 : memref<128x128xf32, #tpu.memory_space<hbm>>) dst(%arg9 : memref<128x128xf32, #tpu.memory_space<vmem>>)
          "tpu.region"() ({
            %run_scoped3A = tpu.sem_alloc : memref<!tpu.dma_semaphore, #tpu.memory_space<semaphore_mem>>
            %dma_start3A_95 = arith.constant 0 : i32
            %dma_start3A_96 = tpu.memref_slice %arg7[%add3A_63, %dma_start3A_95] : memref<32x128xi32, #tpu.memory_space<vmem>> -> memref<1x128xi32, #tpu.memory_space<vmem>>
            %dma_start3A_97 = tpu.memref_squeeze %dma_start3A_96 : memref<1x128xi32, #tpu.memory_space<vmem>> -> memref<128xi32, #tpu.memory_space<vmem>>
            %dma_start3A_98 = arith.constant 0 : i32
            %dma_start3A_99 = arith.constant 0 : i32
            %dma_start3A_100 = tpu.memref_slice %arg6[%dma_start3A_98, %dma_start3A_99] : memref<10240x128xf32, #tpu.memory_space<vmem_shared>> -> memref<10240x128xf32, #tpu.memory_space<vmem_shared>>
            tpu.enqueue_indirect_dma source(%arg9 : memref<128x128xf32, #tpu.memory_space<vmem>>) target(%dma_start3A_100 : memref<10240x128xf32, #tpu.memory_space<vmem_shared>>) offsets(%dma_start3A_97 : memref<128xi32, #tpu.memory_space<vmem>>) semaphore(%run_scoped3A : memref<!tpu.dma_semaphore, #tpu.memory_space<semaphore_mem>>) {add = true}
            %dma_wait3A_101 = arith.constant 0 : i32
            %dma_wait3A_102 = tpu.memref_slice %arg7[%add3A_63, %dma_wait3A_101] : memref<32x128xi32, #tpu.memory_space<vmem>> -> memref<1x128xi32, #tpu.memory_space<vmem>>
            %dma_wait3A_103 = tpu.memref_squeeze %dma_wait3A_102 : memref<1x128xi32, #tpu.memory_space<vmem>> -> memref<128xi32, #tpu.memory_space<vmem>>
            %dma_wait3A_104 = arith.constant 0 : i32
            %dma_wait3A_105 = arith.constant 0 : i32
            %dma_wait3A_106 = tpu.memref_slice %arg6[%dma_wait3A_104, %dma_wait3A_105] : memref<10240x128xf32, #tpu.memory_space<vmem_shared>> -> memref<10240x128xf32, #tpu.memory_space<vmem_shared>>
            tpu.wait_indirect_dma semaphore(%run_scoped3A : memref<!tpu.dma_semaphore, #tpu.memory_space<semaphore_mem>>) src(%arg9 : memref<128x128xf32, #tpu.memory_space<vmem>>) dst(%dma_wait3A_106 : memref<10240x128xf32, #tpu.memory_space<vmem_shared>>)
            tpu.yield
          }) : () -> ()
        } else {
        }
      }
      %scan3A_58 = arith.constant 32 : i32
    }
    %scan3A_7 = arith.constant 5 : i32
    %barrier3A_8 = arith.constant 0 : index
    tpu.barrier barrier_id(%barrier3A_8)
    %mul3A_9 = arith.constant 640 : i32
    %mul3A_10 = arith.muli %arg1, %mul3A_9 : i32
    %mul3A_11 = arith.constant 640 : i32
    %mul3A_12 = arith.muli %arg1, %mul3A_11 : i32
    "tpu.region"() ({
      %run_scoped3A = tpu.sem_alloc : memref<!tpu.dma_semaphore, #tpu.memory_space<semaphore_mem>>
      %dma_start3A = arith.constant 0 : i32
      %dma_start3A_32 = tpu.memref_slice %arg5[%add3A_1, %mul3A_12, %dma_start3A] : memref<4x10240x128xf32, #tpu.memory_space<hbm>> -> memref<1x640x128xf32, #tpu.memory_space<hbm>>
      %dma_start3A_33 = tpu.memref_squeeze %dma_start3A_32 : memref<1x640x128xf32, #tpu.memory_space<hbm>> -> memref<640x128xf32, #tpu.memory_space<hbm>>
      %dma_start3A_34 = arith.constant 0 : i32
      %dma_start3A_35 = tpu.memref_slice %arg6[%mul3A_10, %dma_start3A_34] : memref<10240x128xf32, #tpu.memory_space<vmem_shared>> -> memref<640x128xf32, #tpu.memory_space<vmem_shared>>
      tpu.enqueue_dma source(%dma_start3A_35 : memref<640x128xf32, #tpu.memory_space<vmem_shared>>) target(%dma_start3A_33 : memref<640x128xf32, #tpu.memory_space<hbm>>) target_semaphore(%run_scoped3A : memref<!tpu.dma_semaphore, #tpu.memory_space<semaphore_mem>>)
      %dma_wait3A = arith.constant 0 : i32
      %dma_wait3A_36 = tpu.memref_slice %arg5[%add3A_1, %mul3A_12, %dma_wait3A] : memref<4x10240x128xf32, #tpu.memory_space<hbm>> -> memref<1x640x128xf32, #tpu.memory_space<hbm>>
      %dma_wait3A_37 = tpu.memref_squeeze %dma_wait3A_36 : memref<1x640x128xf32, #tpu.memory_space<hbm>> -> memref<640x128xf32, #tpu.memory_space<hbm>>
      %dma_wait3A_38 = arith.constant 0 : i32
      %dma_wait3A_39 = tpu.memref_slice %arg6[%mul3A_10, %dma_wait3A_38] : memref<10240x128xf32, #tpu.memory_space<vmem_shared>> -> memref<640x128xf32, #tpu.memory_space<vmem_shared>>
      tpu.wait_dma2 semaphore(%run_scoped3A : memref<!tpu.dma_semaphore, #tpu.memory_space<semaphore_mem>>) src(%dma_wait3A_39 : memref<640x128xf32, #tpu.memory_space<vmem_shared>>) dst(%dma_wait3A_37 : memref<640x128xf32, #tpu.memory_space<hbm>>)
      tpu.yield
    }) : () -> ()
    %barrier3A_13 = arith.constant 0 : index
    tpu.barrier barrier_id(%barrier3A_13)
    %mul3A_14 = arith.constant 2 : i32
    %mul3A_15 = arith.muli %mul3A_14, %arg0 : i32
    %add3A_16 = arith.constant 1 : i32
    %add3A_17 = arith.addi %mul3A_15, %add3A_16 : i32
    %mul3A_18 = arith.constant 640 : i32
    %mul3A_19 = arith.muli %arg1, %mul3A_18 : i32
    "tpu.region"() ({
      %run_scoped3A = tpu.sem_alloc : memref<!tpu.dma_semaphore, #tpu.memory_space<semaphore_mem>>
      %dma_start3A = arith.constant 0 : i32
      %dma_start3A_32 = tpu.memref_slice %arg6[%mul3A_19, %dma_start3A] : memref<10240x128xf32, #tpu.memory_space<vmem_shared>> -> memref<640x128xf32, #tpu.memory_space<vmem_shared>>
      tpu.enqueue_dma source(%arg4 : memref<640x128xf32, #tpu.memory_space<hbm>>) target(%dma_start3A_32 : memref<640x128xf32, #tpu.memory_space<vmem_shared>>) target_semaphore(%run_scoped3A : memref<!tpu.dma_semaphore, #tpu.memory_space<semaphore_mem>>)
      %dma_wait3A = arith.constant 0 : i32
      %dma_wait3A_33 = tpu.memref_slice %arg6[%mul3A_19, %dma_wait3A] : memref<10240x128xf32, #tpu.memory_space<vmem_shared>> -> memref<640x128xf32, #tpu.memory_space<vmem_shared>>
      tpu.wait_dma2 semaphore(%run_scoped3A : memref<!tpu.dma_semaphore, #tpu.memory_space<semaphore_mem>>) src(%arg4 : memref<640x128xf32, #tpu.memory_space<hbm>>) dst(%dma_wait3A_33 : memref<640x128xf32, #tpu.memory_space<vmem_shared>>)
      tpu.yield
    }) : () -> ()
    %barrier3A_20 = arith.constant 0 : index
    tpu.barrier barrier_id(%barrier3A_20)
    %scan3A_21 = arith.constant 0 : i32
    %scan3A_22 = arith.constant 5 : i32
    %scan3A_23 = arith.addi %scan3A_21, %scan3A_22 : i32
    %scan3A_24 = arith.constant 1 : i32
    scf.for %scan3A_32 = %scan3A_21 to %scan3A_23 step %scan3A_24  : i32 {
      %mul3A_33 = arith.constant 1 : i32
      %mul3A_34 = arith.muli %scan3A_32, %mul3A_33 : i32
      %add3A_35 = arith.constant 0 : i32
      %add3A_36 = arith.addi %add3A_35, %mul3A_34 : i32
      %mul3A_37 = arith.constant 160 : i32
      %mul3A_38 = arith.muli %arg1, %mul3A_37 : i32
      %mul3A_39 = arith.constant 32 : i32
      %mul3A_40 = arith.muli %add3A_36, %mul3A_39 : i32
      %add3A_41 = arith.addi %mul3A_38, %mul3A_40 : i32
      "tpu.region"() ({
        %run_scoped3A = tpu.sem_alloc : memref<!tpu.dma_semaphore, #tpu.memory_space<semaphore_mem>>
        %dma_start3A_59 = arith.constant 0 : i32
        %dma_start3A_60 = tpu.memref_slice %arg3[%add3A_41, %dma_start3A_59] : memref<2560x128xi32, #tpu.memory_space<hbm>> -> memref<32x128xi32, #tpu.memory_space<hbm>>
        %dma_start3A_61 = arith.constant 0 : i32
        %dma_start3A_62 = tpu.memref_slice %arg3[%add3A_41, %dma_start3A_61] : memref<2560x128xi32, #tpu.memory_space<hbm>> -> memref<32x128xi32, #tpu.memory_space<hbm>>
        tpu.enqueue_dma source(%dma_start3A_62 : memref<32x128xi32, #tpu.memory_space<hbm>>) target(%arg7 : memref<32x128xi32, #tpu.memory_space<vmem>>) target_semaphore(%run_scoped3A : memref<!tpu.dma_semaphore, #tpu.memory_space<semaphore_mem>>)
        %dma_wait3A = arith.constant 0 : i32
        %dma_wait3A_63 = tpu.memref_slice %arg3[%add3A_41, %dma_wait3A] : memref<2560x128xi32, #tpu.memory_space<hbm>> -> memref<32x128xi32, #tpu.memory_space<hbm>>
        %dma_wait3A_64 = arith.constant 0 : i32
        %dma_wait3A_65 = tpu.memref_slice %arg3[%add3A_41, %dma_wait3A_64] : memref<2560x128xi32, #tpu.memory_space<hbm>> -> memref<32x128xi32, #tpu.memory_space<hbm>>
        tpu.wait_dma2 semaphore(%run_scoped3A : memref<!tpu.dma_semaphore, #tpu.memory_space<semaphore_mem>>) src(%dma_wait3A_65 : memref<32x128xi32, #tpu.memory_space<hbm>>) dst(%arg7 : memref<32x128xi32, #tpu.memory_space<vmem>>)
        tpu.yield
      }) : () -> ()
      %mul3A_42 = arith.constant 32 : i32
      %mul3A_43 = arith.muli %add3A_36, %mul3A_42 : i32
      %mul3A_44 = arith.constant 20480 : i32
      %mul3A_45 = arith.muli %arg1, %mul3A_44 : i32
      %mul3A_46 = arith.constant 128 : i32
      %mul3A_47 = arith.muli %mul3A_43, %mul3A_46 : i32
      %add3A_48 = arith.addi %mul3A_45, %mul3A_47 : i32
      %dma_start3A = arith.constant 0 : i32
      %dma_start3A_49 = tpu.memref_slice %arg2[%add3A_17, %add3A_48, %dma_start3A] : memref<4x327680x128xf32, #tpu.memory_space<hbm>> -> memref<1x128x128xf32, #tpu.memory_space<hbm>>
      %dma_start3A_50 = tpu.memref_squeeze %dma_start3A_49 : memref<1x128x128xf32, #tpu.memory_space<hbm>> -> memref<128x128xf32, #tpu.memory_space<hbm>>
      %dma_start3A_51 = arith.constant 0 : i32
      %dma_start3A_52 = tpu.memref_slice %arg2[%add3A_17, %add3A_48, %dma_start3A_51] : memref<4x327680x128xf32, #tpu.memory_space<hbm>> -> memref<1x128x128xf32, #tpu.memory_space<hbm>>
      %dma_start3A_53 = tpu.memref_squeeze %dma_start3A_52 : memref<1x128x128xf32, #tpu.memory_space<hbm>> -> memref<128x128xf32, #tpu.memory_space<hbm>>
      tpu.enqueue_dma source(%dma_start3A_53 : memref<128x128xf32, #tpu.memory_space<hbm>>) target(%arg8 : memref<128x128xf32, #tpu.memory_space<vmem>>) target_semaphore(%arg10 : memref<!tpu.dma_semaphore, #tpu.memory_space<semaphore_mem>>)
      %scan3A_54 = arith.constant 0 : i32
      %scan3A_55 = arith.constant 32 : i32
      %scan3A_56 = arith.addi %scan3A_54, %scan3A_55 : i32
      %scan3A_57 = arith.constant 1 : i32
      scf.for %scan3A_59 = %scan3A_54 to %scan3A_56 step %scan3A_57  : i32 {
        %mul3A_60 = arith.constant 1 : i32
        %mul3A_61 = arith.muli %scan3A_59, %mul3A_60 : i32
        %add3A_62 = arith.constant 0 : i32
        %add3A_63 = arith.addi %add3A_62, %mul3A_61 : i32
        %add3A_64 = arith.addi %mul3A_43, %add3A_63 : i32
        %add3A_65 = arith.constant 1 : i32
        %add3A_66 = arith.addi %add3A_64, %add3A_65 : i32
        %lt3A = arith.constant 160 : i32
        %lt3A_67 = arith.cmpi slt, %add3A_66, %lt3A : i32
        %add3A_68 = arith.constant 1 : i32
        %add3A_69 = arith.addi %add3A_63, %add3A_68 : i32
        %lt3A_70 = arith.constant 32 : i32
        %lt3A_71 = arith.cmpi slt, %add3A_69, %lt3A_70 : i32
        %and3A = arith.andi %lt3A_67, %lt3A_71 : i1
        %convert_element_type3A = arith.extui %and3A : i1 to i32
        %cond3A = arith.constant 0 : i32
        %cond3A_72 = arith.cmpi ne, %convert_element_type3A, %cond3A : i32
        scf.if %cond3A_72 {
          %rem3A_85 = arith.constant 2 : i32
          %rem3A_86 = arith.remsi %add3A_66, %rem3A_85 : i32
          %eq3A_87 = arith.constant 0 : i32
          %eq3A_88 = arith.cmpi eq, %rem3A_86, %eq3A_87 : i32
          %convert_element_type3A_89 = arith.extui %eq3A_88 : i1 to i32
          %cond3A_90 = arith.constant 0 : i32
          %cond3A_91 = arith.cmpi ne, %convert_element_type3A_89, %cond3A_90 : i32
          scf.if %cond3A_91 {
            %mul3A_99 = arith.constant 20480 : i32
            %mul3A_100 = arith.muli %arg1, %mul3A_99 : i32
            %mul3A_101 = arith.constant 128 : i32
            %mul3A_102 = arith.muli %add3A_66, %mul3A_101 : i32
            %add3A_103 = arith.addi %mul3A_100, %mul3A_102 : i32
            %dma_start3A_104 = arith.constant 0 : i32
            %dma_start3A_105 = tpu.memref_slice %arg2[%add3A_17, %add3A_103, %dma_start3A_104] : memref<4x327680x128xf32, #tpu.memory_space<hbm>> -> memref<1x128x128xf32, #tpu.memory_space<hbm>>
            %dma_start3A_106 = tpu.memref_squeeze %dma_start3A_105 : memref<1x128x128xf32, #tpu.memory_space<hbm>> -> memref<128x128xf32, #tpu.memory_space<hbm>>
            %dma_start3A_107 = arith.constant 0 : i32
            %dma_start3A_108 = tpu.memref_slice %arg2[%add3A_17, %add3A_103, %dma_start3A_107] : memref<4x327680x128xf32, #tpu.memory_space<hbm>> -> memref<1x128x128xf32, #tpu.memory_space<hbm>>
            %dma_start3A_109 = tpu.memref_squeeze %dma_start3A_108 : memref<1x128x128xf32, #tpu.memory_space<hbm>> -> memref<128x128xf32, #tpu.memory_space<hbm>>
            tpu.enqueue_dma source(%dma_start3A_109 : memref<128x128xf32, #tpu.memory_space<hbm>>) target(%arg8 : memref<128x128xf32, #tpu.memory_space<vmem>>) target_semaphore(%arg10 : memref<!tpu.dma_semaphore, #tpu.memory_space<semaphore_mem>>)
          } else {
          }
          %rem3A_92 = arith.constant 2 : i32
          %rem3A_93 = arith.remsi %add3A_66, %rem3A_92 : i32
          %eq3A_94 = arith.constant 1 : i32
          %eq3A_95 = arith.cmpi eq, %rem3A_93, %eq3A_94 : i32
          %convert_element_type3A_96 = arith.extui %eq3A_95 : i1 to i32
          %cond3A_97 = arith.constant 0 : i32
          %cond3A_98 = arith.cmpi ne, %convert_element_type3A_96, %cond3A_97 : i32
          scf.if %cond3A_98 {
            %mul3A_99 = arith.constant 20480 : i32
            %mul3A_100 = arith.muli %arg1, %mul3A_99 : i32
            %mul3A_101 = arith.constant 128 : i32
            %mul3A_102 = arith.muli %add3A_66, %mul3A_101 : i32
            %add3A_103 = arith.addi %mul3A_100, %mul3A_102 : i32
            %dma_start3A_104 = arith.constant 0 : i32
            %dma_start3A_105 = tpu.memref_slice %arg2[%add3A_17, %add3A_103, %dma_start3A_104] : memref<4x327680x128xf32, #tpu.memory_space<hbm>> -> memref<1x128x128xf32, #tpu.memory_space<hbm>>
            %dma_start3A_106 = tpu.memref_squeeze %dma_start3A_105 : memref<1x128x128xf32, #tpu.memory_space<hbm>> -> memref<128x128xf32, #tpu.memory_space<hbm>>
            %dma_start3A_107 = arith.constant 0 : i32
            %dma_start3A_108 = tpu.memref_slice %arg2[%add3A_17, %add3A_103, %dma_start3A_107] : memref<4x327680x128xf32, #tpu.memory_space<hbm>> -> memref<1x128x128xf32, #tpu.memory_space<hbm>>
            %dma_start3A_109 = tpu.memref_squeeze %dma_start3A_108 : memref<1x128x128xf32, #tpu.memory_space<hbm>> -> memref<128x128xf32, #tpu.memory_space<hbm>>
            tpu.enqueue_dma source(%dma_start3A_109 : memref<128x128xf32, #tpu.memory_space<hbm>>) target(%arg9 : memref<128x128xf32, #tpu.memory_space<vmem>>) target_semaphore(%arg11 : memref<!tpu.dma_semaphore, #tpu.memory_space<semaphore_mem>>)
          } else {
          }
        } else {
        }
        %rem3A = arith.constant 2 : i32
        %rem3A_73 = arith.remsi %add3A_64, %rem3A : i32
        %eq3A = arith.constant 0 : i32
        %eq3A_74 = arith.cmpi eq, %rem3A_73, %eq3A : i32
        %convert_element_type3A_75 = arith.extui %eq3A_74 : i1 to i32
        %cond3A_76 = arith.constant 0 : i32
        %cond3A_77 = arith.cmpi ne, %convert_element_type3A_75, %cond3A_76 : i32
        scf.if %cond3A_77 {
          %mul3A_85 = arith.constant 20480 : i32
          %mul3A_86 = arith.muli %arg1, %mul3A_85 : i32
          %mul3A_87 = arith.constant 128 : i32
          %mul3A_88 = arith.muli %add3A_64, %mul3A_87 : i32
          %add3A_89 = arith.addi %mul3A_86, %mul3A_88 : i32
          %dma_wait3A = arith.constant 0 : i32
          %dma_wait3A_90 = tpu.memref_slice %arg2[%add3A_17, %add3A_89, %dma_wait3A] : memref<4x327680x128xf32, #tpu.memory_space<hbm>> -> memref<1x128x128xf32, #tpu.memory_space<hbm>>
          %dma_wait3A_91 = tpu.memref_squeeze %dma_wait3A_90 : memref<1x128x128xf32, #tpu.memory_space<hbm>> -> memref<128x128xf32, #tpu.memory_space<hbm>>
          %dma_wait3A_92 = arith.constant 0 : i32
          %dma_wait3A_93 = tpu.memref_slice %arg2[%add3A_17, %add3A_89, %dma_wait3A_92] : memref<4x327680x128xf32, #tpu.memory_space<hbm>> -> memref<1x128x128xf32, #tpu.memory_space<hbm>>
          %dma_wait3A_94 = tpu.memref_squeeze %dma_wait3A_93 : memref<1x128x128xf32, #tpu.memory_space<hbm>> -> memref<128x128xf32, #tpu.memory_space<hbm>>
          tpu.wait_dma2 semaphore(%arg10 : memref<!tpu.dma_semaphore, #tpu.memory_space<semaphore_mem>>) src(%dma_wait3A_94 : memref<128x128xf32, #tpu.memory_space<hbm>>) dst(%arg8 : memref<128x128xf32, #tpu.memory_space<vmem>>)
          "tpu.region"() ({
            %run_scoped3A = tpu.sem_alloc : memref<!tpu.dma_semaphore, #tpu.memory_space<semaphore_mem>>
            %dma_start3A_95 = arith.constant 0 : i32
            %dma_start3A_96 = tpu.memref_slice %arg7[%add3A_63, %dma_start3A_95] : memref<32x128xi32, #tpu.memory_space<vmem>> -> memref<1x128xi32, #tpu.memory_space<vmem>>
            %dma_start3A_97 = tpu.memref_squeeze %dma_start3A_96 : memref<1x128xi32, #tpu.memory_space<vmem>> -> memref<128xi32, #tpu.memory_space<vmem>>
            %dma_start3A_98 = arith.constant 0 : i32
            %dma_start3A_99 = arith.constant 0 : i32
            %dma_start3A_100 = tpu.memref_slice %arg6[%dma_start3A_98, %dma_start3A_99] : memref<10240x128xf32, #tpu.memory_space<vmem_shared>> -> memref<10240x128xf32, #tpu.memory_space<vmem_shared>>
            tpu.enqueue_indirect_dma source(%arg8 : memref<128x128xf32, #tpu.memory_space<vmem>>) target(%dma_start3A_100 : memref<10240x128xf32, #tpu.memory_space<vmem_shared>>) offsets(%dma_start3A_97 : memref<128xi32, #tpu.memory_space<vmem>>) semaphore(%run_scoped3A : memref<!tpu.dma_semaphore, #tpu.memory_space<semaphore_mem>>) {add = true}
            %dma_wait3A_101 = arith.constant 0 : i32
            %dma_wait3A_102 = tpu.memref_slice %arg7[%add3A_63, %dma_wait3A_101] : memref<32x128xi32, #tpu.memory_space<vmem>> -> memref<1x128xi32, #tpu.memory_space<vmem>>
            %dma_wait3A_103 = tpu.memref_squeeze %dma_wait3A_102 : memref<1x128xi32, #tpu.memory_space<vmem>> -> memref<128xi32, #tpu.memory_space<vmem>>
            %dma_wait3A_104 = arith.constant 0 : i32
            %dma_wait3A_105 = arith.constant 0 : i32
            %dma_wait3A_106 = tpu.memref_slice %arg6[%dma_wait3A_104, %dma_wait3A_105] : memref<10240x128xf32, #tpu.memory_space<vmem_shared>> -> memref<10240x128xf32, #tpu.memory_space<vmem_shared>>
            tpu.wait_indirect_dma semaphore(%run_scoped3A : memref<!tpu.dma_semaphore, #tpu.memory_space<semaphore_mem>>) src(%arg8 : memref<128x128xf32, #tpu.memory_space<vmem>>) dst(%dma_wait3A_106 : memref<10240x128xf32, #tpu.memory_space<vmem_shared>>)
            tpu.yield
          }) : () -> ()
        } else {
        }
        %rem3A_78 = arith.constant 2 : i32
        %rem3A_79 = arith.remsi %add3A_64, %rem3A_78 : i32
        %eq3A_80 = arith.constant 1 : i32
        %eq3A_81 = arith.cmpi eq, %rem3A_79, %eq3A_80 : i32
        %convert_element_type3A_82 = arith.extui %eq3A_81 : i1 to i32
        %cond3A_83 = arith.constant 0 : i32
        %cond3A_84 = arith.cmpi ne, %convert_element_type3A_82, %cond3A_83 : i32
        scf.if %cond3A_84 {
          %mul3A_85 = arith.constant 20480 : i32
          %mul3A_86 = arith.muli %arg1, %mul3A_85 : i32
          %mul3A_87 = arith.constant 128 : i32
          %mul3A_88 = arith.muli %add3A_64, %mul3A_87 : i32
          %add3A_89 = arith.addi %mul3A_86, %mul3A_88 : i32
          %dma_wait3A = arith.constant 0 : i32
          %dma_wait3A_90 = tpu.memref_slice %arg2[%add3A_17, %add3A_89, %dma_wait3A] : memref<4x327680x128xf32, #tpu.memory_space<hbm>> -> memref<1x128x128xf32, #tpu.memory_space<hbm>>
          %dma_wait3A_91 = tpu.memref_squeeze %dma_wait3A_90 : memref<1x128x128xf32, #tpu.memory_space<hbm>> -> memref<128x128xf32, #tpu.memory_space<hbm>>
          %dma_wait3A_92 = arith.constant 0 : i32
          %dma_wait3A_93 = tpu.memref_slice %arg2[%add3A_17, %add3A_89, %dma_wait3A_92] : memref<4x327680x128xf32, #tpu.memory_space<hbm>> -> memref<1x128x128xf32, #tpu.memory_space<hbm>>
          %dma_wait3A_94 = tpu.memref_squeeze %dma_wait3A_93 : memref<1x128x128xf32, #tpu.memory_space<hbm>> -> memref<128x128xf32, #tpu.memory_space<hbm>>
          tpu.wait_dma2 semaphore(%arg11 : memref<!tpu.dma_semaphore, #tpu.memory_space<semaphore_mem>>) src(%dma_wait3A_94 : memref<128x128xf32, #tpu.memory_space<hbm>>) dst(%arg9 : memref<128x128xf32, #tpu.memory_space<vmem>>)
          "tpu.region"() ({
            %run_scoped3A = tpu.sem_alloc : memref<!tpu.dma_semaphore, #tpu.memory_space<semaphore_mem>>
            %dma_start3A_95 = arith.constant 0 : i32
            %dma_start3A_96 = tpu.memref_slice %arg7[%add3A_63, %dma_start3A_95] : memref<32x128xi32, #tpu.memory_space<vmem>> -> memref<1x128xi32, #tpu.memory_space<vmem>>
            %dma_start3A_97 = tpu.memref_squeeze %dma_start3A_96 : memref<1x128xi32, #tpu.memory_space<vmem>> -> memref<128xi32, #tpu.memory_space<vmem>>
            %dma_start3A_98 = arith.constant 0 : i32
            %dma_start3A_99 = arith.constant 0 : i32
            %dma_start3A_100 = tpu.memref_slice %arg6[%dma_start3A_98, %dma_start3A_99] : memref<10240x128xf32, #tpu.memory_space<vmem_shared>> -> memref<10240x128xf32, #tpu.memory_space<vmem_shared>>
            tpu.enqueue_indirect_dma source(%arg9 : memref<128x128xf32, #tpu.memory_space<vmem>>) target(%dma_start3A_100 : memref<10240x128xf32, #tpu.memory_space<vmem_shared>>) offsets(%dma_start3A_97 : memref<128xi32, #tpu.memory_space<vmem>>) semaphore(%run_scoped3A : memref<!tpu.dma_semaphore, #tpu.memory_space<semaphore_mem>>) {add = true}
            %dma_wait3A_101 = arith.constant 0 : i32
            %dma_wait3A_102 = tpu.memref_slice %arg7[%add3A_63, %dma_wait3A_101] : memref<32x128xi32, #tpu.memory_space<vmem>> -> memref<1x128xi32, #tpu.memory_space<vmem>>
            %dma_wait3A_103 = tpu.memref_squeeze %dma_wait3A_102 : memref<1x128xi32, #tpu.memory_space<vmem>> -> memref<128xi32, #tpu.memory_space<vmem>>
            %dma_wait3A_104 = arith.constant 0 : i32
            %dma_wait3A_105 = arith.constant 0 : i32
            %dma_wait3A_106 = tpu.memref_slice %arg6[%dma_wait3A_104, %dma_wait3A_105] : memref<10240x128xf32, #tpu.memory_space<vmem_shared>> -> memref<10240x128xf32, #tpu.memory_space<vmem_shared>>
            tpu.wait_indirect_dma semaphore(%run_scoped3A : memref<!tpu.dma_semaphore, #tpu.memory_space<semaphore_mem>>) src(%arg9 : memref<128x128xf32, #tpu.memory_space<vmem>>) dst(%dma_wait3A_106 : memref<10240x128xf32, #tpu.memory_space<vmem_shared>>)
            tpu.yield
          }) : () -> ()
        } else {
        }
      }
      %scan3A_58 = arith.constant 32 : i32
    }
    %scan3A_25 = arith.constant 5 : i32
    %barrier3A_26 = arith.constant 0 : index
    tpu.barrier barrier_id(%barrier3A_26)
    %mul3A_27 = arith.constant 640 : i32
    %mul3A_28 = arith.muli %arg1, %mul3A_27 : i32
    %mul3A_29 = arith.constant 640 : i32
    %mul3A_30 = arith.muli %arg1, %mul3A_29 : i32
    "tpu.region"() ({
      %run_scoped3A = tpu.sem_alloc : memref<!tpu.dma_semaphore, #tpu.memory_space<semaphore_mem>>
      %dma_start3A = arith.constant 0 : i32
      %dma_start3A_32 = tpu.memref_slice %arg5[%add3A_17, %mul3A_30, %dma_start3A] : memref<4x10240x128xf32, #tpu.memory_space<hbm>> -> memref<1x640x128xf32, #tpu.memory_space<hbm>>
      %dma_start3A_33 = tpu.memref_squeeze %dma_start3A_32 : memref<1x640x128xf32, #tpu.memory_space<hbm>> -> memref<640x128xf32, #tpu.memory_space<hbm>>
      %dma_start3A_34 = arith.constant 0 : i32
      %dma_start3A_35 = tpu.memref_slice %arg6[%mul3A_28, %dma_start3A_34] : memref<10240x128xf32, #tpu.memory_space<vmem_shared>> -> memref<640x128xf32, #tpu.memory_space<vmem_shared>>
      tpu.enqueue_dma source(%dma_start3A_35 : memref<640x128xf32, #tpu.memory_space<vmem_shared>>) target(%dma_start3A_33 : memref<640x128xf32, #tpu.memory_space<hbm>>) target_semaphore(%run_scoped3A : memref<!tpu.dma_semaphore, #tpu.memory_space<semaphore_mem>>)
      %dma_wait3A = arith.constant 0 : i32
      %dma_wait3A_36 = tpu.memref_slice %arg5[%add3A_17, %mul3A_30, %dma_wait3A] : memref<4x10240x128xf32, #tpu.memory_space<hbm>> -> memref<1x640x128xf32, #tpu.memory_space<hbm>>
      %dma_wait3A_37 = tpu.memref_squeeze %dma_wait3A_36 : memref<1x640x128xf32, #tpu.memory_space<hbm>> -> memref<640x128xf32, #tpu.memory_space<hbm>>
      %dma_wait3A_38 = arith.constant 0 : i32
      %dma_wait3A_39 = tpu.memref_slice %arg6[%mul3A_28, %dma_wait3A_38] : memref<10240x128xf32, #tpu.memory_space<vmem_shared>> -> memref<640x128xf32, #tpu.memory_space<vmem_shared>>
      tpu.wait_dma2 semaphore(%run_scoped3A : memref<!tpu.dma_semaphore, #tpu.memory_space<semaphore_mem>>) src(%dma_wait3A_39 : memref<640x128xf32, #tpu.memory_space<vmem_shared>>) dst(%dma_wait3A_37 : memref<640x128xf32, #tpu.memory_space<hbm>>)
      tpu.yield
    }) : () -> ()
    %barrier3A_31 = arith.constant 0 : index
    tpu.barrier barrier_id(%barrier3A_31)
    return
  }
}

module attributes {stable_mosaic.version = 14 : i64} {
  func.func @_a1_body(%arg0: i32, %arg1: memref<1000x128xf32, #tpu.memory_space<vmem>>, %arg2: memref<128x128xf32, #tpu.memory_space<vmem>>, %arg3: memref<1x128xf32, #tpu.memory_space<vmem>>, %arg4: memref<128x384xf32, #tpu.memory_space<vmem>>, %arg5: memref<1x384xf32, #tpu.memory_space<vmem>>, %arg6: memref<1000x384xf32, #tpu.memory_space<vmem>>) attributes {dimension_semantics = [#tpu.dimension_semantics<arbitrary>], iteration_bounds = array<i64: 10>, scalar_prefetch = 0 : i64, scratch_operands = 0 : i64, tpu.core_type = #tpu.core_type<tc>, window_params = [{transform_indices = @transform_0, window_bounds = array<i64: 1000, 128>}, {pipeline_mode = #tpu.pipeline_mode<synchronous>, transform_indices = @transform_1, window_bounds = array<i64: 128, 128>}, {pipeline_mode = #tpu.pipeline_mode<synchronous>, transform_indices = @transform_2, window_bounds = array<i64: 1, 128>}, {pipeline_mode = #tpu.pipeline_mode<synchronous>, transform_indices = @transform_3, window_bounds = array<i64: 128, 384>}, {pipeline_mode = #tpu.pipeline_mode<synchronous>, transform_indices = @transform_4, window_bounds = array<i64: 1, 384>}, {transform_indices = @transform_5, window_bounds = array<i64: 1000, 384>}]} {
    %get3A = arith.constant 0 : index
    %get3A_0 = arith.constant 0 : index
    %get3A_1 = vector.load %arg1[%get3A, %get3A_0] : memref<1000x128xf32, #tpu.memory_space<vmem>>, vector<1000x128xf32>
    %get3A_2 = arith.constant 0 : index
    %get3A_3 = arith.constant 0 : index
    %get3A_4 = vector.load %arg2[%get3A_2, %get3A_3] : memref<128x128xf32, #tpu.memory_space<vmem>>, vector<128x128xf32>
    %dot_general3A = arith.constant dense<0.000000e+00> : vector<1000x128xf32>
    %dot_general3A_5 = tpu.matmul %get3A_1, %get3A_4, %dot_general3A {dimension_numbers = #tpu.dot_dimension_numbers<[1], [0], [0], [1], [0, 0, 1, 1], [], []>, transpose_lhs_hint = false} : vector<1000x128xf32>, vector<128x128xf32>, vector<1000x128xf32> -> vector<1000x128xf32>
    %get3A_6 = arith.constant 0 : index
    %get3A_7 = arith.constant 0 : index
    %get3A_8 = vector.load %arg3[%get3A_6, %get3A_7] : memref<1x128xf32, #tpu.memory_space<vmem>>, vector<1x128xf32>
    %add3A = vector.broadcast %get3A_8 : vector<1x128xf32> to vector<1000x128xf32>
    %add3A_9 = arith.addf %dot_general3A_5, %add3A : vector<1000x128xf32>
    %logistic3A = arith.negf %add3A_9 : vector<1000x128xf32>
    %logistic3A_10 = math.exp %logistic3A : vector<1000x128xf32>
    %logistic3A_11 = arith.constant 1.000000e+00 : f32
    %logistic3A_12 = vector.broadcast %logistic3A_11 : f32 to vector<1000x128xf32>
    %logistic3A_13 = arith.addf %logistic3A_12, %logistic3A_10 : vector<1000x128xf32>
    %logistic3A_14 = arith.divf %logistic3A_12, %logistic3A_13 : vector<1000x128xf32>
    %mul3A = arith.mulf %add3A_9, %logistic3A_14 : vector<1000x128xf32>
    %get3A_15 = arith.constant 0 : index
    %get3A_16 = arith.constant 0 : index
    %get3A_17 = vector.load %arg4[%get3A_15, %get3A_16] : memref<128x384xf32, #tpu.memory_space<vmem>>, vector<128x384xf32>
    %dot_general3A_18 = arith.constant dense<0.000000e+00> : vector<1000x384xf32>
    %dot_general3A_19 = tpu.matmul %mul3A, %get3A_17, %dot_general3A_18 {dimension_numbers = #tpu.dot_dimension_numbers<[1], [0], [0], [1], [0, 0, 1, 1], [], []>, transpose_lhs_hint = false} : vector<1000x128xf32>, vector<128x384xf32>, vector<1000x384xf32> -> vector<1000x384xf32>
    %get3A_20 = arith.constant 0 : index
    %get3A_21 = arith.constant 0 : index
    %get3A_22 = vector.load %arg5[%get3A_20, %get3A_21] : memref<1x384xf32, #tpu.memory_space<vmem>>, vector<1x384xf32>
    %add3A_23 = vector.broadcast %get3A_22 : vector<1x384xf32> to vector<1000x384xf32>
    %add3A_24 = arith.addf %dot_general3A_19, %add3A_23 : vector<1000x384xf32>
    %swap3A = arith.constant 0 : index
    %swap3A_25 = arith.constant 0 : index
    %swap3A_26 = vector.load %arg6[%swap3A, %swap3A_25] : memref<1000x384xf32, #tpu.memory_space<vmem>>, vector<1000x384xf32>
    tpu.vector_store %arg6[%swap3A, %swap3A_25], %add3A_24 {strides = array<i32>} : memref<1000x384xf32, #tpu.memory_space<vmem>>, vector<1000x384xf32>,
    return
  }
  func.func @transform_0(%arg0: i32) -> (i32, i32) {
    %c0_i32 = arith.constant 0 : i32
    %c0_i32_0 = arith.constant 0 : i32
    return %arg0, %c0_i32 : i32, i32
  }
  func.func @transform_1(%arg0: i32) -> (i32, i32) {
    %c0_i32 = arith.constant 0 : i32
    %c0_i32_0 = arith.constant 0 : i32
    %c0_i32_1 = arith.constant 0 : i32
    return %c0_i32, %c0_i32_0 : i32, i32
  }
  func.func @transform_2(%arg0: i32) -> (i32, i32) {
    %c0_i32 = arith.constant 0 : i32
    %c0_i32_0 = arith.constant 0 : i32
    %c0_i32_1 = arith.constant 0 : i32
    return %c0_i32, %c0_i32_0 : i32, i32
  }
  func.func @transform_3(%arg0: i32) -> (i32, i32) {
    %c0_i32 = arith.constant 0 : i32
    %c0_i32_0 = arith.constant 0 : i32
    %c0_i32_1 = arith.constant 0 : i32
    return %c0_i32, %c0_i32_0 : i32, i32
  }
  func.func @transform_4(%arg0: i32) -> (i32, i32) {
    %c0_i32 = arith.constant 0 : i32
    %c0_i32_0 = arith.constant 0 : i32
    %c0_i32_1 = arith.constant 0 : i32
    return %c0_i32, %c0_i32_0 : i32, i32
  }
  func.func @transform_5(%arg0: i32) -> (i32, i32) {
    %c0_i32 = arith.constant 0 : i32
    %c0_i32_0 = arith.constant 0 : i32
    return %arg0, %c0_i32 : i32, i32
  }
}

module attributes {stable_mosaic.version = 14 : i64} {
  func.func @_a2_body(%arg0: i32, %arg1: memref<4000x16xf32, #tpu.memory_space<vmem>>, %arg2: memref<4000x1xf32, #tpu.memory_space<vmem>>, %arg3: memref<16x384xf32, #tpu.memory_space<vmem>>, %arg4: memref<1x384xf32, #tpu.memory_space<vmem>>, %arg5: memref<4000x384xf32, #tpu.memory_space<vmem>>) attributes {dimension_semantics = [#tpu.dimension_semantics<arbitrary>], iteration_bounds = array<i64: 80>, scalar_prefetch = 0 : i64, scratch_operands = 0 : i64, tpu.core_type = #tpu.core_type<tc>, window_params = [{transform_indices = @transform_0, window_bounds = array<i64: 4000, 16>}, {transform_indices = @transform_1, window_bounds = array<i64: 4000, 1>}, {pipeline_mode = #tpu.pipeline_mode<synchronous>, transform_indices = @transform_2, window_bounds = array<i64: 16, 384>}, {pipeline_mode = #tpu.pipeline_mode<synchronous>, transform_indices = @transform_3, window_bounds = array<i64: 1, 384>}, {transform_indices = @transform_4, window_bounds = array<i64: 4000, 384>}]} {
    %get3A = arith.constant 0 : index
    %get3A_0 = arith.constant 0 : index
    %get3A_1 = vector.load %arg1[%get3A, %get3A_0] : memref<4000x16xf32, #tpu.memory_space<vmem>>, vector<4000x16xf32>
    %get3A_2 = arith.constant 0 : index
    %get3A_3 = arith.constant 0 : index
    %get3A_4 = vector.load %arg3[%get3A_2, %get3A_3] : memref<16x384xf32, #tpu.memory_space<vmem>>, vector<16x384xf32>
    %dot_general3A = arith.constant dense<0.000000e+00> : vector<4000x384xf32>
    %dot_general3A_5 = tpu.matmul %get3A_1, %get3A_4, %dot_general3A {dimension_numbers = #tpu.dot_dimension_numbers<[1], [0], [0], [1], [0, 0, 1, 1], [], []>, transpose_lhs_hint = false} : vector<4000x16xf32>, vector<16x384xf32>, vector<4000x384xf32> -> vector<4000x384xf32>
    %get3A_6 = arith.constant 0 : index
    %get3A_7 = arith.constant 0 : index
    %get3A_8 = vector.load %arg4[%get3A_6, %get3A_7] : memref<1x384xf32, #tpu.memory_space<vmem>>, vector<1x384xf32>
    %add3A = vector.broadcast %get3A_8 : vector<1x384xf32> to vector<4000x384xf32>
    %add3A_9 = arith.addf %dot_general3A_5, %add3A : vector<4000x384xf32>
    %get3A_10 = arith.constant 0 : index
    %get3A_11 = arith.constant 0 : index
    %get3A_12 = vector.load %arg2[%get3A_10, %get3A_11] : memref<4000x1xf32, #tpu.memory_space<vmem>>, vector<4000x1xf32>
    %lt3A = arith.constant 5.000000e+00 : f32
    %lt3A_13 = vector.broadcast %lt3A : f32 to vector<4000x1xf32>
    %lt3A_14 = arith.cmpf olt, %get3A_12, %lt3A_13 : vector<4000x1xf32>
    %mul3A = arith.constant 3.14159274 : f32
    %mul3A_15 = vector.broadcast %mul3A : f32 to vector<4000x1xf32>
    %mul3A_16 = arith.mulf %mul3A_15, %get3A_12 : vector<4000x1xf32>
    %div3A = arith.constant 5.000000e+00 : f32
    %div3A_17 = vector.broadcast %div3A : f32 to vector<4000x1xf32>
    %div3A_18 = arith.divf %mul3A_16, %div3A_17 : vector<4000x1xf32>
    %cos3A = math.cos %div3A_18 : vector<4000x1xf32>
    %add3A_19 = arith.constant 1.000000e+00 : f32
    %add3A_20 = vector.broadcast %add3A_19 : f32 to vector<4000x1xf32>
    %add3A_21 = arith.addf %cos3A, %add3A_20 : vector<4000x1xf32>
    %mul3A_22 = arith.constant 5.000000e-01 : f32
    %mul3A_23 = vector.broadcast %mul3A_22 : f32 to vector<4000x1xf32>
    %mul3A_24 = arith.mulf %mul3A_23, %add3A_21 : vector<4000x1xf32>
    %jit3A = arith.constant 0.000000e+00 : f32
    %broadcast_in_dim3A = vector.broadcast %jit3A : f32 to vector<4000x1xf32>
    %select_n3A = arith.select %lt3A_14, %mul3A_24, %broadcast_in_dim3A : vector<4000x1xi1>, vector<4000x1xf32>
    %mul3A_25 = vector.broadcast %select_n3A : vector<4000x1xf32> to vector<4000x384xf32>
    %mul3A_26 = arith.mulf %add3A_9, %mul3A_25 : vector<4000x384xf32>
    %swap3A = arith.constant 0 : index
    %swap3A_27 = arith.constant 0 : index
    %swap3A_28 = vector.load %arg5[%swap3A, %swap3A_27] : memref<4000x384xf32, #tpu.memory_space<vmem>>, vector<4000x384xf32>
    tpu.vector_store %arg5[%swap3A, %swap3A_27], %mul3A_26 {strides = array<i32>} : memref<4000x384xf32, #tpu.memory_space<vmem>>, vector<4000x384xf32>,
    return
  }
  func.func @transform_0(%arg0: i32) -> (i32, i32) {
    %c0_i32 = arith.constant 0 : i32
    %c0_i32_0 = arith.constant 0 : i32
    return %arg0, %c0_i32 : i32, i32
  }
  func.func @transform_1(%arg0: i32) -> (i32, i32) {
    %c0_i32 = arith.constant 0 : i32
    %c0_i32_0 = arith.constant 0 : i32
    return %arg0, %c0_i32 : i32, i32
  }
  func.func @transform_2(%arg0: i32) -> (i32, i32) {
    %c0_i32 = arith.constant 0 : i32
    %c0_i32_0 = arith.constant 0 : i32
    %c0_i32_1 = arith.constant 0 : i32
    return %c0_i32, %c0_i32_0 : i32, i32
  }
  func.func @transform_3(%arg0: i32) -> (i32, i32) {
    %c0_i32 = arith.constant 0 : i32
    %c0_i32_0 = arith.constant 0 : i32
    %c0_i32_1 = arith.constant 0 : i32
    return %c0_i32, %c0_i32_0 : i32, i32
  }
  func.func @transform_4(%arg0: i32) -> (i32, i32) {
    %c0_i32 = arith.constant 0 : i32
    %c0_i32_0 = arith.constant 0 : i32
    return %arg0, %c0_i32 : i32, i32
  }
}

module attributes {stable_mosaic.version = 14 : i64} {
  func.func @_m_body(%arg0: i32, %arg1: memref<2000x384xf32, #tpu.memory_space<vmem>>, %arg2: memref<2000x384xf32, #tpu.memory_space<vmem>>, %arg3: memref<2000x384xf32, #tpu.memory_space<vmem>>, %arg4: memref<2000x3xf32, #tpu.memory_space<vmem>>, %arg5: memref<4x2000x128xf32, #tpu.memory_space<vmem>>) attributes {dimension_semantics = [#tpu.dimension_semantics<arbitrary>], iteration_bounds = array<i64: 160>, scalar_prefetch = 0 : i64, scratch_operands = 0 : i64, tpu.core_type = #tpu.core_type<tc>, window_params = [{transform_indices = @transform_0, window_bounds = array<i64: 2000, 384>}, {transform_indices = @transform_1, window_bounds = array<i64: 2000, 384>}, {transform_indices = @transform_2, window_bounds = array<i64: 2000, 384>}, {transform_indices = @transform_3, window_bounds = array<i64: 2000, 3>}, {transform_indices = @transform_4, window_bounds = array<i64: 4, 2000, 128>}]} {
    %get3A = arith.constant 0 : index
    %get3A_0 = arith.constant 0 : index
    %get3A_1 = vector.load %arg1[%get3A, %get3A_0] : memref<2000x384xf32, #tpu.memory_space<vmem>>, vector<2000x384xf32>
    %get3A_2 = arith.constant 0 : index
    %get3A_3 = arith.constant 0 : index
    %get3A_4 = vector.load %arg2[%get3A_2, %get3A_3] : memref<2000x384xf32, #tpu.memory_space<vmem>>, vector<2000x384xf32>
    %mul3A = arith.mulf %get3A_1, %get3A_4 : vector<2000x384xf32>
    %slice3A = vector.extract_strided_slice %mul3A {offsets = [0, 0], sizes = [2000, 128], strides = [1, 1]} : vector<2000x384xf32> to vector<2000x128xf32>
    %slice3A_5 = vector.extract_strided_slice %mul3A {offsets = [0, 128], sizes = [2000, 128], strides = [1, 1]} : vector<2000x384xf32> to vector<2000x128xf32>
    %slice3A_6 = vector.extract_strided_slice %mul3A {offsets = [0, 256], sizes = [2000, 128], strides = [1, 1]} : vector<2000x384xf32> to vector<2000x128xf32>
    %swap3A = arith.constant 0 : index
    %swap3A_7 = arith.constant 0 : index
    %swap3A_8 = arith.constant 0 : index
    %swap3A_9 = vector.load %arg5[%swap3A, %swap3A_7, %swap3A_8] : memref<4x2000x128xf32, #tpu.memory_space<vmem>>, vector<1x2000x128xf32>
    %swap3A_10 = vector.shape_cast %swap3A_9 : vector<1x2000x128xf32> to vector<2000x128xf32>
    %swap3A_11 = vector.shape_cast %slice3A_6 : vector<2000x128xf32> to vector<1x2000x128xf32>
    tpu.vector_store %arg5[%swap3A, %swap3A_7, %swap3A_8], %swap3A_11 {strides = array<i32>} : memref<4x2000x128xf32, #tpu.memory_space<vmem>>, vector<1x2000x128xf32>,
    %get3A_12 = arith.constant 0 : index
    %get3A_13 = arith.constant 0 : index
    %get3A_14 = vector.load %arg3[%get3A_12, %get3A_13] : memref<2000x384xf32, #tpu.memory_space<vmem>>, vector<2000x384xf32>
    %get3A_15 = arith.constant 0 : index
    %get3A_16 = arith.constant 0 : index
    %get3A_17 = vector.load %arg4[%get3A_15, %get3A_16] : memref<2000x3xf32, #tpu.memory_space<vmem>>, vector<2000x3xf32>
    %slice3A_18 = vector.extract_strided_slice %get3A_14 {offsets = [0, 0], sizes = [2000, 128], strides = [1, 1]} : vector<2000x384xf32> to vector<2000x128xf32>
    %mul3A_19 = arith.mulf %slice3A_18, %slice3A : vector<2000x128xf32>
    %slice3A_20 = vector.extract_strided_slice %get3A_17 {offsets = [0, 0], sizes = [2000, 1], strides = [1, 1]} : vector<2000x3xf32> to vector<2000x1xf32>
    %mul3A_21 = vector.broadcast %slice3A_20 : vector<2000x1xf32> to vector<2000x128xf32>
    %mul3A_22 = arith.mulf %slice3A_5, %mul3A_21 : vector<2000x128xf32>
    %add3A = arith.addf %mul3A_19, %mul3A_22 : vector<2000x128xf32>
    %swap3A_23 = arith.constant 1 : index
    %swap3A_24 = arith.constant 0 : index
    %swap3A_25 = arith.constant 0 : index
    %swap3A_26 = vector.load %arg5[%swap3A_23, %swap3A_24, %swap3A_25] : memref<4x2000x128xf32, #tpu.memory_space<vmem>>, vector<1x2000x128xf32>
    %swap3A_27 = vector.shape_cast %swap3A_26 : vector<1x2000x128xf32> to vector<2000x128xf32>
    %swap3A_28 = vector.shape_cast %add3A : vector<2000x128xf32> to vector<1x2000x128xf32>
    tpu.vector_store %arg5[%swap3A_23, %swap3A_24, %swap3A_25], %swap3A_28 {strides = array<i32>} : memref<4x2000x128xf32, #tpu.memory_space<vmem>>, vector<1x2000x128xf32>,
    %slice3A_29 = vector.extract_strided_slice %get3A_14 {offsets = [0, 128], sizes = [2000, 128], strides = [1, 1]} : vector<2000x384xf32> to vector<2000x128xf32>
    %mul3A_30 = arith.mulf %slice3A_29, %slice3A : vector<2000x128xf32>
    %slice3A_31 = vector.extract_strided_slice %get3A_17 {offsets = [0, 1], sizes = [2000, 1], strides = [1, 1]} : vector<2000x3xf32> to vector<2000x1xf32>
    %mul3A_32 = vector.broadcast %slice3A_31 : vector<2000x1xf32> to vector<2000x128xf32>
    %mul3A_33 = arith.mulf %slice3A_5, %mul3A_32 : vector<2000x128xf32>
    %add3A_34 = arith.addf %mul3A_30, %mul3A_33 : vector<2000x128xf32>
    %swap3A_35 = arith.constant 2 : index
    %swap3A_36 = arith.constant 0 : index
    %swap3A_37 = arith.constant 0 : index
    %swap3A_38 = vector.load %arg5[%swap3A_35, %swap3A_36, %swap3A_37] : memref<4x2000x128xf32, #tpu.memory_space<vmem>>, vector<1x2000x128xf32>
    %swap3A_39 = vector.shape_cast %swap3A_38 : vector<1x2000x128xf32> to vector<2000x128xf32>
    %swap3A_40 = vector.shape_cast %add3A_34 : vector<2000x128xf32> to vector<1x2000x128xf32>
    tpu.vector_store %arg5[%swap3A_35, %swap3A_36, %swap3A_37], %swap3A_40 {strides = array<i32>} : memref<4x2000x128xf32, #tpu.memory_space<vmem>>, vector<1x2000x128xf32>,
    %slice3A_41 = vector.extract_strided_slice %get3A_14 {offsets = [0, 256], sizes = [2000, 128], strides = [1, 1]} : vector<2000x384xf32> to vector<2000x128xf32>
    %mul3A_42 = arith.mulf %slice3A_41, %slice3A : vector<2000x128xf32>
    %slice3A_43 = vector.extract_strided_slice %get3A_17 {offsets = [0, 2], sizes = [2000, 1], strides = [1, 1]} : vector<2000x3xf32> to vector<2000x1xf32>
    %mul3A_44 = vector.broadcast %slice3A_43 : vector<2000x1xf32> to vector<2000x128xf32>
    %mul3A_45 = arith.mulf %slice3A_5, %mul3A_44 : vector<2000x128xf32>
    %add3A_46 = arith.addf %mul3A_42, %mul3A_45 : vector<2000x128xf32>
    %swap3A_47 = arith.constant 3 : index
    %swap3A_48 = arith.constant 0 : index
    %swap3A_49 = arith.constant 0 : index
    %swap3A_50 = vector.load %arg5[%swap3A_47, %swap3A_48, %swap3A_49] : memref<4x2000x128xf32, #tpu.memory_space<vmem>>, vector<1x2000x128xf32>
    %swap3A_51 = vector.shape_cast %swap3A_50 : vector<1x2000x128xf32> to vector<2000x128xf32>
    %swap3A_52 = vector.shape_cast %add3A_46 : vector<2000x128xf32> to vector<1x2000x128xf32>
    tpu.vector_store %arg5[%swap3A_47, %swap3A_48, %swap3A_49], %swap3A_52 {strides = array<i32>} : memref<4x2000x128xf32, #tpu.memory_space<vmem>>, vector<1x2000x128xf32>,
    return
  }
  func.func @transform_0(%arg0: i32) -> (i32, i32) {
    %c0_i32 = arith.constant 0 : i32
    %c0_i32_0 = arith.constant 0 : i32
    return %arg0, %c0_i32 : i32, i32
  }
  func.func @transform_1(%arg0: i32) -> (i32, i32) {
    %c0_i32 = arith.constant 0 : i32
    %c0_i32_0 = arith.constant 0 : i32
    return %arg0, %c0_i32 : i32, i32
  }
  func.func @transform_2(%arg0: i32) -> (i32, i32) {
    %c0_i32 = arith.constant 0 : i32
    %c0_i32_0 = arith.constant 0 : i32
    return %arg0, %c0_i32 : i32, i32
  }
  func.func @transform_3(%arg0: i32) -> (i32, i32) {
    %c0_i32 = arith.constant 0 : i32
    %c0_i32_0 = arith.constant 0 : i32
    return %arg0, %c0_i32 : i32, i32
  }
  func.func @transform_4(%arg0: i32) -> (i32, i32, i32) {
    %c0_i32 = arith.constant 0 : i32
    %c0_i32_0 = arith.constant 0 : i32
    %c0_i32_1 = arith.constant 0 : i32
    return %c0_i32, %arg0, %c0_i32_0 : i32, i32, i32
  }
}

module attributes {stable_mosaic.version = 14 : i64} {
  func.func @_b_body(%arg0: i32, %arg1: memref<1000x128xf32, #tpu.memory_space<vmem>>, %arg2: memref<1000x384xf32, #tpu.memory_space<vmem>>, %arg3: memref<4x1000x128xf32, #tpu.memory_space<vmem>>, %arg4: memref<128x128xf32, #tpu.memory_space<vmem>>, %arg5: memref<128x128xf32, #tpu.memory_space<vmem>>, %arg6: memref<256x128xf32, #tpu.memory_space<vmem>>, %arg7: memref<1x128xf32, #tpu.memory_space<vmem>>, %arg8: memref<128x384xf32, #tpu.memory_space<vmem>>, %arg9: memref<1x384xf32, #tpu.memory_space<vmem>>, %arg10: memref<1000x128xf32, #tpu.memory_space<vmem>>, %arg11: memref<1000x384xf32, #tpu.memory_space<vmem>>) attributes {dimension_semantics = [#tpu.dimension_semantics<arbitrary>], iteration_bounds = array<i64: 10>, scalar_prefetch = 0 : i64, scratch_operands = 0 : i64, tpu.core_type = #tpu.core_type<tc>, window_params = [{transform_indices = @transform_0, window_bounds = array<i64: 1000, 128>}, {transform_indices = @transform_1, window_bounds = array<i64: 1000, 384>}, {transform_indices = @transform_2, window_bounds = array<i64: 4, 1000, 128>}, {pipeline_mode = #tpu.pipeline_mode<synchronous>, transform_indices = @transform_3, window_bounds = array<i64: 128, 128>}, {pipeline_mode = #tpu.pipeline_mode<synchronous>, transform_indices = @transform_4, window_bounds = array<i64: 128, 128>}, {pipeline_mode = #tpu.pipeline_mode<synchronous>, transform_indices = @transform_5, window_bounds = array<i64: 256, 128>}, {pipeline_mode = #tpu.pipeline_mode<synchronous>, transform_indices = @transform_6, window_bounds = array<i64: 1, 128>}, {pipeline_mode = #tpu.pipeline_mode<synchronous>, transform_indices = @transform_7, window_bounds = array<i64: 128, 384>}, {pipeline_mode = #tpu.pipeline_mode<synchronous>, transform_indices = @transform_8, window_bounds = array<i64: 1, 384>}, {transform_indices = @transform_9, window_bounds = array<i64: 1000, 128>}, {transform_indices = @transform_10, window_bounds = array<i64: 1000, 384>}]} {
    %get3A = arith.constant 0 : index
    %get3A_0 = arith.constant 0 : index
    %get3A_1 = vector.load %arg1[%get3A, %get3A_0] : memref<1000x128xf32, #tpu.memory_space<vmem>>, vector<1000x128xf32>
    %get3A_2 = arith.constant 0 : index
    %get3A_3 = arith.constant 0 : index
    %get3A_4 = arith.constant 0 : index
    %get3A_5 = vector.load %arg3[%get3A_2, %get3A_3, %get3A_4] : memref<4x1000x128xf32, #tpu.memory_space<vmem>>, vector<1x1000x128xf32>
    %get3A_6 = vector.shape_cast %get3A_5 : vector<1x1000x128xf32> to vector<1000x128xf32>
    %add3A = arith.addf %get3A_1, %get3A_6 : vector<1000x128xf32>
    %get3A_7 = arith.constant 0 : index
    %get3A_8 = arith.constant 0 : index
    %get3A_9 = vector.load %arg2[%get3A_7, %get3A_8] : memref<1000x384xf32, #tpu.memory_space<vmem>>, vector<1000x128xf32>
    %get3A_10 = arith.constant 1 : index
    %get3A_11 = arith.constant 0 : index
    %get3A_12 = arith.constant 0 : index
    %get3A_13 = vector.load %arg3[%get3A_10, %get3A_11, %get3A_12] : memref<4x1000x128xf32, #tpu.memory_space<vmem>>, vector<1x1000x128xf32>
    %get3A_14 = vector.shape_cast %get3A_13 : vector<1x1000x128xf32> to vector<1000x128xf32>
    %add3A_15 = arith.addf %get3A_9, %get3A_14 : vector<1000x128xf32>
    %get3A_16 = arith.constant 0 : index
    %get3A_17 = arith.constant 128 : index
    %get3A_18 = vector.load %arg2[%get3A_16, %get3A_17] : memref<1000x384xf32, #tpu.memory_space<vmem>>, vector<1000x128xf32>
    %get3A_19 = arith.constant 2 : index
    %get3A_20 = arith.constant 0 : index
    %get3A_21 = arith.constant 0 : index
    %get3A_22 = vector.load %arg3[%get3A_19, %get3A_20, %get3A_21] : memref<4x1000x128xf32, #tpu.memory_space<vmem>>, vector<1x1000x128xf32>
    %get3A_23 = vector.shape_cast %get3A_22 : vector<1x1000x128xf32> to vector<1000x128xf32>
    %add3A_24 = arith.addf %get3A_18, %get3A_23 : vector<1000x128xf32>
    %get3A_25 = arith.constant 0 : index
    %get3A_26 = arith.constant 256 : index
    %get3A_27 = vector.load %arg2[%get3A_25, %get3A_26] : memref<1000x384xf32, #tpu.memory_space<vmem>>, vector<1000x128xf32>
    %get3A_28 = arith.constant 3 : index
    %get3A_29 = arith.constant 0 : index
    %get3A_30 = arith.constant 0 : index
    %get3A_31 = vector.load %arg3[%get3A_28, %get3A_29, %get3A_30] : memref<4x1000x128xf32, #tpu.memory_space<vmem>>, vector<1x1000x128xf32>
    %get3A_32 = vector.shape_cast %get3A_31 : vector<1x1000x128xf32> to vector<1000x128xf32>
    %add3A_33 = arith.addf %get3A_27, %get3A_32 : vector<1000x128xf32>
    %get3A_34 = arith.constant 0 : index
    %get3A_35 = arith.constant 0 : index
    %get3A_36 = vector.load %arg4[%get3A_34, %get3A_35] : memref<128x128xf32, #tpu.memory_space<vmem>>, vector<128x128xf32>
    %get3A_37 = arith.constant 0 : index
    %get3A_38 = arith.constant 0 : index
    %get3A_39 = vector.load %arg5[%get3A_37, %get3A_38] : memref<128x128xf32, #tpu.memory_space<vmem>>, vector<128x128xf32>
    %dot_general3A = arith.constant dense<0.000000e+00> : vector<1000x128xf32>
    %dot_general3A_40 = tpu.matmul %add3A_15, %get3A_36, %dot_general3A {dimension_numbers = #tpu.dot_dimension_numbers<[1], [0], [0], [1], [0, 0, 1, 1], [], []>, transpose_lhs_hint = false} : vector<1000x128xf32>, vector<128x128xf32>, vector<1000x128xf32> -> vector<1000x128xf32>
    %dot_general3A_41 = arith.constant dense<0.000000e+00> : vector<1000x128xf32>
    %dot_general3A_42 = tpu.matmul %add3A_24, %get3A_36, %dot_general3A_41 {dimension_numbers = #tpu.dot_dimension_numbers<[1], [0], [0], [1], [0, 0, 1, 1], [], []>, transpose_lhs_hint = false} : vector<1000x128xf32>, vector<128x128xf32>, vector<1000x128xf32> -> vector<1000x128xf32>
    %dot_general3A_43 = arith.constant dense<0.000000e+00> : vector<1000x128xf32>
    %dot_general3A_44 = tpu.matmul %add3A_33, %get3A_36, %dot_general3A_43 {dimension_numbers = #tpu.dot_dimension_numbers<[1], [0], [0], [1], [0, 0, 1, 1], [], []>, transpose_lhs_hint = false} : vector<1000x128xf32>, vector<128x128xf32>, vector<1000x128xf32> -> vector<1000x128xf32>
    %dot_general3A_45 = arith.constant dense<0.000000e+00> : vector<1000x128xf32>
    %dot_general3A_46 = tpu.matmul %add3A_15, %get3A_39, %dot_general3A_45 {dimension_numbers = #tpu.dot_dimension_numbers<[1], [0], [0], [1], [0, 0, 1, 1], [], []>, transpose_lhs_hint = false} : vector<1000x128xf32>, vector<128x128xf32>, vector<1000x128xf32> -> vector<1000x128xf32>
    %dot_general3A_47 = arith.constant dense<0.000000e+00> : vector<1000x128xf32>
    %dot_general3A_48 = tpu.matmul %add3A_24, %get3A_39, %dot_general3A_47 {dimension_numbers = #tpu.dot_dimension_numbers<[1], [0], [0], [1], [0, 0, 1, 1], [], []>, transpose_lhs_hint = false} : vector<1000x128xf32>, vector<128x128xf32>, vector<1000x128xf32> -> vector<1000x128xf32>
    %dot_general3A_49 = arith.constant dense<0.000000e+00> : vector<1000x128xf32>
    %dot_general3A_50 = tpu.matmul %add3A_33, %get3A_39, %dot_general3A_49 {dimension_numbers = #tpu.dot_dimension_numbers<[1], [0], [0], [1], [0, 0, 1, 1], [], []>, transpose_lhs_hint = false} : vector<1000x128xf32>, vector<128x128xf32>, vector<1000x128xf32> -> vector<1000x128xf32>
    %mul3A = arith.mulf %dot_general3A_46, %dot_general3A_46 : vector<1000x128xf32>
    %mul3A_51 = arith.mulf %dot_general3A_48, %dot_general3A_48 : vector<1000x128xf32>
    %add3A_52 = arith.addf %mul3A, %mul3A_51 : vector<1000x128xf32>
    %mul3A_53 = arith.mulf %dot_general3A_50, %dot_general3A_50 : vector<1000x128xf32>
    %add3A_54 = arith.addf %add3A_52, %mul3A_53 : vector<1000x128xf32>
    %mul3A_55 = arith.mulf %dot_general3A_40, %dot_general3A_46 : vector<1000x128xf32>
    %mul3A_56 = arith.mulf %dot_general3A_42, %dot_general3A_48 : vector<1000x128xf32>
    %add3A_57 = arith.addf %mul3A_55, %mul3A_56 : vector<1000x128xf32>
    %mul3A_58 = arith.mulf %dot_general3A_44, %dot_general3A_50 : vector<1000x128xf32>
    %add3A_59 = arith.addf %add3A_57, %mul3A_58 : vector<1000x128xf32>
    %get3A_60 = arith.constant 0 : index
    %get3A_61 = arith.constant 0 : index
    %get3A_62 = vector.load %arg6[%get3A_60, %get3A_61] : memref<256x128xf32, #tpu.memory_space<vmem>>, vector<256x128xf32>
    %slice3A = vector.extract_strided_slice %get3A_62 {offsets = [0, 0], sizes = [128, 128], strides = [1, 1]} : vector<256x128xf32> to vector<128x128xf32>
    %dot_general3A_63 = arith.constant dense<0.000000e+00> : vector<1000x128xf32>
    %dot_general3A_64 = tpu.matmul %add3A, %slice3A, %dot_general3A_63 {dimension_numbers = #tpu.dot_dimension_numbers<[1], [0], [0], [1], [0, 0, 1, 1], [], []>, transpose_lhs_hint = false} : vector<1000x128xf32>, vector<128x128xf32>, vector<1000x128xf32> -> vector<1000x128xf32>
    %slice3A_65 = vector.extract_strided_slice %get3A_62 {offsets = [128, 0], sizes = [128, 128], strides = [1, 1]} : vector<256x128xf32> to vector<128x128xf32>
    %dot_general3A_66 = arith.constant dense<0.000000e+00> : vector<1000x128xf32>
    %dot_general3A_67 = tpu.matmul %add3A_54, %slice3A_65, %dot_general3A_66 {dimension_numbers = #tpu.dot_dimension_numbers<[1], [0], [0], [1], [0, 0, 1, 1], [], []>, transpose_lhs_hint = false} : vector<1000x128xf32>, vector<128x128xf32>, vector<1000x128xf32> -> vector<1000x128xf32>
    %add3A_68 = arith.addf %dot_general3A_64, %dot_general3A_67 : vector<1000x128xf32>
    %get3A_69 = arith.constant 0 : index
    %get3A_70 = arith.constant 0 : index
    %get3A_71 = vector.load %arg7[%get3A_69, %get3A_70] : memref<1x128xf32, #tpu.memory_space<vmem>>, vector<1x128xf32>
    %add3A_72 = vector.broadcast %get3A_71 : vector<1x128xf32> to vector<1000x128xf32>
    %add3A_73 = arith.addf %add3A_68, %add3A_72 : vector<1000x128xf32>
    %logistic3A = arith.negf %add3A_73 : vector<1000x128xf32>
    %logistic3A_74 = math.exp %logistic3A : vector<1000x128xf32>
    %logistic3A_75 = arith.constant 1.000000e+00 : f32
    %logistic3A_76 = vector.broadcast %logistic3A_75 : f32 to vector<1000x128xf32>
    %logistic3A_77 = arith.addf %logistic3A_76, %logistic3A_74 : vector<1000x128xf32>
    %logistic3A_78 = arith.divf %logistic3A_76, %logistic3A_77 : vector<1000x128xf32>
    %mul3A_79 = arith.mulf %add3A_73, %logistic3A_78 : vector<1000x128xf32>
    %get3A_80 = arith.constant 0 : index
    %get3A_81 = arith.constant 0 : index
    %get3A_82 = vector.load %arg8[%get3A_80, %get3A_81] : memref<128x384xf32, #tpu.memory_space<vmem>>, vector<128x384xf32>
    %dot_general3A_83 = arith.constant dense<0.000000e+00> : vector<1000x384xf32>
    %dot_general3A_84 = tpu.matmul %mul3A_79, %get3A_82, %dot_general3A_83 {dimension_numbers = #tpu.dot_dimension_numbers<[1], [0], [0], [1], [0, 0, 1, 1], [], []>, transpose_lhs_hint = false} : vector<1000x128xf32>, vector<128x384xf32>, vector<1000x384xf32> -> vector<1000x384xf32>
    %get3A_85 = arith.constant 0 : index
    %get3A_86 = arith.constant 0 : index
    %get3A_87 = vector.load %arg9[%get3A_85, %get3A_86] : memref<1x384xf32, #tpu.memory_space<vmem>>, vector<1x384xf32>
    %add3A_88 = vector.broadcast %get3A_87 : vector<1x384xf32> to vector<1000x384xf32>
    %add3A_89 = arith.addf %dot_general3A_84, %add3A_88 : vector<1000x384xf32>
    %slice3A_90 = vector.extract_strided_slice %add3A_89 {offsets = [0, 0], sizes = [1000, 128], strides = [1, 1]} : vector<1000x384xf32> to vector<1000x128xf32>
    %add3A_91 = arith.addf %add3A, %slice3A_90 : vector<1000x128xf32>
    %slice3A_92 = vector.extract_strided_slice %add3A_89 {offsets = [0, 128], sizes = [1000, 128], strides = [1, 1]} : vector<1000x384xf32> to vector<1000x128xf32>
    %mul3A_93 = arith.mulf %slice3A_92, %add3A_59 : vector<1000x128xf32>
    %add3A_94 = arith.addf %add3A_91, %mul3A_93 : vector<1000x128xf32>
    %swap3A = arith.constant 0 : index
    %swap3A_95 = arith.constant 0 : index
    %swap3A_96 = vector.load %arg10[%swap3A, %swap3A_95] : memref<1000x128xf32, #tpu.memory_space<vmem>>, vector<1000x128xf32>
    tpu.vector_store %arg10[%swap3A, %swap3A_95], %add3A_94 {strides = array<i32>} : memref<1000x128xf32, #tpu.memory_space<vmem>>, vector<1000x128xf32>,
    %slice3A_97 = vector.extract_strided_slice %add3A_89 {offsets = [0, 256], sizes = [1000, 128], strides = [1, 1]} : vector<1000x384xf32> to vector<1000x128xf32>
    %mul3A_98 = arith.mulf %slice3A_97, %dot_general3A_40 : vector<1000x128xf32>
    %add3A_99 = arith.addf %add3A_15, %mul3A_98 : vector<1000x128xf32>
    %swap3A_100 = arith.constant 0 : index
    %swap3A_101 = arith.constant 0 : index
    %swap3A_102 = vector.load %arg11[%swap3A_100, %swap3A_101] : memref<1000x384xf32, #tpu.memory_space<vmem>>, vector<1000x128xf32>
    tpu.vector_store %arg11[%swap3A_100, %swap3A_101], %add3A_99 {strides = array<i32>} : memref<1000x384xf32, #tpu.memory_space<vmem>>, vector<1000x128xf32>,
    %slice3A_103 = vector.extract_strided_slice %add3A_89 {offsets = [0, 256], sizes = [1000, 128], strides = [1, 1]} : vector<1000x384xf32> to vector<1000x128xf32>
    %mul3A_104 = arith.mulf %slice3A_103, %dot_general3A_42 : vector<1000x128xf32>
    %add3A_105 = arith.addf %add3A_24, %mul3A_104 : vector<1000x128xf32>
    %swap3A_106 = arith.constant 0 : index
    %swap3A_107 = arith.constant 128 : index
    %swap3A_108 = vector.load %arg11[%swap3A_106, %swap3A_107] : memref<1000x384xf32, #tpu.memory_space<vmem>>, vector<1000x128xf32>
    tpu.vector_store %arg11[%swap3A_106, %swap3A_107], %add3A_105 {strides = array<i32>} : memref<1000x384xf32, #tpu.memory_space<vmem>>, vector<1000x128xf32>,
    %slice3A_109 = vector.extract_strided_slice %add3A_89 {offsets = [0, 256], sizes = [1000, 128], strides = [1, 1]} : vector<1000x384xf32> to vector<1000x128xf32>
    %mul3A_110 = arith.mulf %slice3A_109, %dot_general3A_44 : vector<1000x128xf32>
    %add3A_111 = arith.addf %add3A_33, %mul3A_110 : vector<1000x128xf32>
    %swap3A_112 = arith.constant 0 : index
    %swap3A_113 = arith.constant 256 : index
    %swap3A_114 = vector.load %arg11[%swap3A_112, %swap3A_113] : memref<1000x384xf32, #tpu.memory_space<vmem>>, vector<1000x128xf32>
    tpu.vector_store %arg11[%swap3A_112, %swap3A_113], %add3A_111 {strides = array<i32>} : memref<1000x384xf32, #tpu.memory_space<vmem>>, vector<1000x128xf32>,
    return
  }
  func.func @transform_0(%arg0: i32) -> (i32, i32) {
    %c0_i32 = arith.constant 0 : i32
    %c0_i32_0 = arith.constant 0 : i32
    return %arg0, %c0_i32 : i32, i32
  }
  func.func @transform_1(%arg0: i32) -> (i32, i32) {
    %c0_i32 = arith.constant 0 : i32
    %c0_i32_0 = arith.constant 0 : i32
    return %arg0, %c0_i32 : i32, i32
  }
  func.func @transform_2(%arg0: i32) -> (i32, i32, i32) {
    %c0_i32 = arith.constant 0 : i32
    %c0_i32_0 = arith.constant 0 : i32
    %c0_i32_1 = arith.constant 0 : i32
    return %c0_i32, %arg0, %c0_i32_0 : i32, i32, i32
  }
  func.func @transform_3(%arg0: i32) -> (i32, i32) {
    %c0_i32 = arith.constant 0 : i32
    %c0_i32_0 = arith.constant 0 : i32
    %c0_i32_1 = arith.constant 0 : i32
    return %c0_i32, %c0_i32_0 : i32, i32
  }
  func.func @transform_4(%arg0: i32) -> (i32, i32) {
    %c0_i32 = arith.constant 0 : i32
    %c0_i32_0 = arith.constant 0 : i32
    %c0_i32_1 = arith.constant 0 : i32
    return %c0_i32, %c0_i32_0 : i32, i32
  }
  func.func @transform_5(%arg0: i32) -> (i32, i32) {
    %c0_i32 = arith.constant 0 : i32
    %c0_i32_0 = arith.constant 0 : i32
    %c0_i32_1 = arith.constant 0 : i32
    return %c0_i32, %c0_i32_0 : i32, i32
  }
  func.func @transform_6(%arg0: i32) -> (i32, i32) {
    %c0_i32 = arith.constant 0 : i32
    %c0_i32_0 = arith.constant 0 : i32
    %c0_i32_1 = arith.constant 0 : i32
    return %c0_i32, %c0_i32_0 : i32, i32
  }
  func.func @transform_7(%arg0: i32) -> (i32, i32) {
    %c0_i32 = arith.constant 0 : i32
    %c0_i32_0 = arith.constant 0 : i32
    %c0_i32_1 = arith.constant 0 : i32
    return %c0_i32, %c0_i32_0 : i32, i32
  }
  func.func @transform_8(%arg0: i32) -> (i32, i32) {
    %c0_i32 = arith.constant 0 : i32
    %c0_i32_0 = arith.constant 0 : i32
    %c0_i32_1 = arith.constant 0 : i32
    return %c0_i32, %c0_i32_0 : i32, i32
  }
  func.func @transform_9(%arg0: i32) -> (i32, i32) {
    %c0_i32 = arith.constant 0 : i32
    %c0_i32_0 = arith.constant 0 : i32
    return %arg0, %c0_i32 : i32, i32
  }
  func.func @transform_10(%arg0: i32) -> (i32, i32) {
    %c0_i32 = arith.constant 0 : i32
    %c0_i32_0 = arith.constant 0 : i32
    return %arg0, %c0_i32 : i32, i32
  }
}

</mosaic_0001>

<sc_bundles>
// kernel: kernel.12.cloned.1.call-start
scs
__scs_entry_jumppad:
0x0: {  	(pc) =	sbr.rel $0x88, $3  }
0x1: {  	(tag) =	ssettag $0x0;
	lr =	simm.s32 $0x1  }
0x2: {  	[smem:$0x3F8F] =	sst lr;
	_ =	strace $0xD0000000  }
0x3: {  	_ = 	snop  }
0x4: {  	_ = 	snop  }
0x5: {  	_ = 	snop  }
0x6: {  	_ = 	snop  }
0x7: {  	_ = 	snop  }
__scs_overlays_trampoline_lowered:
0x8: {  	[smem:$0x3F9E] =	sst s0  }
0x9: {  	[smem:$0x3F9F] =	sst s1  }
0xa: {  	[smem:$0x3FA0] =	sst s2  }
0xb: {  	[smem:$0x3FA1] =	sst s3  }
0xc: {  	[smem:$0x3FA2] =	sst s4  }
0xd: {  	[smem:$0x3FA3] =	sst s5  }
0xe: {  	[smem:$0x3FA4] =	sst s6  }
0xf: {  	[smem:$0x3FA5] =	sst s7  }
0x10: {  	[smem:$0x3FA6] =	sst s8  }
0x11: {  	[smem:$0x3FA7] =	sst s9;
	s0 =	simm.s32 @!p0 $0x0  }
0x12: {  	s1 =	sld [smem:$0x3F8D];
	s0 =	simm.s32 @p0 $0x1  }
0x13: {  	[smem:$0x3FA8] =	sst s0;
	s0 =	simm.s32 @!p1 $0x0  }
0x14: {  	s2 =	sld [smem:$0x3F8C];
	s0 =	simm.s32 @p1 $0x1  }
0x15: {  	[smem:$0x3FA9] =	sst s0;
	s0 =	simm.s32 @!p2 $0x0  }
0x16: {  	s3 =	sld [smem:$0x3FDB];
	s0 =	simm.s32 @p2 $0x1  }
0x17: {  	s4 =	simm.s32 $0x1BF5;
	[smem:$0x3FAB] =	sst s0  }
0x18: {  	s0 =	sld [smem:$0x3F8E];
	_ =	swait.ge [sflag:s4], $0x0  }
0x19: {  	s7 =	sld [smem:$0x3F8F]  }
0x1a: {  	s8 =	sadd.s32 $0xFFFFE003, lr  }
0x1b: {  	s9 =	sadd.s32 $0xFFFFFEF7, lr;
	s5 =	simm.s32 $0xFFFFFFFF;
	p2 =	slt.u32 s8, $0xFFFFF086  }
0x1c: {  	p1 =	slt.u32 s9, $0xF7A;
	s5 =	simm.s32 @!p2 $0x0  }
0x1d: {  	s5 =	simm.s32 @p1 $0x1;
	p0 =	seq.s32 s7, s2  }
0x1e: {  	s7 =	smul.u32 @!p0 $0xF7A, s2;
	p2 =	seq.s32 @!p0 s5, $0x0  }
0x1f: {  	s9 =	smul.u32 $0xF7A, s1;
	s8 =	simm.s32 @!p0 $0x1BF5;
	p2 =	por !p2, p0  }
0x20: {  	[sflag:s8] =	ssyncset.s32 @!p0 $0xFFFFF086;
	s6 =	sadd.s32 @!p0 s3, s7;
	s7 =	simm.s32 @!p0 $0x108  }
0x21: {  	s3 =	sadd.s32 s3, s9;
	s6 =	sadd.s32 @!p0 $0x88, s6;
	s7 =	simm.s32 @p2 $0x1082  }
0x22: {  	[simem:s7], [sflag:s8] =	dma.local @!p0 [hbm:s6], $0xF7A  }
0x23: {  	s9 =	sor.u32 $0xD0000000, s2;
	s6 =	simm.s32 $0x108;
	_ =	swait.ge @!p0 [sflag:s8], $0x0  }
0x24: {  	s3 =	sadd.s32 $0x88, s3;
	s6 =	simm.s32 @!p1 $0x1082;
	[sflag:s4] =	ssyncset.s32 $0xFFFFF086  }
0x25: {  	[simem:s6], [sflag:s4] =	dma.local [hbm:s3], $0xF7A  }
0x26: {  	[smem:$0x3F8F] =	sst s1;
	(tag) =	ssettag s2;
	_ =	strace s9  }
0x27: {  	s1 =	sld [smem:$0x3F9F]  }
0x28: {  	s2 =	sld [smem:$0x3FA0]  }
0x29: {  	s4 =	sld [smem:$0x3FA2]  }
0x2a: {  	p0 =	seq.s32 s5, $0x0;
	s5 =	sld [smem:$0x3FA3]  }
0x2b: {  	s6 =	sld [smem:$0x3FA4]  }
0x2c: {  	s7 =	sld [smem:$0x3FA5]  }
0x2d: {  	s3 =	simm.s32 $0x108;
	s8 =	sld [smem:$0x3FA6]  }
0x2e: {  	s3 =	simm.s32 @!p0 $0x1082;
	s9 =	sld [smem:$0x3FA7]  }
0x2f: {  	lr =	sadd.s32 s0, s3;
	s0 =	sld [smem:$0x3F9E]  }
0x30: {  	s3 =	sld [smem:$0x3FA1]  }
0x31: {  	[smem:$0x3FAA] =	sst s10  }
0x32: {  	s10 =	sld [smem:$0x3FA8];
	_ =	sdelay $0x3  }
0x33: {  	p0 =	seq.s32 s10, $0x1;
	s10 =	sld [smem:$0x3FAA];
	_ =	sdelay $0x3  }
0x34: {  	[smem:$0x3FAA] =	sst s10  }
0x35: {  	s10 =	sld [smem:$0x3FA9];
	_ =	sdelay $0x3  }
0x36: {  	p1 =	seq.s32 s10, $0x1;
	s10 =	sld [smem:$0x3FAA];
	_ =	sdelay $0x3  }
0x37: {  	[smem:$0x3FAA] =	sst s10  }
0x38: {  	s10 =	sld [smem:$0x3FAB]  }
0x39: {  	_ = 	snop;
	(pc) =	sbr.ind lr, $3  }
0x3a: {  	_ = 	snop  }
0x3b: {  	_ = 	snop  }
0x3c: {  	p2 =	seq.s32 s10, $0x1;
	s10 =	sld [smem:$0x3FAA]  }
0x3d: {  	_ =	shalt  }
0x3e: {  	_ =	shalt  }
0x3f: {  	_ =	shalt  }
0x40: {  	_ =	shalt  }
0x41: {  	_ =	shalt  }
0x42: {  	_ =	shalt  }
0x43: {  	_ =	shalt  }
0x44: {  	_ =	shalt  }
0x45: {  	_ =	shalt  }
0x46: {  	_ =	shalt  }
0x47: {  	_ =	shalt  }
0x48: {  	_ =	shalt  }
0x49: {  	_ =	shalt  }
0x4a: {  	_ =	shalt  }
0x4b: {  	_ =	shalt  }
0x4c: {  	_ =	shalt  }
0x4d: {  	_ =	shalt  }
0x4e: {  	_ =	shalt  }
0x4f: {  	_ =	shalt  }
0x50: {  	_ =	shalt  }
0x51: {  	_ =	shalt  }
0x52: {  	_ =	shalt  }
0x53: {  	_ =	shalt  }
0x54: {  	_ =	shalt  }
0x55: {  	_ =	shalt  }
0x56: {  	_ =	shalt  }
0x57: {  	_ =	shalt  }
0x58: {  	_ =	shalt  }
0x59: {  	_ =	shalt  }
0x5a: {  	_ =	shalt  }
0x5b: {  	_ =	shalt  }
0x5c: {  	_ =	shalt  }
0x5d: {  	_ =	shalt  }
0x5e: {  	_ =	shalt  }
0x5f: {  	_ =	shalt  }
0x60: {  	_ =	shalt  }
0x61: {  	_ =	shalt  }
0x62: {  	_ =	shalt  }
0x63: {  	_ =	shalt  }
0x64: {  	_ =	shalt  }
0x65: {  	_ =	shalt  }
0x66: {  	_ =	shalt  }
0x67: {  	_ =	shalt  }
0x68: {  	_ =	shalt  }
0x69: {  	_ =	shalt  }
0x6a: {  	_ =	shalt  }
0x6b: {  	_ =	shalt  }
0x6c: {  	_ =	shalt  }
0x6d: {  	_ =	shalt  }
0x6e: {  	_ =	shalt  }
0x6f: {  	_ =	shalt  }
0x70: {  	_ =	shalt  }
0x71: {  	_ =	shalt  }
0x72: {  	_ =	shalt  }
0x73: {  	_ =	shalt  }
0x74: {  	_ =	shalt  }
0x75: {  	_ =	shalt  }
0x76: {  	_ =	shalt  }
0x77: {  	_ =	shalt  }
0x78: {  	_ =	shalt  }
0x79: {  	_ =	shalt  }
0x7a: {  	_ =	shalt  }
0x7b: {  	_ =	shalt  }
0x7c: {  	_ =	shalt  }
0x7d: {  	_ =	shalt  }
0x7e: {  	_ =	shalt  }
0x7f: {  	_ =	shalt  }
0x80: {  	_ =	shalt  }
0x81: {  	_ =	shalt  }
0x82: {  	_ =	shalt  }
0x83: {  	_ =	shalt  }
0x84: {  	_ =	shalt  }
0x85: {  	_ =	shalt  }
0x86: {  	_ =	shalt  }
0x87: {  	_ =	shalt  }
.Lfunc_end0:
.L_simem_size_0:
called_computation.1_lowered:
.L_overlay_start_0:
0x88: {  	s2 =	sld [smem:$0x3FD9]  }
0x89: {  	s3 =	sld [smem:$0x3FFE];
	_ =	sdelay $0x1  }
0x8a: {  	s1 =	srdreg.scid  }
0x8b: {  	s0 =	sand.u32 $0x1, s1  }
0x8c: {  	s17 =	sshll.u32 s0, $0xA;
	s2 =	sadd.s32 s3, s2  }
0x8d: {  	s2 =	sadd.s32 s2, s17  }
0x8e: {  	[smem:$0x3FB6] =	sst s2  }
0x8f: {  	_ = 	snop  }
0x90: {  	(tm) =	ssettm $0x1  }
0x91: {  	s18 =	sld [smem:$0x3FFB];
	_ =	sdelay $0x3  }
0x92: {  	_ =	strace s18  }
0x93: {  	s2 =	sld [smem:$0x3FFC];
	_ =	sdelay $0x3  }
0x94: {  	_ =	strace s2  }
0x95: {  	s2 =	sld [smem:$0x3FFD];
	_ =	sdelay $0x3  }
0x96: {  	_ =	strace s2  }
0x97: {  	_ =	strace $0x8FFFFFFF  }
0x98: {  	s19 =	sld [smem:$0x3FDB];
	_ =	sdelay $0x1  }
0x99: {  	s20 =	simm.s32 $_scs_section_size  }
0x9a: {  	s4 =	simm.s32 $_size__tile_overlayer_lowered;
	s5 =	simm.s32 $_tile_overlayer_lowered  }
0x9b: {  	s6 =	simm.s32 $0x1BFF;
	s21 =	sshll.u32 s5, $0x1;
	s3 =	sadd.s32 s20, s19  }
0x9c: {  	s22 =	simm.s32 $0x0;
	s4 =	sshll.u32 s4, $0x1;
	s5 =	sadd.s32 s21, s3  }
0x9d: {  	[timem:s22], [sflag:s6] =	dma.local [hbm:s5], s4  }
0x9e: {  	_ =	swait.ge [sflag:s6], s4  }
0x9f: {  	s4 =	ssub.s32 $0x0, s4;
	[sflag:s6] =	ssyncset.done $0x0  }
0xa0: {  	[sflag:s6] =	ssyncadd.s32 s4;
	_ =	sdelay $0x1  }
0xa1: {  	s23 =	simm.s32 $0x1B8B  }
0xa2: {  	_ =	swait.ge [sflag:s23], $0x1  }
0xa3: {  	[sflag:s23] =	ssyncset.done $0x0  }
0xa4: {  	[sflag:s23] =	ssyncadd.s32 $0xFFFFFFFF  }
0xa5: {  	s4 =	sld [smem:$0x0]  }
0xa6: {  	s5 =	sand.u32 $0xFFFFFFFE, s1  }
0xa7: {  	p0 =	sne.s32 s1, s5  }
0xa8: {  	s5 =	sshll.u32 @p0 s5, $0xE  }
0xa9: {  	s5 =	sadd.s32 @p0 $0x11B8D, s5;
	s6 =	sshll.u32 @p0 s4, $0x11  }
0xaa: {  	s5 =	sor.u32 @p0 s6, s5  }
0xab: {  	[sflag:s5] =	ssyncadd.remote.s32 @p0 $0x1;
	_ =	sdelay $0x1  }
0xac: {  	s5 =	simm.s32 @p0 $0x1B8D  }
0xad: {  	_ =	swait.eq @p0 [sflag:s5], $0x1  }
0xae: {  	[sflag:s5] =	ssyncadd.s32 @p0 $0xFFFFFFFF  }
0xaf: {  	s6 =	sshll.u32 @!p0 s1, $0xE  }
0xb0: {  	s6 =	sor.u32 @!p0 $0x4000, s6;
	s5 =	simm.s32 @!p0 $0x1B8D  }
0xb1: {  	s4 =	sshll.u32 @!p0 s4, $0x11;
	s6 =	sadd.s32 @!p0 $0x11B8D, s6;
	_ =	swait.eq @!p0 [sflag:s5], $0x1  }
0xb2: {  	s4 =	sor.u32 @!p0 s4, s6;
	[sflag:s5] =	ssyncadd.s32 @!p0 $0xFFFFFFFF  }
0xb3: {  	s25 =	simm.s32 $0x1B8E;
	s24 =	sld [smem:$0x3FFE];
	[sflag:s4] =	ssyncadd.remote.s32 @!p0 $0x1  }
0xb4: {  	s26 =	simm.s32 $execute0_lowered;
	[smem:$0x3FD2] =	sst s25  }
0xb5: {  	s5 =	sshll.u32 s26, $0x1;
	_ =	strace $0x80000049;
	[dreg:$0x1] =	wrdreg $0xFFFFFFFF  }
0xb6: {  	s28 =	simm.s32 $_size_execute0_lowered;
	s3 =	sadd.s32 s3, s5;
	[dreg:$0x0] =	wrdreg $0x0  }
0xb7: {  	s5 =	sshll.u32 s28, $0x1;
	[dreg:$0x2] =	wrdreg s3  }
0xb8: {  	[dreg:$0x3] =	wrdreg s5  }
0xb9: {  	[dreg:$0x4] =	wrdreg $0xC0  }
0xba: {  	_ =	task [dreg:s22], $0x5FFFF  }
0xbb: {  	[dreg:$0x1] =	wrdreg $0xFFFFFFFF  }
0xbc: {  	[dreg:$0x0] =	wrdreg $0x60  }
0xbd: {  	[dreg:$0x2] =	wrdreg s24  }
0xbe: {  	[dreg:$0x3] =	wrdreg $0xA  }
0xbf: {  	_ =	task.clear_ibuf [dreg:s22], $0x4FFFF;
	_ =	strace $0x90000049  }
0xc0: {  	s29 =	simm.s32 $0xA;
	_ =	strace $0x8000004B  }
0xc1: {  	_ =	swait.ge [sflag:s29], $0x1  }
0xc2: {  	[sflag:s29] =	ssyncadd.s32 $0xFFFFFFFF  }
0xc3: {  	_ =	strace $0x9000004B  }
0xc4: {  	_ =	sfence  }
0xc5: {  	s30 =	sld [smem:$0x0];
	_ =	sdelay $0x2  }
0xc6: {  	s31 =	sshll.u32 s1, $0xD;
	s1 =	sshrl.u32 s1, $0x2  }
0xc7: {  	s4 =	sand.u32 $0x4000, s31;
	s1 =	sadd.s32 s1, s30  }
0xc8: {  	s0 =	sor.u32 s4, s0;
	s1 =	sshll.u32 s1, $0x11  }
0xc9: {  	s0 =	sor.u32 s1, s0  }
0xca: {  	s0 =	sadd.s32 $0x8F2B, s0  }
0xcb: {  	[sflag:s0] =	ssyncadd.remote.s32 $0x1  }
0xcc: {  	_ =	sfence.sel $0xFFFF  }
0xcd: {  	[dreg:$0x0] =	wrdreg $0xFFFFFFFF;
	(pc) =	sbr.abs _section_cstart, $3  }
0xce: {  	[dreg:$0x1] =	wrdreg $0xFFFFFFFF  }
0xcf: {  	_ =	task.clear_ibuf [dreg:s22], $0x2FFFF;
	_ =	strace $0x9FFFFFFF  }
0xd0: {  	(tm) =	ssettm $0x7FFFFFFF  }
0xd1: {  	_ =	shalt  }
tec
execute0_lowered:
.L_overlay_start_1:
0x0: {  	(tag) =	ssettag $0x1  }
0x1: {  	s0 =	srdreg.scid;
	s2 =	stileid.u32  }
0x2: {  	s4 =	rddreg [dreg:$0x0];
	s9 =	simm.s32 $0x2780;
	s15 =	simm.s32 $0x4B80  }
0x3: {  	s16 =	simm.s32 $0x5380;
	s17 =	simm.s32 $0x5780;
	s18 =	simm.s32 $0x5F80  }
0x4: {  	s19 =	simm.s32 $0x6380;
	s20 =	simm.s32 $0x6B80;
	s21 =	simm.s32 $0x6F80  }
0x5: {  	s22 =	simm.s32 $0x7780;
	s23 =	simm.s32 $0x7B80;
	s24 =	simm.s32 $0x8380  }
0x6: {  	s25 =	simm.s32 $0x8780;
	s28 =	simm.s32 $0x9380;
	s29 =	simm.s32 $0x9B80  }
0x7: {  	s30 =	simm.s32 $0x1;
	s31 =	simm.s32 $0x9F80;
	s7 =	simm.s32 $0x10780  }
0x8: {  	s8 =	simm.s32 $0x10B80;
	s0 =	sand.u32 $0x1, s0;
	s1 =	smul.u32 $0x4E20, s2  }
0x9: {  	s10 =	simm.s32 $0x11380;
	s5 =	sshll.u32 s2, $0x1;
	s3 =	smul.u32 $0x2710, s0  }
0xa: {  	s11 =	simm.s32 $0x0;
	s2 =	simm.s32 $0x0;
	s5 =	sor.u32 s0, s5  }
0xb: {  	[smem:$0x7FF] =	sst s2;
	s0 =	ssub.s32 $0x2, s0;
	s1 =	sadd.s32 s3, s1  }
0xc: {  	s5 =	smul.u32 $0x2710, s5;
	_ =	strace $0x8000004A;
	s1 =	sshrl.u32 s1, $0x3  }
0xd: {  	s6 =	sshrl.u32 s0, $0x1;
	s3 =	sadd.s32 $0xEB2A00, s4;
	s1 =	smul.u32 $0x180, s1  }
.Ltmp0:
0xe: {  	s0 =	ssub.s32 s0, s6;
	s5 =	sshrl.u32 s5, $0x3;
	(pc) =	sbr.rel .LBB2_1-.Ltmp0, $4  }
0xf: {  	s6 =	simm.s32 $0xFF80;
	s0 =	smax.u32 s0, $0x1;
	s5 =	sadd.s32 s5, s4  }
0x10: {  	v2 =	vlaneseq.u32;
	vm0 =	vmmov $0xffff;
	[dreg:$0x3] =	wrdreg s0;
	s5 =	sadd.s32 $0x2C00, s5;
	s1 =	sadd.s32 s1, s4  }
0x11: {  	vm1 =	vmmov $0xff;
	v1 =	vshrl.u32 v2, $0x3;
	v0 =	vand.u32 $0x7, v2;
	[dreg:$0x2] =	wrdreg s5;
	s5 =	sadd.s32 $0xEB2B00, s4;
	s26 =	sadd.s32 $0xF27E00, s1  }
0x12: {  	v2 =	vor.u32 $0x8, v2;
	v1 =	vmul.u32 $0x8, v1;
	v3 =	vor.u32 $0x8, v0;
	s1 =	simm.s32 $0x2;
	[dreg:$0x4] =	wrdreg s26;
	s26 =	simm.s32 $0x8F80  }
.LBB2_10:
0x13: {  	s11 =	sadd.s32 $0x1, s11;
	s0 =	rddreg [dreg:$0x3]  }
0x14: {  	p0 =	sne.s32 s11, s0  }
.Ltmp1:
0x15: {  	_ = 	snop;
	(pc) =	sbr.rel @!p0 .LBB2_11-.Ltmp1, $1  }
0x16: {  	_ =	sdelay $0x3  }
.LBB2_1:
0x17: {  	s0 =	rddreg [dreg:$0x2];
	s13 =	simm.s32 $0x3  }
0x18: {  	[tilespmem:s2], [sflag:$0x3] =	stream.linear.gather [hbm4b:s0+s2], $0x2710, $0x38;
	[tilespmem:$0x11780] =	vst v63  }
0x19: {  	_ =	swait.ge [sflag:s13], $0x2710  }
0x1a: {  	[sflag:s13] =	ssyncset.done $0x0  }
0x1b: {  	[sflag:s13] =	ssyncadd.s32 $0xFFFFD8F0  }
0x1c: {  	v4 =	vld [tilespmem:$0x0];
	_ =	sdelay $0x4  }
0x1d: {  	v5 =	vshrl.u32 v4, $0x3  }
0x1e: {  	v5 =	vmul.u32 $0x18, v5  }
0x1f: {  	v4 =	vand.u32 $0x7, v4  }
0x20: {  	v4 =	vor.u32 v4, v5  }
0x21: {  	v5 =	vperm.xlane v4, v0;
	_ =	sdelay $0x1  }
0x22: {  	v5 =	vadd.s32 v1, v5;
	_ =	sdelay $0x1  }
0x23: {  	v4 =	vperm.xlane v4, v2;
	_ =	sdelay $0x1  }
0x24: {  	v4 =	vadd.s32 v1, v4  }
0x25: {  	[tilespmem:s9], [sflag:$0x1] =	stream.indirect_vreg.gather [hbm4b:s3+s2], $0x80, v5, vm0, $0xb8;
	[tilespmem:$0x11780] =	vst v63  }
0x26: {  	s14 =	simm.s32 $0x2F80  }
0x27: {  	[tilespmem:s14], [sflag:$0x1] =	stream.indirect_vreg.gather [hbm4b:s5+s2], $0x80, v5, vm1, $0xb8;
	[tilespmem:$0x11780] =	vst v63  }
0x28: {  	s4 =	simm.s32 $0x3380  }
0x29: {  	[tilespmem:s4], [sflag:$0x1] =	stream.indirect_vreg.gather [hbm4b:s3+s2], $0x80, v4, vm0, $0xb8;
	[tilespmem:$0x11780] =	vst v63  }
0x2a: {  	s12 =	simm.s32 $0x3B80  }
0x2b: {  	[tilespmem:s12], [sflag:$0x1] =	stream.indirect_vreg.gather [hbm4b:s5+s2], $0x80, v4, vm1, $0xb8;
	[tilespmem:$0x11780] =	vst v63  }
0x2c: {  	v4 =	vld [tilespmem:$0x10];
	_ =	sdelay $0x4  }
0x2d: {  	v5 =	vshrl.u32 v4, $0x3  }
0x2e: {  	v5 =	vmul.u32 $0x18, v5  }
0x2f: {  	v4 =	vand.u32 $0x7, v4  }
0x30: {  	v4 =	vor.u32 v4, v5  }
0x31: {  	v5 =	vperm.xlane v4, v0;
	_ =	sdelay $0x1  }
0x32: {  	v5 =	vadd.s32 v1, v5;
	_ =	sdelay $0x1  }
0x33: {  	v4 =	vperm.xlane v4, v2;
	_ =	sdelay $0x1  }
0x34: {  	s13 =	simm.s32 $0x3F80;
	v4 =	vadd.s32 v1, v4  }
0x35: {  	[tilespmem:s13], [sflag:$0x1] =	stream.indirect_vreg.gather [hbm4b:s3+s2], $0x80, v5, vm0, $0xb8;
	[tilespmem:$0x11780] =	vst v63  }
0x36: {  	s14 =	simm.s32 $0x4780  }
0x37: {  	[tilespmem:s14], [sflag:$0x1] =	stream.indirect_vreg.gather [hbm4b:s5+s2], $0x80, v5, vm1, $0xb8;
	[tilespmem:$0x11780] =	vst v63  }
0x38: {  	_ = 	snop  }
0x39: {  	[tilespmem:s15], [sflag:$0x1] =	stream.indirect_vreg.gather [hbm4b:s3+s2], $0x80, v4, vm0, $0xb8;
	[tilespmem:$0x11780] =	vst v63  }
0x3a: {  	_ = 	snop  }
0x3b: {  	[tilespmem:s16], [sflag:$0x1] =	stream.indirect_vreg.gather [hbm4b:s5+s2], $0x80, v4, vm1, $0xb8;
	[tilespmem:$0x11780] =	vst v63  }
0x3c: {  	v4 =	vld [tilespmem:$0x20];
	_ =	sdelay $0x4  }
0x3d: {  	v5 =	vshrl.u32 v4, $0x3  }
0x3e: {  	v5 =	vmul.u32 $0x18, v5  }
0x3f: {  	v4 =	vand.u32 $0x7, v4  }
0x40: {  	v4 =	vor.u32 v4, v5  }
0x41: {  	v5 =	vperm.xlane v4, v0;
	_ =	sdelay $0x1  }
0x42: {  	v5 =	vadd.s32 v1, v5;
	_ =	sdelay $0x1  }
0x43: {  	v4 =	vperm.xlane v4, v2;
	_ =	sdelay $0x1  }
0x44: {  	v4 =	vadd.s32 v1, v4  }
0x45: {  	[tilespmem:s17], [sflag:$0x1] =	stream.indirect_vreg.gather [hbm4b:s3+s2], $0x80, v5, vm0, $0xb8;
	[tilespmem:$0x11780] =	vst v63  }
0x46: {  	_ = 	snop  }
0x47: {  	[tilespmem:s18], [sflag:$0x1] =	stream.indirect_vreg.gather [hbm4b:s5+s2], $0x80, v5, vm1, $0xb8;
	[tilespmem:$0x11780] =	vst v63  }
0x48: {  	_ = 	snop  }
0x49: {  	[tilespmem:s19], [sflag:$0x1] =	stream.indirect_vreg.gather [hbm4b:s3+s2], $0x80, v4, vm0, $0xb8;
	[tilespmem:$0x11780] =	vst v63  }
0x4a: {  	_ = 	snop  }
0x4b: {  	[tilespmem:s20], [sflag:$0x1] =	stream.indirect_vreg.gather [hbm4b:s5+s2], $0x80, v4, vm1, $0xb8;
	[tilespmem:$0x11780] =	vst v63  }
0x4c: {  	v4 =	vld [tilespmem:$0x30];
	_ =	sdelay $0x4  }
0x4d: {  	v5 =	vshrl.u32 v4, $0x3  }
0x4e: {  	v5 =	vmul.u32 $0x18, v5  }
0x4f: {  	v4 =	vand.u32 $0x7, v4  }
0x50: {  	v4 =	vor.u32 v4, v5  }
0x51: {  	v5 =	vperm.xlane v4, v0;
	_ =	sdelay $0x1  }
0x52: {  	v5 =	vadd.s32 v1, v5;
	_ =	sdelay $0x1  }
0x53: {  	v4 =	vperm.xlane v4, v2;
	_ =	sdelay $0x1  }
0x54: {  	v4 =	vadd.s32 v1, v4  }
0x55: {  	[tilespmem:s21], [sflag:$0x1] =	stream.indirect_vreg.gather [hbm4b:s3+s2], $0x80, v5, vm0, $0xb8;
	[tilespmem:$0x11780] =	vst v63  }
0x56: {  	_ = 	snop  }
0x57: {  	[tilespmem:s22], [sflag:$0x1] =	stream.indirect_vreg.gather [hbm4b:s5+s2], $0x80, v5, vm1, $0xb8;
	[tilespmem:$0x11780] =	vst v63  }
0x58: {  	_ = 	snop  }
0x59: {  	[tilespmem:s23], [sflag:$0x1] =	stream.indirect_vreg.gather [hbm4b:s3+s2], $0x80, v4, vm0, $0xb8;
	[tilespmem:$0x11780] =	vst v63  }
0x5a: {  	_ = 	snop  }
0x5b: {  	[tilespmem:s24], [sflag:$0x1] =	stream.indirect_vreg.gather [hbm4b:s5+s2], $0x80, v4, vm1, $0xb8;
	[tilespmem:$0x11780] =	vst v63  }
0x5c: {  	v4 =	vld [tilespmem:$0x40];
	_ =	sdelay $0x4  }
0x5d: {  	v5 =	vshrl.u32 v4, $0x3  }
0x5e: {  	v5 =	vmul.u32 $0x18, v5  }
0x5f: {  	v4 =	vand.u32 $0x7, v4  }
0x60: {  	v4 =	vor.u32 v4, v5  }
0x61: {  	v5 =	vperm.xlane v4, v0;
	_ =	sdelay $0x1  }
0x62: {  	v5 =	vadd.s32 v1, v5;
	_ =	sdelay $0x2  }
0x63: {  	v4 =	vperm.xlane v4, v2;
	_ =	sdelay $0x1  }
0x64: {  	v4 =	vadd.s32 v1, v4;
	[tilespmem:s25], [sflag:$0x1] =	stream.indirect_vreg.gather [hbm4b:s3+s2], $0x80, v5, vm0, $0xb8;
	[tilespmem:$0x11780] =	vst v63  }
0x65: {  	_ = 	snop  }
0x66: {  	[tilespmem:s26], [sflag:$0x1] =	stream.indirect_vreg.gather [hbm4b:s5+s2], $0x80, v5, vm1, $0xb8;
	[tilespmem:$0x11780] =	vst v63  }
.Ltmp2:
0x67: {  	_ = 	snop;
	(pc) =	sbr.rel .LBB2_2-.Ltmp2, $4  }
0x68: {  	_ = 	snop  }
0x69: {  	[tilespmem:s28], [sflag:$0x1] =	stream.indirect_vreg.gather [hbm4b:s3+s2], $0x80, v4, vm0, $0xb8;
	[tilespmem:$0x11780] =	vst v63  }
0x6a: {  	s0 =	simm.s32 $0x90;
	s4 =	simm.s32 $0x0;
	s12 =	rddreg [dreg:$0x4]  }
0x6b: {  	[tilespmem:s29], [sflag:$0x1] =	stream.indirect_vreg.gather [hbm4b:s5+s2], $0x80, v4, vm1, $0xb8;
	[tilespmem:$0x11780] =	vst v63  }
.LBB2_7:
0x6c: {  	_ =	swait.ge [sflag:s30], $0x7800  }
0x6d: {  	[sflag:s30] =	ssyncset.done $0x0  }
0x6e: {  	s4 =	simm.s32 $0x4;
	[sflag:s30] =	ssyncadd.s32 $0xFFFF8800  }
0x6f: {  	[hbm4b:s12+s2] =	stream.linear.scatter [tilespmem:s9], [sflag:$0x4], $0x7800, $0x38;
	[tilespmem:$0x11780] =	vst v63  }
.LBB2_9:
0x70: {  	p0 =	sne.s32 s13, $0x7D  }
.Ltmp3:
0x71: {  	_ = 	snop;
	(pc) =	sbr.rel @!p0 .LBB2_10-.Ltmp3, $4  }
0x72: {  	_ = 	snop  }
0x73: {  	_ =	swait.ge [sflag:s4], $0x7800  }
0x74: {  	s12 =	sadd.s32 $0xF00, s12;
	[sflag:s4] =	ssyncset.done $0x0  }
0x75: {  	s0 =	sadd.s32 $0x50, s0;
	[sflag:s4] =	ssyncadd.s32 $0xFFFF8800;
	s4 =	smov.u32 s13  }
.LBB2_2:
0x76: {  	p0 =	seq.s32 s4, $0x7C  }
.Ltmp4:
0x77: {  	_ = 	snop;
	(pc) =	sbr.rel @p0 .LBB2_7-.Ltmp4, $2  }
0x78: {  	_ =	sdelay $0x2  }
0x79: {  	s13 =	sadd.s32 $0x1, s4  }
0x7a: {  	v4 =	vld [tilespmem:s0+$0xFFFFFFC0];
	_ =	sdelay $0x4  }
0x7b: {  	s14 =	sand.u32 $0x1, s13;
	v5 =	vshrl.u32 v4, $0x3  }
0x7c: {  	p0 =	seq.s32 s14, $0x1;
	v5 =	vmul.u32 $0x18, v5  }
.Ltmp5:
0x7d: {  	v4 =	vand.u32 $0x7, v4;
	(pc) =	sbr.rel @!p0 .LBB2_4-.Ltmp5, $3  }
0x7e: {  	v4 =	vor.u32 v4, v5  }
0x7f: {  	v5 =	vperm.xlane v4, v0;
	v4 =	vperm.xlane v4, v3;
	_ =	sdelay $0x1  }
0x80: {  	v5 =	vadd.s32 v1, v5;
	v4 =	vadd.s32 v1, v4  }
0x81: {  	_ =	sdelay $0x3  }
0x82: {  	[tilespmem:s31], [sflag:$0x2] =	stream.indirect_vreg.gather [hbm4b:s3+s2], $0x80, v5, vm0, $0xb8;
	[tilespmem:$0x11780] =	vst v63  }
0x83: {  	s14 =	simm.s32 $0xA780  }
0x84: {  	[tilespmem:s14], [sflag:$0x2] =	stream.indirect_vreg.gather [hbm4b:s5+s2], $0x80, v5, vm1, $0xb8;
	[tilespmem:$0x11780] =	vst v63  }
0x85: {  	s14 =	simm.s32 $0xAB80  }
0x86: {  	[tilespmem:s14], [sflag:$0x2] =	stream.indirect_vreg.gather [hbm4b:s3+s2], $0x80, v4, vm0, $0xb8;
	[tilespmem:$0x11780] =	vst v63  }
0x87: {  	s14 =	simm.s32 $0xB380  }
0x88: {  	[tilespmem:s14], [sflag:$0x2] =	stream.indirect_vreg.gather [hbm4b:s5+s2], $0x80, v4, vm1, $0xb8;
	[tilespmem:$0x11780] =	vst v63  }
0x89: {  	v4 =	vld [tilespmem:s0+$0xFFFFFFD0];
	_ =	sdelay $0x4  }
0x8a: {  	v5 =	vshrl.u32 v4, $0x3  }
0x8b: {  	v5 =	vmul.u32 $0x18, v5  }
0x8c: {  	v4 =	vand.u32 $0x7, v4  }
0x8d: {  	v4 =	vor.u32 v4, v5  }
0x8e: {  	v5 =	vperm.xlane v4, v0;
	_ =	sdelay $0x1  }
0x8f: {  	v5 =	vadd.s32 v1, v5;
	_ =	sdelay $0x1  }
0x90: {  	v4 =	vperm.xlane v4, v3;
	_ =	sdelay $0x1  }
0x91: {  	s14 =	simm.s32 $0xB780;
	v4 =	vadd.s32 v1, v4  }
0x92: {  	[tilespmem:s14], [sflag:$0x2] =	stream.indirect_vreg.gather [hbm4b:s3+s2], $0x80, v5, vm0, $0xb8;
	[tilespmem:$0x11780] =	vst v63  }
0x93: {  	s14 =	simm.s32 $0xBF80  }
0x94: {  	[tilespmem:s14], [sflag:$0x2] =	stream.indirect_vreg.gather [hbm4b:s5+s2], $0x80, v5, vm1, $0xb8;
	[tilespmem:$0x11780] =	vst v63  }
0x95: {  	s14 =	simm.s32 $0xC380  }
0x96: {  	[tilespmem:s14], [sflag:$0x2] =	stream.indirect_vreg.gather [hbm4b:s3+s2], $0x80, v4, vm0, $0xb8;
	[tilespmem:$0x11780] =	vst v63  }
0x97: {  	s14 =	simm.s32 $0xCB80  }
0x98: {  	[tilespmem:s14], [sflag:$0x2] =	stream.indirect_vreg.gather [hbm4b:s5+s2], $0x80, v4, vm1, $0xb8;
	[tilespmem:$0x11780] =	vst v63  }
0x99: {  	v4 =	vld [tilespmem:s0+$0xFFFFFFE0];
	_ =	sdelay $0x4  }
0x9a: {  	v5 =	vshrl.u32 v4, $0x3  }
0x9b: {  	v5 =	vmul.u32 $0x18, v5  }
0x9c: {  	v4 =	vand.u32 $0x7, v4  }
0x9d: {  	v4 =	vor.u32 v4, v5  }
0x9e: {  	v5 =	vperm.xlane v4, v0;
	_ =	sdelay $0x1  }
0x9f: {  	v5 =	vadd.s32 v1, v5;
	_ =	sdelay $0x1  }
0xa0: {  	v4 =	vperm.xlane v4, v3;
	_ =	sdelay $0x1  }
0xa1: {  	s14 =	simm.s32 $0xCF80;
	v4 =	vadd.s32 v1, v4  }
0xa2: {  	[tilespmem:s14], [sflag:$0x2] =	stream.indirect_vreg.gather [hbm4b:s3+s2], $0x80, v5, vm0, $0xb8;
	[tilespmem:$0x11780] =	vst v63  }
0xa3: {  	s14 =	simm.s32 $0xD780  }
0xa4: {  	[tilespmem:s14], [sflag:$0x2] =	stream.indirect_vreg.gather [hbm4b:s5+s2], $0x80, v5, vm1, $0xb8;
	[tilespmem:$0x11780] =	vst v63  }
0xa5: {  	s14 =	simm.s32 $0xDB80  }
0xa6: {  	[tilespmem:s14], [sflag:$0x2] =	stream.indirect_vreg.gather [hbm4b:s3+s2], $0x80, v4, vm0, $0xb8;
	[tilespmem:$0x11780] =	vst v63  }
0xa7: {  	s14 =	simm.s32 $0xE380  }
0xa8: {  	[tilespmem:s14], [sflag:$0x2] =	stream.indirect_vreg.gather [hbm4b:s5+s2], $0x80, v4, vm1, $0xb8;
	[tilespmem:$0x11780] =	vst v63  }
0xa9: {  	v4 =	vld [tilespmem:s0+$0xFFFFFFF0];
	_ =	sdelay $0x4  }
0xaa: {  	v5 =	vshrl.u32 v4, $0x3  }
0xab: {  	v5 =	vmul.u32 $0x18, v5  }
0xac: {  	v4 =	vand.u32 $0x7, v4  }
0xad: {  	v4 =	vor.u32 v4, v5  }
0xae: {  	v5 =	vperm.xlane v4, v0;
	_ =	sdelay $0x1  }
0xaf: {  	v5 =	vadd.s32 v1, v5;
	_ =	sdelay $0x1  }
0xb0: {  	v4 =	vperm.xlane v4, v3;
	_ =	sdelay $0x1  }
0xb1: {  	s14 =	simm.s32 $0xE780;
	v4 =	vadd.s32 v1, v4  }
0xb2: {  	[tilespmem:s14], [sflag:$0x2] =	stream.indirect_vreg.gather [hbm4b:s3+s2], $0x80, v5, vm0, $0xb8;
	[tilespmem:$0x11780] =	vst v63  }
0xb3: {  	s14 =	simm.s32 $0xEF80  }
0xb4: {  	[tilespmem:s14], [sflag:$0x2] =	stream.indirect_vreg.gather [hbm4b:s5+s2], $0x80, v5, vm1, $0xb8;
	[tilespmem:$0x11780] =	vst v63  }
0xb5: {  	s14 =	simm.s32 $0xF380  }
0xb6: {  	[tilespmem:s14], [sflag:$0x2] =	stream.indirect_vreg.gather [hbm4b:s3+s2], $0x80, v4, vm0, $0xb8;
	[tilespmem:$0x11780] =	vst v63  }
0xb7: {  	s14 =	simm.s32 $0xFB80  }
0xb8: {  	[tilespmem:s14], [sflag:$0x2] =	stream.indirect_vreg.gather [hbm4b:s5+s2], $0x80, v4, vm1, $0xb8;
	[tilespmem:$0x11780] =	vst v63  }
0xb9: {  	v4 =	vld [tilespmem:s0+$0x0];
	_ =	sdelay $0x4  }
0xba: {  	v5 =	vshrl.u32 v4, $0x3  }
0xbb: {  	v5 =	vmul.u32 $0x18, v5  }
0xbc: {  	v4 =	vand.u32 $0x7, v4  }
0xbd: {  	v4 =	vor.u32 v4, v5  }
0xbe: {  	v5 =	vperm.xlane v4, v0;
	_ =	sdelay $0x1  }
0xbf: {  	v5 =	vadd.s32 v1, v5;
	_ =	sdelay $0x2  }
0xc0: {  	v4 =	vperm.xlane v4, v3;
	_ =	sdelay $0x1  }
0xc1: {  	v4 =	vadd.s32 v1, v4;
	[tilespmem:s6], [sflag:$0x2] =	stream.indirect_vreg.gather [hbm4b:s3+s2], $0x80, v5, vm0, $0xb8;
	[tilespmem:$0x11780] =	vst v63  }
0xc2: {  	_ = 	snop  }
0xc3: {  	[tilespmem:s7], [sflag:$0x2] =	stream.indirect_vreg.gather [hbm4b:s5+s2], $0x80, v5, vm1, $0xb8;
	[tilespmem:$0x11780] =	vst v63  }
.Ltmp6:
0xc4: {  	_ = 	snop;
	(pc) =	sbr.rel .LBB2_6-.Ltmp6, $4  }
0xc5: {  	_ = 	snop  }
0xc6: {  	[tilespmem:s8], [sflag:$0x2] =	stream.indirect_vreg.gather [hbm4b:s3+s2], $0x80, v4, vm0, $0xb8;
	[tilespmem:$0x11780] =	vst v63  }
0xc7: {  	_ = 	snop  }
0xc8: {  	[tilespmem:s10], [sflag:$0x2] =	stream.indirect_vreg.gather [hbm4b:s5+s2], $0x80, v4, vm1, $0xb8;
	[tilespmem:$0x11780] =	vst v63  }
.LBB2_4:
0xc9: {  	_ =	sdelay $0x3  }
0xca: {  	[tilespmem:s9], [sflag:$0x1] =	stream.indirect_vreg.gather [hbm4b:s3+s2], $0x80, v5, vm0, $0xb8;
	[tilespmem:$0x11780] =	vst v63  }
0xcb: {  	s14 =	simm.s32 $0x2F80  }
0xcc: {  	[tilespmem:s14], [sflag:$0x1] =	stream.indirect_vreg.gather [hbm4b:s5+s2], $0x80, v5, vm1, $0xb8;
	[tilespmem:$0x11780] =	vst v63  }
0xcd: {  	s14 =	simm.s32 $0x3380  }
0xce: {  	[tilespmem:s14], [sflag:$0x1] =	stream.indirect_vreg.gather [hbm4b:s3+s2], $0x80, v4, vm0, $0xb8;
	[tilespmem:$0x11780] =	vst v63  }
0xcf: {  	s14 =	simm.s32 $0x3B80  }
0xd0: {  	[tilespmem:s14], [sflag:$0x1] =	stream.indirect_vreg.gather [hbm4b:s5+s2], $0x80, v4, vm1, $0xb8;
	[tilespmem:$0x11780] =	vst v63  }
0xd1: {  	v4 =	vld [tilespmem:s0+$0xFFFFFFD0];
	_ =	sdelay $0x4  }
0xd2: {  	v5 =	vshrl.u32 v4, $0x3  }
0xd3: {  	v5 =	vmul.u32 $0x18, v5  }
0xd4: {  	v4 =	vand.u32 $0x7, v4  }
0xd5: {  	v4 =	vor.u32 v4, v5  }
0xd6: {  	v5 =	vperm.xlane v4, v0;
	_ =	sdelay $0x1  }
0xd7: {  	v5 =	vadd.s32 v1, v5;
	_ =	sdelay $0x1  }
0xd8: {  	v4 =	vperm.xlane v4, v3;
	_ =	sdelay $0x1  }
0xd9: {  	s14 =	simm.s32 $0x3F80;
	v4 =	vadd.s32 v1, v4  }
0xda: {  	[tilespmem:s14], [sflag:$0x1] =	stream.indirect_vreg.gather [hbm4b:s3+s2], $0x80, v5, vm0, $0xb8;
	[tilespmem:$0x11780] =	vst v63  }
0xdb: {  	s14 =	simm.s32 $0x4780  }
0xdc: {  	[tilespmem:s14], [sflag:$0x1] =	stream.indirect_vreg.gather [hbm4b:s5+s2], $0x80, v5, vm1, $0xb8;
	[tilespmem:$0x11780] =	vst v63  }
0xdd: {  	_ = 	snop  }
0xde: {  	[tilespmem:s15], [sflag:$0x1] =	stream.indirect_vreg.gather [hbm4b:s3+s2], $0x80, v4, vm0, $0xb8;
	[tilespmem:$0x11780] =	vst v63  }
0xdf: {  	_ = 	snop  }
0xe0: {  	[tilespmem:s16], [sflag:$0x1] =	stream.indirect_vreg.gather [hbm4b:s5+s2], $0x80, v4, vm1, $0xb8;
	[tilespmem:$0x11780] =	vst v63  }
0xe1: {  	v4 =	vld [tilespmem:s0+$0xFFFFFFE0];
	_ =	sdelay $0x4  }
0xe2: {  	v5 =	vshrl.u32 v4, $0x3  }
0xe3: {  	v5 =	vmul.u32 $0x18, v5  }
0xe4: {  	v4 =	vand.u32 $0x7, v4  }
0xe5: {  	v4 =	vor.u32 v4, v5  }
0xe6: {  	v5 =	vperm.xlane v4, v0;
	_ =	sdelay $0x1  }
0xe7: {  	v5 =	vadd.s32 v1, v5;
	_ =	sdelay $0x1  }
0xe8: {  	v4 =	vperm.xlane v4, v3;
	_ =	sdelay $0x1  }
0xe9: {  	v4 =	vadd.s32 v1, v4  }
0xea: {  	[tilespmem:s17], [sflag:$0x1] =	stream.indirect_vreg.gather [hbm4b:s3+s2], $0x80, v5, vm0, $0xb8;
	[tilespmem:$0x11780] =	vst v63  }
0xeb: {  	_ = 	snop  }
0xec: {  	[tilespmem:s18], [sflag:$0x1] =	stream.indirect_vreg.gather [hbm4b:s5+s2], $0x80, v5, vm1, $0xb8;
	[tilespmem:$0x11780] =	vst v63  }
0xed: {  	_ = 	snop  }
0xee: {  	[tilespmem:s19], [sflag:$0x1] =	stream.indirect_vreg.gather [hbm4b:s3+s2], $0x80, v4, vm0, $0xb8;
	[tilespmem:$0x11780] =	vst v63  }
0xef: {  	_ = 	snop  }
0xf0: {  	[tilespmem:s20], [sflag:$0x1] =	stream.indirect_vreg.gather [hbm4b:s5+s2], $0x80, v4, vm1, $0xb8;
	[tilespmem:$0x11780] =	vst v63  }
0xf1: {  	v4 =	vld [tilespmem:s0+$0xFFFFFFF0];
	_ =	sdelay $0x4  }
0xf2: {  	v5 =	vshrl.u32 v4, $0x3  }
0xf3: {  	v5 =	vmul.u32 $0x18, v5  }
0xf4: {  	v4 =	vand.u32 $0x7, v4  }
0xf5: {  	v4 =	vor.u32 v4, v5  }
0xf6: {  	v5 =	vperm.xlane v4, v0;
	_ =	sdelay $0x1  }
0xf7: {  	v5 =	vadd.s32 v1, v5;
	_ =	sdelay $0x1  }
0xf8: {  	v4 =	vperm.xlane v4, v3;
	_ =	sdelay $0x1  }
0xf9: {  	v4 =	vadd.s32 v1, v4  }
0xfa: {  	[tilespmem:s21], [sflag:$0x1] =	stream.indirect_vreg.gather [hbm4b:s3+s2], $0x80, v5, vm0, $0xb8;
	[tilespmem:$0x11780] =	vst v63  }
0xfb: {  	_ = 	snop  }
0xfc: {  	[tilespmem:s22], [sflag:$0x1] =	stream.indirect_vreg.gather [hbm4b:s5+s2], $0x80, v5, vm1, $0xb8;
	[tilespmem:$0x11780] =	vst v63  }
0xfd: {  	_ = 	snop  }
0xfe: {  	[tilespmem:s23], [sflag:$0x1] =	stream.indirect_vreg.gather [hbm4b:s3+s2], $0x80, v4, vm0, $0xb8;
	[tilespmem:$0x11780] =	vst v63  }
0xff: {  	_ = 	snop  }
0x100: {  	[tilespmem:s24], [sflag:$0x1] =	stream.indirect_vreg.gather [hbm4b:s5+s2], $0x80, v4, vm1, $0xb8;
	[tilespmem:$0x11780] =	vst v63  }
0x101: {  	v4 =	vld [tilespmem:s0+$0x0];
	_ =	sdelay $0x4  }
0x102: {  	v5 =	vshrl.u32 v4, $0x3  }
0x103: {  	v5 =	vmul.u32 $0x18, v5  }
0x104: {  	v4 =	vand.u32 $0x7, v4  }
0x105: {  	v4 =	vor.u32 v4, v5  }
0x106: {  	v5 =	vperm.xlane v4, v0;
	_ =	sdelay $0x1  }
0x107: {  	v5 =	vadd.s32 v1, v5;
	_ =	sdelay $0x1  }
0x108: {  	v4 =	vperm.xlane v4, v3;
	_ =	sdelay $0x1  }
0x109: {  	v4 =	vadd.s32 v1, v4  }
0x10a: {  	[tilespmem:s25], [sflag:$0x1] =	stream.indirect_vreg.gather [hbm4b:s3+s2], $0x80, v5, vm0, $0xb8;
	[tilespmem:$0x11780] =	vst v63  }
0x10b: {  	_ = 	snop  }
0x10c: {  	[tilespmem:s26], [sflag:$0x1] =	stream.indirect_vreg.gather [hbm4b:s5+s2], $0x80, v5, vm1, $0xb8;
	[tilespmem:$0x11780] =	vst v63  }
0x10d: {  	_ = 	snop  }
0x10e: {  	[tilespmem:s28], [sflag:$0x1] =	stream.indirect_vreg.gather [hbm4b:s3+s2], $0x80, v4, vm0, $0xb8;
	[tilespmem:$0x11780] =	vst v63  }
0x10f: {  	_ = 	snop  }
0x110: {  	[tilespmem:s29], [sflag:$0x1] =	stream.indirect_vreg.gather [hbm4b:s5+s2], $0x80, v4, vm1, $0xb8;
	[tilespmem:$0x11780] =	vst v63  }
.LBB2_6:
0x111: {  	s4 =	sand.u32 $0x1, s4  }
0x112: {  	p0 =	seq.s32 s4, $0x1  }
.Ltmp7:
0x113: {  	_ = 	snop;
	(pc) =	sbr.rel @!p0 .LBB2_7-.Ltmp7, $1  }
0x114: {  	_ =	sdelay $0x3  }
.Ltmp8:
0x115: {  	(pc) =	sbr.rel .LBB2_9-.Ltmp8, $4  }
0x116: {  	_ =	swait.ge [sflag:s1], $0x7800  }
0x117: {  	[sflag:s1] =	ssyncset.done $0x0  }
0x118: {  	s4 =	simm.s32 $0x3;
	[sflag:s1] =	ssyncadd.s32 $0xFFFF8800  }
0x119: {  	[hbm4b:s12+s2] =	stream.linear.scatter [tilespmem:s31], [sflag:$0x3], $0x7800, $0x38;
	[tilespmem:$0x11780] =	vst v63  }
.LBB2_11:
0x11a: {  	_ =	sfence.sel $0x180000  }
0x11b: {  	[bflag:$0x0] =	sbarrier.arrive $0xFFFF  }
0x11c: {  	_ =	strace $0x9000004A  }
0x11d: {  	s0 =	stileid.u32;
	[bflag:$0x2] =	sbarrier.arrive $0xFFFF  }
0x11e: {  	p0 =	sne.s32 s0, $0x0;
	s0 =	rddreg [dreg:$0x1]  }
0x11f: {  	s0 =	sadd.s32 @!p0 $0x100000, s0  }
0x120: {  	[sflag:s0] =	ssyncadd.tile.s32 @!p0 $0x1;
	_ =	shalt  }
.Lfunc_end2:
_tile_overlayer_lowered:
.L_overlay_start_2:
0x121: {  	(tag) =	ssettag $0x2  }
0x122: {  	s0 =	rddreg [dreg:$0x0];
	s2 =	stileid.u32  }
0x123: {  	s1 =	rddreg [dreg:$0x1];
	p0 =	sne.s32 s2, $0x0  }
0x124: {  	s3 =	rddreg [dreg:$0x2];
	[bflag:$0x3] =	sbarrier.arrive $0xFFFF;
	s2 =	simm.s32 @!p0 $0x1C03  }
0x125: {  	[timem:s3], [sflag:s2] =	dma.local @!p0 [hbm:s0], s1  }
0x126: {  	s0 =	simm.s32 @!p0 $0x3  }
0x127: {  	_ =	swait.ge @!p0 [sflag:s0], s1  }
0x128: {  	s1 =	ssub.s32 @!p0 $0x0, s1;
	[sflag:s0] =	ssyncset.done @!p0 $0x0  }
0x129: {  	[sflag:s0] =	ssyncadd.s32 @!p0 s1  }
0x12a: {  	[bflag:$0x3] =	sbarrier.arrive $0xFFFF  }
0x12b: {  	_ =	shalt  }

// kernel: kernel.15.cloned.1.call-start
scs
__scs_entry_jumppad:
0x0: {  	(pc) =	sbr.rel $0x88, $3  }
0x1: {  	(tag) =	ssettag $0x0;
	lr =	simm.s32 $0x1  }
0x2: {  	[smem:$0x3F8F] =	sst lr;
	_ =	strace $0xD0000000  }
0x3: {  	_ = 	snop  }
0x4: {  	_ = 	snop  }
0x5: {  	_ = 	snop  }
0x6: {  	_ = 	snop  }
0x7: {  	_ = 	snop  }
__scs_overlays_trampoline_lowered:
0x8: {  	[smem:$0x3F9E] =	sst s0  }
0x9: {  	[smem:$0x3F9F] =	sst s1  }
0xa: {  	[smem:$0x3FA0] =	sst s2  }
0xb: {  	[smem:$0x3FA1] =	sst s3  }
0xc: {  	[smem:$0x3FA2] =	sst s4  }
0xd: {  	[smem:$0x3FA3] =	sst s5  }
0xe: {  	[smem:$0x3FA4] =	sst s6  }
0xf: {  	[smem:$0x3FA5] =	sst s7  }
0x10: {  	[smem:$0x3FA6] =	sst s8  }
0x11: {  	[smem:$0x3FA7] =	sst s9;
	s0 =	simm.s32 @!p0 $0x0  }
0x12: {  	s1 =	sld [smem:$0x3F8D];
	s0 =	simm.s32 @p0 $0x1  }
0x13: {  	[smem:$0x3FA8] =	sst s0;
	s0 =	simm.s32 @!p1 $0x0  }
0x14: {  	s2 =	sld [smem:$0x3F8C];
	s0 =	simm.s32 @p1 $0x1  }
0x15: {  	[smem:$0x3FA9] =	sst s0;
	s0 =	simm.s32 @!p2 $0x0  }
0x16: {  	s3 =	sld [smem:$0x3FDB];
	s0 =	simm.s32 @p2 $0x1  }
0x17: {  	s4 =	simm.s32 $0x1BF5;
	[smem:$0x3FAB] =	sst s0  }
0x18: {  	s0 =	sld [smem:$0x3F8E];
	_ =	swait.ge [sflag:s4], $0x0  }
0x19: {  	s7 =	sld [smem:$0x3F8F]  }
0x1a: {  	s8 =	sadd.s32 $0xFFFFE003, lr  }
0x1b: {  	s9 =	sadd.s32 $0xFFFFFEF7, lr;
	s5 =	simm.s32 $0xFFFFFFFF;
	p2 =	slt.u32 s8, $0xFFFFF086  }
0x1c: {  	p1 =	slt.u32 s9, $0xF7A;
	s5 =	simm.s32 @!p2 $0x0  }
0x1d: {  	s5 =	simm.s32 @p1 $0x1;
	p0 =	seq.s32 s7, s2  }
0x1e: {  	s7 =	smul.u32 @!p0 $0xF7A, s2;
	p2 =	seq.s32 @!p0 s5, $0x0  }
0x1f: {  	s9 =	smul.u32 $0xF7A, s1;
	s8 =	simm.s32 @!p0 $0x1BF5;
	p2 =	por !p2, p0  }
0x20: {  	[sflag:s8] =	ssyncset.s32 @!p0 $0xFFFFF086;
	s6 =	sadd.s32 @!p0 s3, s7;
	s7 =	simm.s32 @!p0 $0x108  }
0x21: {  	s3 =	sadd.s32 s3, s9;
	s6 =	sadd.s32 @!p0 $0x88, s6;
	s7 =	simm.s32 @p2 $0x1082  }
0x22: {  	[simem:s7], [sflag:s8] =	dma.local @!p0 [hbm:s6], $0xF7A  }
0x23: {  	s9 =	sor.u32 $0xD0000000, s2;
	s6 =	simm.s32 $0x108;
	_ =	swait.ge @!p0 [sflag:s8], $0x0  }
0x24: {  	s3 =	sadd.s32 $0x88, s3;
	s6 =	simm.s32 @!p1 $0x1082;
	[sflag:s4] =	ssyncset.s32 $0xFFFFF086  }
0x25: {  	[simem:s6], [sflag:s4] =	dma.local [hbm:s3], $0xF7A  }
0x26: {  	[smem:$0x3F8F] =	sst s1;
	(tag) =	ssettag s2;
	_ =	strace s9  }
0x27: {  	s1 =	sld [smem:$0x3F9F]  }
0x28: {  	s2 =	sld [smem:$0x3FA0]  }
0x29: {  	s4 =	sld [smem:$0x3FA2]  }
0x2a: {  	p0 =	seq.s32 s5, $0x0;
	s5 =	sld [smem:$0x3FA3]  }
0x2b: {  	s6 =	sld [smem:$0x3FA4]  }
0x2c: {  	s7 =	sld [smem:$0x3FA5]  }
0x2d: {  	s3 =	simm.s32 $0x108;
	s8 =	sld [smem:$0x3FA6]  }
0x2e: {  	s3 =	simm.s32 @!p0 $0x1082;
	s9 =	sld [smem:$0x3FA7]  }
0x2f: {  	lr =	sadd.s32 s0, s3;
	s0 =	sld [smem:$0x3F9E]  }
0x30: {  	s3 =	sld [smem:$0x3FA1]  }
0x31: {  	[smem:$0x3FAA] =	sst s10  }
0x32: {  	s10 =	sld [smem:$0x3FA8];
	_ =	sdelay $0x3  }
0x33: {  	p0 =	seq.s32 s10, $0x1;
	s10 =	sld [smem:$0x3FAA];
	_ =	sdelay $0x3  }
0x34: {  	[smem:$0x3FAA] =	sst s10  }
0x35: {  	s10 =	sld [smem:$0x3FA9];
	_ =	sdelay $0x3  }
0x36: {  	p1 =	seq.s32 s10, $0x1;
	s10 =	sld [smem:$0x3FAA];
	_ =	sdelay $0x3  }
0x37: {  	[smem:$0x3FAA] =	sst s10  }
0x38: {  	s10 =	sld [smem:$0x3FAB]  }
0x39: {  	_ = 	snop;
	(pc) =	sbr.ind lr, $3  }
0x3a: {  	_ = 	snop  }
0x3b: {  	_ = 	snop  }
0x3c: {  	p2 =	seq.s32 s10, $0x1;
	s10 =	sld [smem:$0x3FAA]  }
0x3d: {  	_ =	shalt  }
0x3e: {  	_ =	shalt  }
0x3f: {  	_ =	shalt  }
0x40: {  	_ =	shalt  }
0x41: {  	_ =	shalt  }
0x42: {  	_ =	shalt  }
0x43: {  	_ =	shalt  }
0x44: {  	_ =	shalt  }
0x45: {  	_ =	shalt  }
0x46: {  	_ =	shalt  }
0x47: {  	_ =	shalt  }
0x48: {  	_ =	shalt  }
0x49: {  	_ =	shalt  }
0x4a: {  	_ =	shalt  }
0x4b: {  	_ =	shalt  }
0x4c: {  	_ =	shalt  }
0x4d: {  	_ =	shalt  }
0x4e: {  	_ =	shalt  }
0x4f: {  	_ =	shalt  }
0x50: {  	_ =	shalt  }
0x51: {  	_ =	shalt  }
0x52: {  	_ =	shalt  }
0x53: {  	_ =	shalt  }
0x54: {  	_ =	shalt  }
0x55: {  	_ =	shalt  }
0x56: {  	_ =	shalt  }
0x57: {  	_ =	shalt  }
0x58: {  	_ =	shalt  }
0x59: {  	_ =	shalt  }
0x5a: {  	_ =	shalt  }
0x5b: {  	_ =	shalt  }
0x5c: {  	_ =	shalt  }
0x5d: {  	_ =	shalt  }
0x5e: {  	_ =	shalt  }
0x5f: {  	_ =	shalt  }
0x60: {  	_ =	shalt  }
0x61: {  	_ =	shalt  }
0x62: {  	_ =	shalt  }
0x63: {  	_ =	shalt  }
0x64: {  	_ =	shalt  }
0x65: {  	_ =	shalt  }
0x66: {  	_ =	shalt  }
0x67: {  	_ =	shalt  }
0x68: {  	_ =	shalt  }
0x69: {  	_ =	shalt  }
0x6a: {  	_ =	shalt  }
0x6b: {  	_ =	shalt  }
0x6c: {  	_ =	shalt  }
0x6d: {  	_ =	shalt  }
0x6e: {  	_ =	shalt  }
0x6f: {  	_ =	shalt  }
0x70: {  	_ =	shalt  }
0x71: {  	_ =	shalt  }
0x72: {  	_ =	shalt  }
0x73: {  	_ =	shalt  }
0x74: {  	_ =	shalt  }
0x75: {  	_ =	shalt  }
0x76: {  	_ =	shalt  }
0x77: {  	_ =	shalt  }
0x78: {  	_ =	shalt  }
0x79: {  	_ =	shalt  }
0x7a: {  	_ =	shalt  }
0x7b: {  	_ =	shalt  }
0x7c: {  	_ =	shalt  }
0x7d: {  	_ =	shalt  }
0x7e: {  	_ =	shalt  }
0x7f: {  	_ =	shalt  }
0x80: {  	_ =	shalt  }
0x81: {  	_ =	shalt  }
0x82: {  	_ =	shalt  }
0x83: {  	_ =	shalt  }
0x84: {  	_ =	shalt  }
0x85: {  	_ =	shalt  }
0x86: {  	_ =	shalt  }
0x87: {  	_ =	shalt  }
.Lfunc_end0:
.L_simem_size_0:
called_computation.2_lowered:
.L_overlay_start_0:
0x88: {  	s2 =	sld [smem:$0x3FD9]  }
0x89: {  	s3 =	sld [smem:$0x3FFE];
	_ =	sdelay $0x1  }
0x8a: {  	s1 =	srdreg.scid  }
0x8b: {  	s0 =	sand.u32 $0x1, s1  }
0x8c: {  	s14 =	sshll.u32 s0, $0xA;
	s2 =	sadd.s32 s3, s2  }
0x8d: {  	s2 =	sadd.s32 s2, s14  }
0x8e: {  	[smem:$0x3FB6] =	sst s2  }
0x8f: {  	_ = 	snop  }
0x90: {  	s2 =	sld [smem:$0x3FD0];
	_ =	sdelay $0x2  }
0x91: {  	s15 =	simm.s32 $0xB;
	s4 =	simm.s32 $0x10  }
0x92: {  	[smem:s4], [sflag:s15] =	dma.local [hbm:s2], $0x1  }
0x93: {  	_ =	swait.eq [sflag:s15], $0x1  }
0x94: {  	[sflag:s15] =	ssyncset.done $0x0  }
0x95: {  	[sflag:s15] =	ssyncadd.s32 $0xFFFFFFFF  }
0x96: {  	s16 =	sld [smem:$0x10];
	(tm) =	ssettm $0x1  }
0x97: {  	s17 =	sld [smem:$0x3FFB];
	_ =	sdelay $0x3  }
0x98: {  	_ =	strace s17  }
0x99: {  	s3 =	sld [smem:$0x3FFC];
	_ =	sdelay $0x3  }
0x9a: {  	_ =	strace s3  }
0x9b: {  	s3 =	sld [smem:$0x3FFD];
	_ =	sdelay $0x3  }
0x9c: {  	_ =	strace s3  }
0x9d: {  	_ =	strace $0x8FFFFFFF  }
0x9e: {  	s18 =	sld [smem:$0x3FDB];
	_ =	sdelay $0x1  }
0x9f: {  	s19 =	simm.s32 $_scs_section_size  }
0xa0: {  	s5 =	simm.s32 $_size__tile_overlayer_lowered;
	s6 =	simm.s32 $_tile_overlayer_lowered  }
0xa1: {  	s22 =	simm.s32 $0x1BFF;
	s21 =	sshll.u32 s6, $0x1;
	s3 =	sadd.s32 s19, s18  }
0xa2: {  	s7 =	simm.s32 $0x0;
	s20 =	sshll.u32 s5, $0x1;
	s5 =	sadd.s32 s21, s3  }
0xa3: {  	[timem:s7], [sflag:s22] =	dma.local [hbm:s5], s20  }
0xa4: {  	_ =	swait.ge [sflag:s22], s20  }
0xa5: {  	s4 =	ssub.s32 $0x0, s20;
	[sflag:s22] =	ssyncset.done $0x0  }
0xa6: {  	[sflag:s22] =	ssyncadd.s32 s4;
	_ =	sdelay $0x1  }
0xa7: {  	s23 =	simm.s32 $0x1B8B  }
0xa8: {  	_ =	swait.ge [sflag:s23], $0x1  }
0xa9: {  	[sflag:s23] =	ssyncset.done $0x0  }
0xaa: {  	s25 =	simm.s32 $0x1B8E;
	s24 =	sld [smem:$0x3FFE];
	[sflag:s23] =	ssyncadd.s32 $0xFFFFFFFF  }
0xab: {  	s26 =	simm.s32 $execute0_lowered;
	[smem:$0x3FD2] =	sst s25  }
0xac: {  	s5 =	sshll.u32 s26, $0x1;
	_ =	strace $0x8000004C;
	[dreg:$0x1] =	wrdreg $0xFFFFFFFF  }
0xad: {  	s28 =	simm.s32 $_size_execute0_lowered;
	s3 =	sadd.s32 s3, s5;
	[dreg:$0x0] =	wrdreg $0x0  }
0xae: {  	s5 =	sshll.u32 s28, $0x1;
	[dreg:$0x2] =	wrdreg s3  }
0xaf: {  	[dreg:$0x3] =	wrdreg s5  }
0xb0: {  	[dreg:$0x4] =	wrdreg $0xC0  }
0xb1: {  	_ =	task [dreg:s7], $0x5FFFF  }
0xb2: {  	[dreg:$0x1] =	wrdreg $0xFFFFFFFF  }
0xb3: {  	[dreg:$0x0] =	wrdreg $0x60  }
0xb4: {  	[dreg:$0x2] =	wrdreg s24  }
0xb5: {  	[dreg:$0x3] =	wrdreg s16  }
0xb6: {  	[dreg:$0x4] =	wrdreg $0x0  }
0xb7: {  	[dreg:$0x5] =	wrdreg $0x9  }
0xb8: {  	_ =	task.clear_ibuf [dreg:s7], $0x6FFFF;
	_ =	strace $0x9000004C  }
0xb9: {  	s29 =	simm.s32 $0x9;
	_ =	strace $0x8000004E  }
0xba: {  	_ =	swait.ge [sflag:s29], $0x1  }
0xbb: {  	[sflag:s29] =	ssyncadd.s32 $0xFFFFFFFF  }
0xbc: {  	_ =	strace $0x9000004E  }
0xbd: {  	_ =	sfence  }
0xbe: {  	s30 =	sld [smem:$0x0];
	_ =	sdelay $0x2  }
0xbf: {  	s31 =	sshll.u32 s1, $0xD;
	s1 =	sshrl.u32 s1, $0x2  }
0xc0: {  	s3 =	sand.u32 $0x4000, s31;
	s1 =	sadd.s32 s1, s30  }
0xc1: {  	s0 =	sor.u32 s3, s0;
	s1 =	sshll.u32 s1, $0x11  }
0xc2: {  	s0 =	sor.u32 s1, s0  }
0xc3: {  	s0 =	sadd.s32 $0x8F2B, s0  }
0xc4: {  	[sflag:s0] =	ssyncadd.remote.s32 $0x1  }
0xc5: {  	_ =	sfence.sel $0xFFFF  }
0xc6: {  	[dreg:$0x0] =	wrdreg $0xFFFFFFFF;
	(pc) =	sbr.abs _section_cstart, $3  }
0xc7: {  	[dreg:$0x1] =	wrdreg $0xFFFFFFFF  }
0xc8: {  	_ =	task.clear_ibuf [dreg:s7], $0x2FFFF;
	_ =	strace $0x9FFFFFFF  }
0xc9: {  	(tm) =	ssettm $0x7FFFFFFF  }
tec
execute0_lowered:
.L_overlay_start_1:
0x0: {  	(tag) =	ssettag $0x1  }
0x1: {  	s0 =	rddreg [dreg:$0x0]  }
0x2: {  	s1 =	rddreg [dreg:$0x1]  }
0x3: {  	s3 =	rddreg [dreg:$0x2];
	s4 =	simm.s32 $0x0;
	s14 =	stileid.u32  }
0x4: {  	s2 =	srdreg.scid;
	s17 =	simm.s32 $0x3;
	s18 =	simm.s32 $0x15000  }
0x5: {  	s19 =	simm.s32 $0x2;
	s20 =	simm.s32 $0x80;
	s8 =	smul.u32 $0x50000, s14  }
0x6: {  	s21 =	simm.s32 $0x14F80;
	[smem:$0x7FF] =	sst s4;
	s5 =	smul.u32 $0xA0, s14  }
0x7: {  	s2 =	sand.u32 $0x1, s2;
	s6 =	sadd.s32 $0x3B19E00, s0;
	s12 =	smul.u32 $0x280000, s14  }
0x8: {  	s7 =	sadd.s32 $0x2C00, s0;
	s0 =	sadd.s32 $0x5400, s0;
	s22 =	smul.u32 $0x14000, s14  }
0x9: {  	s24 =	sshll.u32 s14, $0x6;
	_ =	strace $0x8000004D;
	s10 =	smul.u32 $0x5000000, s2  }
0xa: {  	s9 =	ssub.s32 $0x2, s2;
	s23 =	smul.u32 $0x280000, s2;
	s2 =	sshllo.u32 s2, $0x1  }
0xb: {  	s11 =	sshrl.u32 s9, $0x1;
	s8 =	sshrl.u32 s8, $0x2;
	s25 =	smul.u32 $0x140000, s2  }
0xc: {  	s2 =	smul.u32 $0x2800000, s2;
	s13 =	ssub.s32 s9, s11;
	s16 =	sadd.s32 s8, s3  }
0xd: {  	s8 =	sor.u32 $0x1C03, s24;
	s15 =	sadd.s32 s22, s23;
	s9 =	sadd.s32 s12, s10  }
0xe: {  	s26 =	sshrl.u32 s15, $0x3;
	s14 =	sadd.s32 s22, s25;
	s11 =	sadd.s32 s12, s2  }
0xf: {  	s29 =	sor.u32 $0x4000, s9;
	s30 =	sadd.s32 $0x2804000, s9;
	s31 =	smax.u32 s13, $0x1  }
0x10: {  	s16 =	sshrl.u32 s16, $0x3;
	s22 =	simm.s32 $0x19000;
	s28 =	sshrl.u32 s14, $0x3  }
0x11: {  	s10 =	sadd.s32 s0, s26;
	[dreg:$0x6] =	wrdreg s31;
	s0 =	sadd.s32 s0, s28  }
0x12: {  	s2 =	sshrl.u32 s30, $0x3;
	[dreg:$0x5] =	wrdreg s0;
	s0 =	sshrl.u32 s29, $0x3  }
0x13: {  	[dreg:$0x4] =	wrdreg s10;
	s15 =	sadd.s32 s2, s6;
	s14 =	sadd.s32 s0, s6  }
.LBB2_1:
0x14: {  	[spmem:s16], [sflag:s8] =	dma.local [hbm:s7], $0x2800  }
0x15: {  	_ =	swait.ge [sflag:s17], $0x2800  }
0x16: {  	[sflag:s17] =	ssyncset.done $0x0  }
0x17: {  	s23 =	simm.s32 $0x1;
	[sflag:s17] =	ssyncadd.s32 $0xFFFFD800  }
0x18: {  	s24 =	smov.u32 s14;
	s25 =	simm.s32 $0x0;
	[bflag:$0x0] =	sbarrier.arrive $0xFFFF  }
.LBB2_2:
0x19: {  	s0 =	sshll.u32 s25, $0x5  }
0x1a: {  	s0 =	sadd.s32 s5, s0  }
0x1b: {  	s2 =	simm.s32 $0x0;
	s0 =	sshll.u32 s0, $0x4  }
0x1c: {  	s26 =	simm.s32 $0x14000;
	s10 =	sshll.u32 s25, $0x13;
	s0 =	sadd.s32 s1, s0  }
0x1d: {  	[tilespmem:s26], [sflag:$0x3] =	stream.linear.gather [hbm4b:s0+s2], $0x1000, $0x38;
	[tilespmem:$0x1D000] =	vst v63  }
0x1e: {  	s0 =	sadd.s32 s10, s9;
	_ =	swait.ge [sflag:s17], $0x1000  }
0x1f: {  	s0 =	sshrl.u32 s0, $0x3;
	[sflag:s17] =	ssyncset.done $0x0  }
0x20: {  	s12 =	sadd.s32 $0x0, s23;
	s0 =	sadd.s32 s6, s0;
	[sflag:s17] =	ssyncadd.s32 $0xFFFFF000  }
0x21: {  	[tilespmem:s18], [sflag:$0x1] =	stream.linear.gather [hbm4b:s0+s2], $0x4000, $0x38;
	[tilespmem:$0x1D000] =	vst v63  }
0x22: {  	s0 =	sand.u32 $0x1, s12  }
0x23: {  	s13 =	sand.u32 $0x1, s2;
	p1 =	seq.s32 s0, $0x1  }
0x24: {  	p0 =	seq.s32 s13, $0x1;
	s2 =	simm.s32 @p1 $0x0;
	s28 =	simm.s32 @p1 $0x19000  }
0x25: {  	[tilespmem:s28], [sflag:$0x2] =	stream.linear.gather @p1 [hbm4b:s24+s2], $0x4000, $0x38;
	[tilespmem:$0x1D000] =	vst v63  }
0x26: {  	s0 =	simm.s32 @p0 $0x2;
	s2 =	simm.s32 @!p1 $0x0;
	s28 =	simm.s32 @!p1 $0x15000  }
0x27: {  	[tilespmem:s28], [sflag:$0x1] =	stream.linear.gather @!p1 [hbm4b:s24+s2], $0x4000, $0x38;
	[tilespmem:$0x1D000] =	vst v63  }
0x28: {  	_ =	swait.ge @p0 [sflag:s0], $0x4000  }
0x29: {  	s2 =	simm.s32 @p0 $0x80;
	[sflag:s0] =	ssyncset.done @p0 $0x0  }
0x2a: {  	s28 =	simm.s32 @p0 $0x19000;
	[sflag:s0] =	ssyncadd.s32 @p0 $0xFFFFC000;
	s0 =	simm.s32 @!p0 $0x1  }
0x2b: {  	[spmem:s3] =	stream.indirect.scatter.add.f32 @p0 [tilespmem:s28], [sflag:$0x3], $0x80, s26, s2, $0xb8;
	[tilespmem:$0x1D000] =	vst v63  }
0x2c: {  	s29 =	simm.s32 $0x1;
	_ =	swait.ge @!p0 [sflag:s0], $0x4000  }
0x2d: {  	s30 =	simm.s32 $0x2;
	s31 =	simm.s32 @!p0 $0x4;
	[sflag:s0] =	ssyncset.done @!p0 $0x0  }
0x2e: {  	s2 =	simm.s32 @!p0 $0x80;
	s28 =	simm.s32 @!p0 $0x15000;
	[sflag:s0] =	ssyncadd.s32 @!p0 $0xFFFFC000  }
0x2f: {  	[spmem:s3] =	stream.indirect.scatter.add.f32 @!p0 [tilespmem:s28], [sflag:$0x4], $0x80, s26, s2, $0xb8;
	[tilespmem:$0x1D000] =	vst v63  }
0x30: {  	s31 =	simm.s32 @p0 $0x3;
	s28 =	sadd.s32 $0x800, s24;
	s26 =	sadd.s32 $0x1, s23  }
0x31: {  	s0 =	sand.u32 $0x1, s26;
	_ =	swait.ge [sflag:s31], $0x4000;
	s26 =	simm.s32 $0x14080  }
.LBB2_3:
0x32: {  	p1 =	seq.s32 s0, $0x1  }
0x33: {  	s0 =	sand.u32 $0x1, s29;
	[sflag:s31] =	ssyncset.done $0x0;
	s29 =	smov.u32 s30  }
0x34: {  	s2 =	simm.s32 @p1 $0x0;
	s10 =	simm.s32 @p1 $0x19000;
	[sflag:s31] =	ssyncadd.s32 $0xFFFFC000  }
0x35: {  	[tilespmem:s10], [sflag:$0x2] =	stream.linear.gather @p1 [hbm4b:s28+s2], $0x4000, $0x38;
	[tilespmem:$0x1D000] =	vst v63  }
0x36: {  	p0 =	seq.s32 s0, $0x1;
	s2 =	simm.s32 @!p1 $0x0;
	s10 =	simm.s32 @!p1 $0x15000  }
0x37: {  	[tilespmem:s10], [sflag:$0x1] =	stream.linear.gather @!p1 [hbm4b:s28+s2], $0x4000, $0x38;
	[tilespmem:$0x1D000] =	vst v63  }
0x38: {  	s30 =	sadd.s32 $0x1, s30;
	s0 =	simm.s32 @p0 $0x2;
	s31 =	simm.s32 @!p0 $0x4  }
0x39: {  	p1 =	sne.s32 s30, $0x1F;
	_ =	swait.ge @p0 [sflag:s0], $0x4000  }
0x3a: {  	s2 =	simm.s32 @p0 $0x80;
	s10 =	simm.s32 @p0 $0x19000;
	[sflag:s0] =	ssyncset.done @p0 $0x0  }
0x3b: {  	[sflag:s0] =	ssyncadd.s32 @p0 $0xFFFFC000;
	s0 =	simm.s32 @!p0 $0x1  }
0x3c: {  	[spmem:s3] =	stream.indirect.scatter.add.f32 @p0 [tilespmem:s10], [sflag:$0x3], $0x80, s26, s2, $0xb8;
	[tilespmem:$0x1D000] =	vst v63  }
.Ltmp0:
0x3d: {  	s28 =	sadd.s32 $0x800, s28;
	_ =	swait.ge @!p0 [sflag:s0], $0x4000;
	(pc) =	sbr.rel @p1 .LBB2_3-.Ltmp0, $4  }
0x3e: {  	s2 =	simm.s32 @!p0 $0x80;
	s10 =	simm.s32 @!p0 $0x15000;
	[sflag:s0] =	ssyncset.done @!p0 $0x0  }
0x3f: {  	s12 =	sadd.s32 s29, s23;
	s31 =	simm.s32 @p0 $0x3;
	[sflag:s0] =	ssyncadd.s32 @!p0 $0xFFFFC000  }
0x40: {  	[spmem:s3] =	stream.indirect.scatter.add.f32 @!p0 [tilespmem:s10], [sflag:$0x4], $0x80, s26, s2, $0xb8;
	[tilespmem:$0x1D000] =	vst v63  }
0x41: {  	s0 =	sand.u32 $0x1, s12;
	s26 =	sadd.s32 $0x80, s26;
	_ =	swait.ge [sflag:s31], $0x4000  }
0x42: {  	p1 =	seq.s32 s0, $0x1  }
0x43: {  	s30 =	sand.u32 $0x1, s29;
	[sflag:s31] =	ssyncset.done $0x0;
	s2 =	simm.s32 @p1 $0x0  }
0x44: {  	s10 =	simm.s32 @p1 $0x19000;
	[sflag:s31] =	ssyncadd.s32 $0xFFFFC000;
	p0 =	seq.s32 s30, $0x1  }
0x45: {  	[tilespmem:s10], [sflag:$0x2] =	stream.linear.gather @p1 [hbm4b:s28+s2], $0x4000, $0x38;
	[tilespmem:$0x1D000] =	vst v63  }
0x46: {  	s2 =	simm.s32 @!p1 $0x0;
	s10 =	simm.s32 @!p1 $0x15000;
	s0 =	simm.s32 @p0 $0x2  }
0x47: {  	[tilespmem:s10], [sflag:$0x1] =	stream.linear.gather @!p1 [hbm4b:s28+s2], $0x4000, $0x38;
	[tilespmem:$0x1D000] =	vst v63  }
0x48: {  	_ =	swait.ge @p0 [sflag:s0], $0x4000  }
0x49: {  	s2 =	simm.s32 @p0 $0x80;
	[sflag:s0] =	ssyncset.done @p0 $0x0  }
0x4a: {  	s10 =	simm.s32 @p0 $0x19000;
	[sflag:s0] =	ssyncadd.s32 @p0 $0xFFFFC000;
	s0 =	simm.s32 @!p0 $0x1  }
0x4b: {  	[spmem:s3] =	stream.indirect.scatter.add.f32 @p0 [tilespmem:s10], [sflag:$0x3], $0x80, s26, s2, $0xb8;
	[tilespmem:$0x1D000] =	vst v63  }
0x4c: {  	_ =	swait.ge @!p0 [sflag:s0], $0x4000  }
0x4d: {  	s12 =	simm.s32 @!p0 $0x15000;
	s2 =	simm.s32 @!p0 $0x4;
	[sflag:s0] =	ssyncset.done @!p0 $0x0  }
0x4e: {  	s10 =	simm.s32 @!p0 $0x80;
	s2 =	simm.s32 @p0 $0x3;
	[sflag:s0] =	ssyncadd.s32 @!p0 $0xFFFFC000  }
0x4f: {  	[spmem:s3] =	stream.indirect.scatter.add.f32 @!p0 [tilespmem:s12], [sflag:$0x4], $0x80, s26, s10, $0xb8;
	[tilespmem:$0x1D000] =	vst v63  }
0x50: {  	_ =	swait.ge [sflag:s2], $0x4000  }
0x51: {  	[sflag:s2] =	ssyncset.done $0x0  }
0x52: {  	[sflag:s2] =	ssyncadd.s32 $0xFFFFC000  }
0x53: {  	s25 =	sadd.s32 $0x1, s25;
	_ =	swait.ge [sflag:s19], $0x4000  }
0x54: {  	p0 =	sne.s32 s25, $0x5;
	[sflag:s19] =	ssyncset.done $0x0  }
.Ltmp1:
0x55: {  	[sflag:s19] =	ssyncadd.s32 $0xFFFFC000;
	(pc) =	sbr.rel @p0 .LBB2_2-.Ltmp1, $4  }
0x56: {  	[spmem:s3] =	stream.indirect.scatter.add.f32 [tilespmem:s22], [sflag:$0x3], $0x80, s21, s20, $0xb8;
	[tilespmem:$0x1D000] =	vst v63  }
0x57: {  	_ =	swait.ge [sflag:s17], $0x4000  }
0x58: {  	[sflag:s17] =	ssyncset.done $0x0  }
0x59: {  	s24 =	sadd.s32 $0x10000, s24;
	s23 =	sadd.s32 $0x20, s23;
	[sflag:s17] =	ssyncadd.s32 $0xFFFFC000  }
0x5a: {  	[bflag:$0x0] =	sbarrier.arrive $0xFFFF  }
0x5b: {  	s0 =	rddreg [dreg:$0x4]  }
0x5c: {  	[hbm:s0], [sflag:s8] =	dma.local [spmem:s16], $0x2800  }
0x5d: {  	_ =	swait.ge [sflag:s17], $0x2800  }
0x5e: {  	[sflag:s17] =	ssyncset.done $0x0  }
0x5f: {  	[sflag:s17] =	ssyncadd.s32 $0xFFFFD800  }
0x60: {  	[bflag:$0x0] =	sbarrier.arrive $0xFFFF  }
0x61: {  	[spmem:s16], [sflag:s8] =	dma.local [hbm:s7], $0x2800  }
0x62: {  	_ =	swait.ge [sflag:s17], $0x2800  }
0x63: {  	[sflag:s17] =	ssyncset.done $0x0  }
0x64: {  	s23 =	simm.s32 $0x0;
	s24 =	simm.s32 $0x1;
	[sflag:s17] =	ssyncadd.s32 $0xFFFFD800  }
0x65: {  	s25 =	smov.u32 s15;
	s26 =	simm.s32 $0x0;
	[bflag:$0x0] =	sbarrier.arrive $0xFFFF  }
.LBB2_6:
0x66: {  	s0 =	sshll.u32 s26, $0x5  }
0x67: {  	s0 =	sadd.s32 s5, s0  }
0x68: {  	s0 =	sshll.u32 s0, $0x4  }
0x69: {  	s2 =	simm.s32 $0x14000;
	s10 =	sshll.u32 s26, $0x13;
	s0 =	sadd.s32 s1, s0  }
0x6a: {  	[tilespmem:s2], [sflag:$0x3] =	stream.linear.gather [hbm4b:s0+s23], $0x1000, $0x38;
	[tilespmem:$0x1D000] =	vst v63  }
0x6b: {  	s0 =	sadd.s32 s10, s11;
	_ =	swait.ge [sflag:s17], $0x1000  }
0x6c: {  	s0 =	sshrl.u32 s0, $0x3;
	[sflag:s17] =	ssyncset.done $0x0  }
0x6d: {  	s12 =	sadd.s32 $0x0, s24;
	s0 =	sadd.s32 s6, s0;
	[sflag:s17] =	ssyncadd.s32 $0xFFFFF000  }
0x6e: {  	[tilespmem:s18], [sflag:$0x1] =	stream.linear.gather [hbm4b:s0+s23], $0x4000, $0x38;
	[tilespmem:$0x1D000] =	vst v63  }
0x6f: {  	s0 =	sand.u32 $0x1, s12  }
0x70: {  	s13 =	sand.u32 $0x1, s23;
	p1 =	seq.s32 s0, $0x1  }
0x71: {  	p0 =	seq.s32 s13, $0x1;
	s10 =	simm.s32 @p1 $0x0;
	s12 =	simm.s32 @p1 $0x19000  }
0x72: {  	[tilespmem:s12], [sflag:$0x2] =	stream.linear.gather @p1 [hbm4b:s25+s10], $0x4000, $0x38;
	[tilespmem:$0x1D000] =	vst v63  }
0x73: {  	s0 =	simm.s32 @p0 $0x2;
	s10 =	simm.s32 @!p1 $0x0;
	s12 =	simm.s32 @!p1 $0x15000  }
0x74: {  	[tilespmem:s12], [sflag:$0x1] =	stream.linear.gather @!p1 [hbm4b:s25+s10], $0x4000, $0x38;
	[tilespmem:$0x1D000] =	vst v63  }
0x75: {  	s30 =	simm.s32 $0x1;
	_ =	swait.ge @p0 [sflag:s0], $0x4000  }
0x76: {  	s31 =	simm.s32 $0x2;
	s28 =	simm.s32 @!p0 $0x1;
	[sflag:s0] =	ssyncset.done @p0 $0x0  }
0x77: {  	s10 =	simm.s32 @p0 $0x80;
	s12 =	simm.s32 @p0 $0x19000;
	[sflag:s0] =	ssyncadd.s32 @p0 $0xFFFFC000  }
0x78: {  	[spmem:s3] =	stream.indirect.scatter.add.f32 @p0 [tilespmem:s12], [sflag:$0x3], $0x80, s2, s10, $0xb8;
	[tilespmem:$0x1D000] =	vst v63  }
0x79: {  	s29 =	sadd.s32 $0x800, s25;
	s13 =	sadd.s32 $0x1, s24;
	_ =	swait.ge @!p0 [sflag:s28], $0x4000  }
0x7a: {  	s0 =	simm.s32 @!p0 $0x4;
	s10 =	simm.s32 @!p0 $0x80;
	[sflag:s28] =	ssyncset.done @!p0 $0x0  }
0x7b: {  	s12 =	simm.s32 @!p0 $0x15000;
	s0 =	simm.s32 @p0 $0x3;
	[sflag:s28] =	ssyncadd.s32 @!p0 $0xFFFFC000  }
0x7c: {  	[spmem:s3] =	stream.indirect.scatter.add.f32 @!p0 [tilespmem:s12], [sflag:$0x4], $0x80, s2, s10, $0xb8;
	[tilespmem:$0x1D000] =	vst v63  }
0x7d: {  	s28 =	simm.s32 $0x14080;
	s2 =	sand.u32 $0x1, s13;
	_ =	swait.ge [sflag:s0], $0x4000  }
.LBB2_7:
0x7e: {  	p1 =	seq.s32 s2, $0x1  }
0x7f: {  	s2 =	sand.u32 $0x1, s30;
	[sflag:s0] =	ssyncset.done $0x0;
	s30 =	smov.u32 s31  }
0x80: {  	s10 =	simm.s32 @p1 $0x0;
	s12 =	simm.s32 @p1 $0x19000;
	[sflag:s0] =	ssyncadd.s32 $0xFFFFC000  }
0x81: {  	[tilespmem:s12], [sflag:$0x2] =	stream.linear.gather @p1 [hbm4b:s29+s10], $0x4000, $0x38;
	[tilespmem:$0x1D000] =	vst v63  }
0x82: {  	s0 =	simm.s32 @!p1 $0x0;
	p0 =	seq.s32 s2, $0x1;
	s10 =	simm.s32 @!p1 $0x15000  }
0x83: {  	[tilespmem:s10], [sflag:$0x1] =	stream.linear.gather @!p1 [hbm4b:s29+s0], $0x4000, $0x38;
	[tilespmem:$0x1D000] =	vst v63  }
0x84: {  	s31 =	sadd.s32 $0x1, s31;
	s2 =	simm.s32 @p0 $0x2;
	s0 =	simm.s32 @!p0 $0x4  }
0x85: {  	p1 =	sne.s32 s31, $0x1F;
	_ =	swait.ge @p0 [sflag:s2], $0x4000  }
0x86: {  	s12 =	simm.s32 @p0 $0x19000;
	s10 =	simm.s32 @p0 $0x80;
	[sflag:s2] =	ssyncset.done @p0 $0x0  }
0x87: {  	[sflag:s2] =	ssyncadd.s32 @p0 $0xFFFFC000;
	s2 =	simm.s32 @!p0 $0x1  }
0x88: {  	[spmem:s3] =	stream.indirect.scatter.add.f32 @p0 [tilespmem:s12], [sflag:$0x3], $0x80, s28, s10, $0xb8;
	[tilespmem:$0x1D000] =	vst v63  }
.Ltmp2:
0x89: {  	s29 =	sadd.s32 $0x800, s29;
	_ =	swait.ge @!p0 [sflag:s2], $0x4000;
	(pc) =	sbr.rel @p1 .LBB2_7-.Ltmp2, $4  }
0x8a: {  	s10 =	simm.s32 @!p0 $0x80;
	s12 =	simm.s32 @!p0 $0x15000;
	[sflag:s2] =	ssyncset.done @!p0 $0x0  }
0x8b: {  	s13 =	sadd.s32 s30, s24;
	s0 =	simm.s32 @p0 $0x3;
	[sflag:s2] =	ssyncadd.s32 @!p0 $0xFFFFC000  }
0x8c: {  	[spmem:s3] =	stream.indirect.scatter.add.f32 @!p0 [tilespmem:s12], [sflag:$0x4], $0x80, s28, s10, $0xb8;
	[tilespmem:$0x1D000] =	vst v63  }
0x8d: {  	s2 =	sand.u32 $0x1, s13;
	s28 =	sadd.s32 $0x80, s28;
	_ =	swait.ge [sflag:s0], $0x4000  }
0x8e: {  	p1 =	seq.s32 s2, $0x1;
	s31 =	sand.u32 $0x1, s30;
	[sflag:s0] =	ssyncset.done $0x0  }
0x8f: {  	s10 =	simm.s32 @p1 $0x0;
	s12 =	simm.s32 @p1 $0x19000;
	[sflag:s0] =	ssyncadd.s32 $0xFFFFC000  }
0x90: {  	[tilespmem:s12], [sflag:$0x2] =	stream.linear.gather @p1 [hbm4b:s29+s10], $0x4000, $0x38;
	[tilespmem:$0x1D000] =	vst v63  }
0x91: {  	s0 =	simm.s32 @!p1 $0x0;
	p0 =	seq.s32 s31, $0x1;
	s10 =	simm.s32 @!p1 $0x15000  }
0x92: {  	[tilespmem:s10], [sflag:$0x1] =	stream.linear.gather @!p1 [hbm4b:s29+s0], $0x4000, $0x38;
	[tilespmem:$0x1D000] =	vst v63  }
0x93: {  	s0 =	simm.s32 @p0 $0x2  }
0x94: {  	_ =	swait.ge @p0 [sflag:s0], $0x4000  }
0x95: {  	s2 =	simm.s32 @p0 $0x80;
	[sflag:s0] =	ssyncset.done @p0 $0x0  }
0x96: {  	s10 =	simm.s32 @p0 $0x19000;
	[sflag:s0] =	ssyncadd.s32 @p0 $0xFFFFC000;
	s0 =	simm.s32 @!p0 $0x1  }
0x97: {  	[spmem:s3] =	stream.indirect.scatter.add.f32 @p0 [tilespmem:s10], [sflag:$0x3], $0x80, s28, s2, $0xb8;
	[tilespmem:$0x1D000] =	vst v63  }
0x98: {  	_ =	swait.ge @!p0 [sflag:s0], $0x4000  }
0x99: {  	s12 =	simm.s32 @!p0 $0x15000;
	s2 =	simm.s32 @!p0 $0x4;
	[sflag:s0] =	ssyncset.done @!p0 $0x0  }
0x9a: {  	s10 =	simm.s32 @!p0 $0x80;
	s2 =	simm.s32 @p0 $0x3;
	[sflag:s0] =	ssyncadd.s32 @!p0 $0xFFFFC000  }
0x9b: {  	[spmem:s3] =	stream.indirect.scatter.add.f32 @!p0 [tilespmem:s12], [sflag:$0x4], $0x80, s28, s10, $0xb8;
	[tilespmem:$0x1D000] =	vst v63  }
0x9c: {  	_ =	swait.ge [sflag:s2], $0x4000  }
0x9d: {  	[sflag:s2] =	ssyncset.done $0x0  }
0x9e: {  	[sflag:s2] =	ssyncadd.s32 $0xFFFFC000  }
0x9f: {  	s26 =	sadd.s32 $0x1, s26;
	_ =	swait.ge [sflag:s19], $0x4000  }
0xa0: {  	p0 =	sne.s32 s26, $0x5;
	[sflag:s19] =	ssyncset.done $0x0  }
.Ltmp3:
0xa1: {  	[sflag:s19] =	ssyncadd.s32 $0xFFFFC000;
	(pc) =	sbr.rel @p0 .LBB2_6-.Ltmp3, $4  }
0xa2: {  	[spmem:s3] =	stream.indirect.scatter.add.f32 [tilespmem:s22], [sflag:$0x3], $0x80, s21, s20, $0xb8;
	[tilespmem:$0x1D000] =	vst v63  }
0xa3: {  	_ =	swait.ge [sflag:s17], $0x4000  }
0xa4: {  	[sflag:s17] =	ssyncset.done $0x0  }
0xa5: {  	s25 =	sadd.s32 $0x10000, s25;
	s24 =	sadd.s32 $0x20, s24;
	[sflag:s17] =	ssyncadd.s32 $0xFFFFC000  }
0xa6: {  	[bflag:$0x0] =	sbarrier.arrive $0xFFFF  }
0xa7: {  	s0 =	rddreg [dreg:$0x5]  }
0xa8: {  	[hbm:s0], [sflag:s8] =	dma.local [spmem:s16], $0x2800  }
0xa9: {  	_ =	swait.ge [sflag:s17], $0x2800  }
0xaa: {  	s4 =	sadd.s32 $0x1, s4;
	s31 =	rddreg [dreg:$0x6]  }
0xab: {  	p0 =	sne.s32 s4, s31  }
.Ltmp4:
0xac: {  	_ = 	snop;
	(pc) =	sbr.rel @p0 .LBB2_1-.Ltmp4, $3  }
0xad: {  	[sflag:s17] =	ssyncset.done $0x0  }
0xae: {  	[sflag:s17] =	ssyncadd.s32 $0xFFFFD800  }
0xaf: {  	[bflag:$0x0] =	sbarrier.arrive $0xFFFF;
	_ =	sdelay $0x1  }
0xb0: {  	_ =	sfence.sel $0x180000  }
0xb1: {  	[bflag:$0x0] =	sbarrier.arrive $0xFFFF  }
0xb2: {  	_ =	strace $0x9000004D  }
0xb3: {  	s0 =	stileid.u32;
	[bflag:$0x2] =	sbarrier.arrive $0xFFFF  }
0xb4: {  	p0 =	sne.s32 s0, $0x0;
	s0 =	rddreg [dreg:$0x3]  }
0xb5: {  	s0 =	sadd.s32 @!p0 $0x100000, s0  }
0xb6: {  	[sflag:s0] =	ssyncadd.tile.s32 @!p0 $0x1;
	_ =	shalt  }
.Lfunc_end2:
_tile_overlayer_lowered:
.L_overlay_start_2:
0xb7: {  	(tag) =	ssettag $0x2  }
0xb8: {  	s0 =	rddreg [dreg:$0x0];
	s2 =	stileid.u32  }
0xb9: {  	s1 =	rddreg [dreg:$0x1];
	p0 =	sne.s32 s2, $0x0  }
0xba: {  	s3 =	rddreg [dreg:$0x2];
	[bflag:$0x3] =	sbarrier.arrive $0xFFFF;
	s2 =	simm.s32 @!p0 $0x1C03  }
0xbb: {  	[timem:s3], [sflag:s2] =	dma.local @!p0 [hbm:s0], s1  }
0xbc: {  	s0 =	simm.s32 @!p0 $0x3  }
0xbd: {  	_ =	swait.ge @!p0 [sflag:s0], s1  }
0xbe: {  	s1 =	ssub.s32 @!p0 $0x0, s1;
	[sflag:s0] =	ssyncset.done @!p0 $0x0  }
0xbf: {  	[sflag:s0] =	ssyncadd.s32 @!p0 s1  }
0xc0: {  	[bflag:$0x3] =	sbarrier.arrive $0xFFFF  }
0xc1: {  	_ =	shalt  }

// kernel: kernel.9.cloned.1.call-start
scs
__scs_entry_jumppad:
0x0: {  	(pc) =	sbr.rel $0x88, $3  }
0x1: {  	(tag) =	ssettag $0x0;
	lr =	simm.s32 $0x1  }
0x2: {  	[smem:$0x3F8F] =	sst lr;
	_ =	strace $0xD0000000  }
0x3: {  	_ = 	snop  }
0x4: {  	_ = 	snop  }
0x5: {  	_ = 	snop  }
0x6: {  	_ = 	snop  }
0x7: {  	_ = 	snop  }
__scs_overlays_trampoline_lowered:
0x8: {  	[smem:$0x3F9E] =	sst s0  }
0x9: {  	[smem:$0x3F9F] =	sst s1  }
0xa: {  	[smem:$0x3FA0] =	sst s2  }
0xb: {  	[smem:$0x3FA1] =	sst s3  }
0xc: {  	[smem:$0x3FA2] =	sst s4  }
0xd: {  	[smem:$0x3FA3] =	sst s5  }
0xe: {  	[smem:$0x3FA4] =	sst s6  }
0xf: {  	[smem:$0x3FA5] =	sst s7  }
0x10: {  	[smem:$0x3FA6] =	sst s8  }
0x11: {  	[smem:$0x3FA7] =	sst s9;
	s0 =	simm.s32 @!p0 $0x0  }
0x12: {  	s1 =	sld [smem:$0x3F8D];
	s0 =	simm.s32 @p0 $0x1  }
0x13: {  	[smem:$0x3FA8] =	sst s0;
	s0 =	simm.s32 @!p1 $0x0  }
0x14: {  	s2 =	sld [smem:$0x3F8C];
	s0 =	simm.s32 @p1 $0x1  }
0x15: {  	[smem:$0x3FA9] =	sst s0;
	s0 =	simm.s32 @!p2 $0x0  }
0x16: {  	s3 =	sld [smem:$0x3FDB];
	s0 =	simm.s32 @p2 $0x1  }
0x17: {  	s4 =	simm.s32 $0x1BF5;
	[smem:$0x3FAB] =	sst s0  }
0x18: {  	s0 =	sld [smem:$0x3F8E];
	_ =	swait.ge [sflag:s4], $0x0  }
0x19: {  	s7 =	sld [smem:$0x3F8F]  }
0x1a: {  	s8 =	sadd.s32 $0xFFFFE003, lr  }
0x1b: {  	s9 =	sadd.s32 $0xFFFFFEF7, lr;
	s5 =	simm.s32 $0xFFFFFFFF;
	p2 =	slt.u32 s8, $0xFFFFF086  }
0x1c: {  	p1 =	slt.u32 s9, $0xF7A;
	s5 =	simm.s32 @!p2 $0x0  }
0x1d: {  	s5 =	simm.s32 @p1 $0x1;
	p0 =	seq.s32 s7, s2  }
0x1e: {  	s7 =	smul.u32 @!p0 $0xF7A, s2;
	p2 =	seq.s32 @!p0 s5, $0x0  }
0x1f: {  	s9 =	smul.u32 $0xF7A, s1;
	s8 =	simm.s32 @!p0 $0x1BF5;
	p2 =	por !p2, p0  }
0x20: {  	[sflag:s8] =	ssyncset.s32 @!p0 $0xFFFFF086;
	s6 =	sadd.s32 @!p0 s3, s7;
	s7 =	simm.s32 @!p0 $0x108  }
0x21: {  	s3 =	sadd.s32 s3, s9;
	s6 =	sadd.s32 @!p0 $0x88, s6;
	s7 =	simm.s32 @p2 $0x1082  }
0x22: {  	[simem:s7], [sflag:s8] =	dma.local @!p0 [hbm:s6], $0xF7A  }
0x23: {  	s9 =	sor.u32 $0xD0000000, s2;
	s6 =	simm.s32 $0x108;
	_ =	swait.ge @!p0 [sflag:s8], $0x0  }
0x24: {  	s3 =	sadd.s32 $0x88, s3;
	s6 =	simm.s32 @!p1 $0x1082;
	[sflag:s4] =	ssyncset.s32 $0xFFFFF086  }
0x25: {  	[simem:s6], [sflag:s4] =	dma.local [hbm:s3], $0xF7A  }
0x26: {  	[smem:$0x3F8F] =	sst s1;
	(tag) =	ssettag s2;
	_ =	strace s9  }
0x27: {  	s1 =	sld [smem:$0x3F9F]  }
0x28: {  	s2 =	sld [smem:$0x3FA0]  }
0x29: {  	s4 =	sld [smem:$0x3FA2]  }
0x2a: {  	p0 =	seq.s32 s5, $0x0;
	s5 =	sld [smem:$0x3FA3]  }
0x2b: {  	s6 =	sld [smem:$0x3FA4]  }
0x2c: {  	s7 =	sld [smem:$0x3FA5]  }
0x2d: {  	s3 =	simm.s32 $0x108;
	s8 =	sld [smem:$0x3FA6]  }
0x2e: {  	s3 =	simm.s32 @!p0 $0x1082;
	s9 =	sld [smem:$0x3FA7]  }
0x2f: {  	lr =	sadd.s32 s0, s3;
	s0 =	sld [smem:$0x3F9E]  }
0x30: {  	s3 =	sld [smem:$0x3FA1]  }
0x31: {  	[smem:$0x3FAA] =	sst s10  }
0x32: {  	s10 =	sld [smem:$0x3FA8];
	_ =	sdelay $0x3  }
0x33: {  	p0 =	seq.s32 s10, $0x1;
	s10 =	sld [smem:$0x3FAA];
	_ =	sdelay $0x3  }
0x34: {  	[smem:$0x3FAA] =	sst s10  }
0x35: {  	s10 =	sld [smem:$0x3FA9];
	_ =	sdelay $0x3  }
0x36: {  	p1 =	seq.s32 s10, $0x1;
	s10 =	sld [smem:$0x3FAA];
	_ =	sdelay $0x3  }
0x37: {  	[smem:$0x3FAA] =	sst s10  }
0x38: {  	s10 =	sld [smem:$0x3FAB]  }
0x39: {  	_ = 	snop;
	(pc) =	sbr.ind lr, $3  }
0x3a: {  	_ = 	snop  }
0x3b: {  	_ = 	snop  }
0x3c: {  	p2 =	seq.s32 s10, $0x1;
	s10 =	sld [smem:$0x3FAA]  }
0x3d: {  	_ =	shalt  }
0x3e: {  	_ =	shalt  }
0x3f: {  	_ =	shalt  }
0x40: {  	_ =	shalt  }
0x41: {  	_ =	shalt  }
0x42: {  	_ =	shalt  }
0x43: {  	_ =	shalt  }
0x44: {  	_ =	shalt  }
0x45: {  	_ =	shalt  }
0x46: {  	_ =	shalt  }
0x47: {  	_ =	shalt  }
0x48: {  	_ =	shalt  }
0x49: {  	_ =	shalt  }
0x4a: {  	_ =	shalt  }
0x4b: {  	_ =	shalt  }
0x4c: {  	_ =	shalt  }
0x4d: {  	_ =	shalt  }
0x4e: {  	_ =	shalt  }
0x4f: {  	_ =	shalt  }
0x50: {  	_ =	shalt  }
0x51: {  	_ =	shalt  }
0x52: {  	_ =	shalt  }
0x53: {  	_ =	shalt  }
0x54: {  	_ =	shalt  }
0x55: {  	_ =	shalt  }
0x56: {  	_ =	shalt  }
0x57: {  	_ =	shalt  }
0x58: {  	_ =	shalt  }
0x59: {  	_ =	shalt  }
0x5a: {  	_ =	shalt  }
0x5b: {  	_ =	shalt  }
0x5c: {  	_ =	shalt  }
0x5d: {  	_ =	shalt  }
0x5e: {  	_ =	shalt  }
0x5f: {  	_ =	shalt  }
0x60: {  	_ =	shalt  }
0x61: {  	_ =	shalt  }
0x62: {  	_ =	shalt  }
0x63: {  	_ =	shalt  }
0x64: {  	_ =	shalt  }
0x65: {  	_ =	shalt  }
0x66: {  	_ =	shalt  }
0x67: {  	_ =	shalt  }
0x68: {  	_ =	shalt  }
0x69: {  	_ =	shalt  }
0x6a: {  	_ =	shalt  }
0x6b: {  	_ =	shalt  }
0x6c: {  	_ =	shalt  }
0x6d: {  	_ =	shalt  }
0x6e: {  	_ =	shalt  }
0x6f: {  	_ =	shalt  }
0x70: {  	_ =	shalt  }
0x71: {  	_ =	shalt  }
0x72: {  	_ =	shalt  }
0x73: {  	_ =	shalt  }
0x74: {  	_ =	shalt  }
0x75: {  	_ =	shalt  }
0x76: {  	_ =	shalt  }
0x77: {  	_ =	shalt  }
0x78: {  	_ =	shalt  }
0x79: {  	_ =	shalt  }
0x7a: {  	_ =	shalt  }
0x7b: {  	_ =	shalt  }
0x7c: {  	_ =	shalt  }
0x7d: {  	_ =	shalt  }
0x7e: {  	_ =	shalt  }
0x7f: {  	_ =	shalt  }
0x80: {  	_ =	shalt  }
0x81: {  	_ =	shalt  }
0x82: {  	_ =	shalt  }
0x83: {  	_ =	shalt  }
0x84: {  	_ =	shalt  }
0x85: {  	_ =	shalt  }
0x86: {  	_ =	shalt  }
0x87: {  	_ =	shalt  }
.Lfunc_end0:
.L_simem_size_0:
called_computation_lowered:
.L_overlay_start_0:
0x88: {  	s2 =	sld [smem:$0x3FD9]  }
0x89: {  	s3 =	sld [smem:$0x3FFE];
	_ =	sdelay $0x1  }
0x8a: {  	s1 =	srdreg.scid  }
0x8b: {  	s0 =	sand.u32 $0x1, s1  }
0x8c: {  	s14 =	sshll.u32 s0, $0xA;
	s2 =	sadd.s32 s3, s2  }
0x8d: {  	s2 =	sadd.s32 s2, s14  }
0x8e: {  	[smem:$0x3FB6] =	sst s2  }
0x8f: {  	_ = 	snop  }
0x90: {  	s2 =	sld [smem:$0x3FD0];
	_ =	sdelay $0x2  }
0x91: {  	s15 =	simm.s32 $0xB;
	s4 =	simm.s32 $0x10  }
0x92: {  	[smem:s4], [sflag:s15] =	dma.local [hbm:s2], $0x1  }
0x93: {  	_ =	swait.eq [sflag:s15], $0x1  }
0x94: {  	[sflag:s15] =	ssyncset.done $0x0  }
0x95: {  	[sflag:s15] =	ssyncadd.s32 $0xFFFFFFFF  }
0x96: {  	s16 =	sld [smem:$0x11];
	(tm) =	ssettm $0x1  }
0x97: {  	s17 =	sld [smem:$0x3FFB];
	_ =	sdelay $0x3  }
0x98: {  	_ =	strace s17  }
0x99: {  	s3 =	sld [smem:$0x3FFC];
	_ =	sdelay $0x3  }
0x9a: {  	_ =	strace s3  }
0x9b: {  	s3 =	sld [smem:$0x3FFD];
	_ =	sdelay $0x3  }
0x9c: {  	_ =	strace s3  }
0x9d: {  	_ =	strace $0x8FFFFFFF  }
0x9e: {  	s18 =	sld [smem:$0x3FDB];
	_ =	sdelay $0x1  }
0x9f: {  	s19 =	simm.s32 $_scs_section_size  }
0xa0: {  	s5 =	simm.s32 $_size__tile_overlayer_lowered;
	s6 =	simm.s32 $_tile_overlayer_lowered  }
0xa1: {  	s22 =	simm.s32 $0x1BFF;
	s21 =	sshll.u32 s6, $0x1;
	s3 =	sadd.s32 s19, s18  }
0xa2: {  	s7 =	simm.s32 $0x0;
	s20 =	sshll.u32 s5, $0x1;
	s5 =	sadd.s32 s21, s3  }
0xa3: {  	[timem:s7], [sflag:s22] =	dma.local [hbm:s5], s20  }
0xa4: {  	_ =	swait.ge [sflag:s22], s20  }
0xa5: {  	s4 =	ssub.s32 $0x0, s20;
	[sflag:s22] =	ssyncset.done $0x0  }
0xa6: {  	[sflag:s22] =	ssyncadd.s32 s4;
	_ =	sdelay $0x1  }
0xa7: {  	s23 =	simm.s32 $0x1B8B  }
0xa8: {  	_ =	swait.ge [sflag:s23], $0x1  }
0xa9: {  	[sflag:s23] =	ssyncset.done $0x0  }
0xaa: {  	s25 =	simm.s32 $0x1B8E;
	s24 =	sld [smem:$0x3FFE];
	[sflag:s23] =	ssyncadd.s32 $0xFFFFFFFF  }
0xab: {  	s26 =	simm.s32 $execute0_lowered;
	[smem:$0x3FD2] =	sst s25  }
0xac: {  	s5 =	sshll.u32 s26, $0x1;
	_ =	strace $0x80000046;
	[dreg:$0x1] =	wrdreg $0xFFFFFFFF  }
0xad: {  	s28 =	simm.s32 $_size_execute0_lowered;
	s3 =	sadd.s32 s3, s5;
	[dreg:$0x0] =	wrdreg $0x0  }
0xae: {  	s5 =	sshll.u32 s28, $0x1;
	[dreg:$0x2] =	wrdreg s3  }
0xaf: {  	[dreg:$0x3] =	wrdreg s5  }
0xb0: {  	[dreg:$0x4] =	wrdreg $0xC0  }
0xb1: {  	_ =	task [dreg:s7], $0x5FFFF  }
0xb2: {  	[dreg:$0x1] =	wrdreg $0xFFFFFFFF  }
0xb3: {  	[dreg:$0x0] =	wrdreg $0x60  }
0xb4: {  	[dreg:$0x2] =	wrdreg s16  }
0xb5: {  	[dreg:$0x3] =	wrdreg s24  }
0xb6: {  	[dreg:$0x4] =	wrdreg $0x9  }
0xb7: {  	_ =	task.clear_ibuf [dreg:s7], $0x5FFFF;
	_ =	strace $0x90000046  }
0xb8: {  	s29 =	simm.s32 $0x9;
	_ =	strace $0x80000048  }
0xb9: {  	_ =	swait.ge [sflag:s29], $0x1  }
0xba: {  	[sflag:s29] =	ssyncadd.s32 $0xFFFFFFFF  }
0xbb: {  	_ =	strace $0x90000048  }
0xbc: {  	_ =	sfence  }
0xbd: {  	s30 =	sld [smem:$0x0];
	_ =	sdelay $0x2  }
0xbe: {  	s31 =	sshll.u32 s1, $0xD;
	s1 =	sshrl.u32 s1, $0x2  }
0xbf: {  	s3 =	sand.u32 $0x4000, s31;
	s1 =	sadd.s32 s1, s30  }
0xc0: {  	s0 =	sor.u32 s3, s0;
	s1 =	sshll.u32 s1, $0x11  }
0xc1: {  	s0 =	sor.u32 s1, s0  }
0xc2: {  	s0 =	sadd.s32 $0x8F2B, s0  }
0xc3: {  	[sflag:s0] =	ssyncadd.remote.s32 $0x1  }
0xc4: {  	_ =	sfence.sel $0xFFFF  }
0xc5: {  	[dreg:$0x0] =	wrdreg $0xFFFFFFFF;
	(pc) =	sbr.abs _section_cstart, $3  }
0xc6: {  	[dreg:$0x1] =	wrdreg $0xFFFFFFFF  }
0xc7: {  	_ =	task.clear_ibuf [dreg:s7], $0x2FFFF;
	_ =	strace $0x9FFFFFFF  }
0xc8: {  	(tm) =	ssettm $0x7FFFFFFF  }
0xc9: {  	_ =	shalt  }
tec
execute0_lowered:
.L_overlay_start_1:
0x0: {  	(tag) =	ssettag $0x1  }
0x1: {  	s0 =	srdreg.scid;
	s2 =	rddreg [dreg:$0x0]  }
0x2: {  	s5 =	stileid.u32;
	s4 =	rddreg [dreg:$0x1];
	s9 =	simm.s32 $0x2780  }
0x3: {  	s15 =	simm.s32 $0x4B80;
	s16 =	simm.s32 $0x5380;
	s17 =	simm.s32 $0x5780  }
0x4: {  	s18 =	simm.s32 $0x5F80;
	s19 =	simm.s32 $0x6380;
	s20 =	simm.s32 $0x6B80  }
0x5: {  	s21 =	simm.s32 $0x6F80;
	s22 =	simm.s32 $0x7780;
	s23 =	simm.s32 $0x7B80  }
0x6: {  	s24 =	simm.s32 $0x8380;
	s28 =	simm.s32 $0x9380;
	s29 =	simm.s32 $0x9B80  }
0x7: {  	s30 =	simm.s32 $0x1;
	s31 =	simm.s32 $0x9F80;
	s7 =	simm.s32 $0x10780  }
0x8: {  	s8 =	simm.s32 $0x10B80;
	s0 =	sand.u32 $0x1, s0;
	s1 =	smul.u32 $0x4E20, s5  }
0x9: {  	s10 =	simm.s32 $0x11380;
	s5 =	sshll.u32 s5, $0x1;
	s3 =	smul.u32 $0x2710, s0  }
0xa: {  	s11 =	simm.s32 $0x0;
	s5 =	sor.u32 s0, s5;
	s0 =	ssub.s32 $0x2, s0  }
0xb: {  	s5 =	smul.u32 $0x2710, s5;
	s6 =	sshrl.u32 s0, $0x1;
	s1 =	sadd.s32 s3, s1  }
0xc: {  	s3 =	simm.s32 $0x0;
	s0 =	ssub.s32 s0, s6;
	s1 =	sshrl.u32 s1, $0x3  }
0xd: {  	s6 =	simm.s32 $0xFF80;
	[smem:$0x7FF] =	sst s3;
	s1 =	smul.u32 $0x180, s1  }
.Ltmp0:
0xe: {  	s5 =	sshrl.u32 s5, $0x3;
	s0 =	smax.u32 s0, $0x1;
	(pc) =	sbr.rel .LBB2_1-.Ltmp0, $4  }
0xf: {  	_ =	strace $0x80000047;
	s5 =	sadd.s32 s5, s4;
	[dreg:$0x4] =	wrdreg s0  }
0x10: {  	v2 =	vlaneseq.u32;
	vm0 =	vmmov $0xffff;
	s25 =	sadd.s32 $0x2C00, s5;
	s5 =	sadd.s32 $0x100, s2;
	s1 =	sadd.s32 s1, s4  }
0x11: {  	vm1 =	vmmov $0xff;
	v1 =	vshrl.u32 v2, $0x3;
	v0 =	vand.u32 $0x7, v2;
	[dreg:$0x3] =	wrdreg s25;
	s25 =	simm.s32 $0x8780;
	s26 =	sadd.s32 $0xCA00, s1  }
0x12: {  	v2 =	vor.u32 $0x8, v2;
	v1 =	vmul.u32 $0x8, v1;
	v3 =	vor.u32 $0x8, v0;
	s1 =	simm.s32 $0x2;
	[dreg:$0x5] =	wrdreg s26;
	s26 =	simm.s32 $0x8F80  }
.LBB2_10:
0x13: {  	s11 =	sadd.s32 $0x1, s11;
	s0 =	rddreg [dreg:$0x4]  }
0x14: {  	p0 =	sne.s32 s11, s0  }
.Ltmp1:
0x15: {  	_ = 	snop;
	(pc) =	sbr.rel @!p0 .LBB2_11-.Ltmp1, $1  }
0x16: {  	_ =	sdelay $0x3  }
.LBB2_1:
0x17: {  	s0 =	rddreg [dreg:$0x3];
	s13 =	simm.s32 $0x3  }
0x18: {  	[tilespmem:s3], [sflag:$0x3] =	stream.linear.gather [hbm4b:s0+s3], $0x2710, $0x38;
	[tilespmem:$0x11780] =	vst v63  }
0x19: {  	_ =	swait.ge [sflag:s13], $0x2710  }
0x1a: {  	[sflag:s13] =	ssyncset.done $0x0  }
0x1b: {  	[sflag:s13] =	ssyncadd.s32 $0xFFFFD8F0  }
0x1c: {  	v4 =	vld [tilespmem:$0x0];
	_ =	sdelay $0x4  }
0x1d: {  	v5 =	vshrl.u32 v4, $0x3  }
0x1e: {  	v5 =	vmul.u32 $0x18, v5  }
0x1f: {  	v4 =	vand.u32 $0x7, v4  }
0x20: {  	v4 =	vor.u32 v4, v5  }
0x21: {  	v5 =	vperm.xlane v4, v0;
	_ =	sdelay $0x1  }
0x22: {  	v5 =	vadd.s32 v1, v5;
	_ =	sdelay $0x1  }
0x23: {  	v4 =	vperm.xlane v4, v2;
	_ =	sdelay $0x1  }
0x24: {  	v4 =	vadd.s32 v1, v4  }
0x25: {  	[tilespmem:s9], [sflag:$0x1] =	stream.indirect_vreg.gather [hbm4b:s2+s3], $0x80, v5, vm0, $0xb8;
	[tilespmem:$0x11780] =	vst v63  }
0x26: {  	s14 =	simm.s32 $0x2F80  }
0x27: {  	[tilespmem:s14], [sflag:$0x1] =	stream.indirect_vreg.gather [hbm4b:s5+s3], $0x80, v5, vm1, $0xb8;
	[tilespmem:$0x11780] =	vst v63  }
0x28: {  	s4 =	simm.s32 $0x3380  }
0x29: {  	[tilespmem:s4], [sflag:$0x1] =	stream.indirect_vreg.gather [hbm4b:s2+s3], $0x80, v4, vm0, $0xb8;
	[tilespmem:$0x11780] =	vst v63  }
0x2a: {  	s12 =	simm.s32 $0x3B80  }
0x2b: {  	[tilespmem:s12], [sflag:$0x1] =	stream.indirect_vreg.gather [hbm4b:s5+s3], $0x80, v4, vm1, $0xb8;
	[tilespmem:$0x11780] =	vst v63  }
0x2c: {  	v4 =	vld [tilespmem:$0x10];
	_ =	sdelay $0x4  }
0x2d: {  	v5 =	vshrl.u32 v4, $0x3  }
0x2e: {  	v5 =	vmul.u32 $0x18, v5  }
0x2f: {  	v4 =	vand.u32 $0x7, v4  }
0x30: {  	v4 =	vor.u32 v4, v5  }
0x31: {  	v5 =	vperm.xlane v4, v0;
	_ =	sdelay $0x1  }
0x32: {  	v5 =	vadd.s32 v1, v5;
	_ =	sdelay $0x1  }
0x33: {  	v4 =	vperm.xlane v4, v2;
	_ =	sdelay $0x1  }
0x34: {  	s13 =	simm.s32 $0x3F80;
	v4 =	vadd.s32 v1, v4  }
0x35: {  	[tilespmem:s13], [sflag:$0x1] =	stream.indirect_vreg.gather [hbm4b:s2+s3], $0x80, v5, vm0, $0xb8;
	[tilespmem:$0x11780] =	vst v63  }
0x36: {  	s14 =	simm.s32 $0x4780  }
0x37: {  	[tilespmem:s14], [sflag:$0x1] =	stream.indirect_vreg.gather [hbm4b:s5+s3], $0x80, v5, vm1, $0xb8;
	[tilespmem:$0x11780] =	vst v63  }
0x38: {  	_ = 	snop  }
0x39: {  	[tilespmem:s15], [sflag:$0x1] =	stream.indirect_vreg.gather [hbm4b:s2+s3], $0x80, v4, vm0, $0xb8;
	[tilespmem:$0x11780] =	vst v63  }
0x3a: {  	_ = 	snop  }
0x3b: {  	[tilespmem:s16], [sflag:$0x1] =	stream.indirect_vreg.gather [hbm4b:s5+s3], $0x80, v4, vm1, $0xb8;
	[tilespmem:$0x11780] =	vst v63  }
0x3c: {  	v4 =	vld [tilespmem:$0x20];
	_ =	sdelay $0x4  }
0x3d: {  	v5 =	vshrl.u32 v4, $0x3  }
0x3e: {  	v5 =	vmul.u32 $0x18, v5  }
0x3f: {  	v4 =	vand.u32 $0x7, v4  }
0x40: {  	v4 =	vor.u32 v4, v5  }
0x41: {  	v5 =	vperm.xlane v4, v0;
	_ =	sdelay $0x1  }
0x42: {  	v5 =	vadd.s32 v1, v5;
	_ =	sdelay $0x1  }
0x43: {  	v4 =	vperm.xlane v4, v2;
	_ =	sdelay $0x1  }
0x44: {  	v4 =	vadd.s32 v1, v4  }
0x45: {  	[tilespmem:s17], [sflag:$0x1] =	stream.indirect_vreg.gather [hbm4b:s2+s3], $0x80, v5, vm0, $0xb8;
	[tilespmem:$0x11780] =	vst v63  }
0x46: {  	_ = 	snop  }
0x47: {  	[tilespmem:s18], [sflag:$0x1] =	stream.indirect_vreg.gather [hbm4b:s5+s3], $0x80, v5, vm1, $0xb8;
	[tilespmem:$0x11780] =	vst v63  }
0x48: {  	_ = 	snop  }
0x49: {  	[tilespmem:s19], [sflag:$0x1] =	stream.indirect_vreg.gather [hbm4b:s2+s3], $0x80, v4, vm0, $0xb8;
	[tilespmem:$0x11780] =	vst v63  }
0x4a: {  	_ = 	snop  }
0x4b: {  	[tilespmem:s20], [sflag:$0x1] =	stream.indirect_vreg.gather [hbm4b:s5+s3], $0x80, v4, vm1, $0xb8;
	[tilespmem:$0x11780] =	vst v63  }
0x4c: {  	v4 =	vld [tilespmem:$0x30];
	_ =	sdelay $0x4  }
0x4d: {  	v5 =	vshrl.u32 v4, $0x3  }
0x4e: {  	v5 =	vmul.u32 $0x18, v5  }
0x4f: {  	v4 =	vand.u32 $0x7, v4  }
0x50: {  	v4 =	vor.u32 v4, v5  }
0x51: {  	v5 =	vperm.xlane v4, v0;
	_ =	sdelay $0x1  }
0x52: {  	v5 =	vadd.s32 v1, v5;
	_ =	sdelay $0x1  }
0x53: {  	v4 =	vperm.xlane v4, v2;
	_ =	sdelay $0x1  }
0x54: {  	v4 =	vadd.s32 v1, v4  }
0x55: {  	[tilespmem:s21], [sflag:$0x1] =	stream.indirect_vreg.gather [hbm4b:s2+s3], $0x80, v5, vm0, $0xb8;
	[tilespmem:$0x11780] =	vst v63  }
0x56: {  	_ = 	snop  }
0x57: {  	[tilespmem:s22], [sflag:$0x1] =	stream.indirect_vreg.gather [hbm4b:s5+s3], $0x80, v5, vm1, $0xb8;
	[tilespmem:$0x11780] =	vst v63  }
0x58: {  	_ = 	snop  }
0x59: {  	[tilespmem:s23], [sflag:$0x1] =	stream.indirect_vreg.gather [hbm4b:s2+s3], $0x80, v4, vm0, $0xb8;
	[tilespmem:$0x11780] =	vst v63  }
0x5a: {  	_ = 	snop  }
0x5b: {  	[tilespmem:s24], [sflag:$0x1] =	stream.indirect_vreg.gather [hbm4b:s5+s3], $0x80, v4, vm1, $0xb8;
	[tilespmem:$0x11780] =	vst v63  }
0x5c: {  	v4 =	vld [tilespmem:$0x40];
	_ =	sdelay $0x4  }
0x5d: {  	v5 =	vshrl.u32 v4, $0x3  }
0x5e: {  	v5 =	vmul.u32 $0x18, v5  }
0x5f: {  	v4 =	vand.u32 $0x7, v4  }
0x60: {  	v4 =	vor.u32 v4, v5  }
0x61: {  	v5 =	vperm.xlane v4, v0;
	_ =	sdelay $0x1  }
0x62: {  	v5 =	vadd.s32 v1, v5;
	_ =	sdelay $0x2  }
0x63: {  	v4 =	vperm.xlane v4, v2;
	_ =	sdelay $0x1  }
0x64: {  	v4 =	vadd.s32 v1, v4;
	[tilespmem:s25], [sflag:$0x1] =	stream.indirect_vreg.gather [hbm4b:s2+s3], $0x80, v5, vm0, $0xb8;
	[tilespmem:$0x11780] =	vst v63  }
0x65: {  	_ = 	snop  }
0x66: {  	[tilespmem:s26], [sflag:$0x1] =	stream.indirect_vreg.gather [hbm4b:s5+s3], $0x80, v5, vm1, $0xb8;
	[tilespmem:$0x11780] =	vst v63  }
.Ltmp2:
0x67: {  	_ = 	snop;
	(pc) =	sbr.rel .LBB2_2-.Ltmp2, $4  }
0x68: {  	_ = 	snop  }
0x69: {  	[tilespmem:s28], [sflag:$0x1] =	stream.indirect_vreg.gather [hbm4b:s2+s3], $0x80, v4, vm0, $0xb8;
	[tilespmem:$0x11780] =	vst v63  }
0x6a: {  	s0 =	simm.s32 $0x90;
	s4 =	simm.s32 $0x0;
	s12 =	rddreg [dreg:$0x5]  }
0x6b: {  	[tilespmem:s29], [sflag:$0x1] =	stream.indirect_vreg.gather [hbm4b:s5+s3], $0x80, v4, vm1, $0xb8;
	[tilespmem:$0x11780] =	vst v63  }
.LBB2_7:
0x6c: {  	_ =	swait.ge [sflag:s30], $0x7800  }
0x6d: {  	[sflag:s30] =	ssyncset.done $0x0  }
0x6e: {  	s4 =	simm.s32 $0x4;
	[sflag:s30] =	ssyncadd.s32 $0xFFFF8800  }
0x6f: {  	[hbm4b:s12+s3] =	stream.linear.scatter [tilespmem:s9], [sflag:$0x4], $0x7800, $0x38;
	[tilespmem:$0x11780] =	vst v63  }
.LBB2_9:
0x70: {  	p0 =	sne.s32 s13, $0x7D  }
.Ltmp3:
0x71: {  	_ = 	snop;
	(pc) =	sbr.rel @!p0 .LBB2_10-.Ltmp3, $4  }
0x72: {  	_ = 	snop  }
0x73: {  	_ =	swait.ge [sflag:s4], $0x7800  }
0x74: {  	s12 =	sadd.s32 $0xF00, s12;
	[sflag:s4] =	ssyncset.done $0x0  }
0x75: {  	s0 =	sadd.s32 $0x50, s0;
	[sflag:s4] =	ssyncadd.s32 $0xFFFF8800;
	s4 =	smov.u32 s13  }
.LBB2_2:
0x76: {  	p0 =	seq.s32 s4, $0x7C  }
.Ltmp4:
0x77: {  	_ = 	snop;
	(pc) =	sbr.rel @p0 .LBB2_7-.Ltmp4, $2  }
0x78: {  	_ =	sdelay $0x2  }
0x79: {  	s13 =	sadd.s32 $0x1, s4  }
0x7a: {  	v4 =	vld [tilespmem:s0+$0xFFFFFFC0];
	_ =	sdelay $0x4  }
0x7b: {  	s14 =	sand.u32 $0x1, s13;
	v5 =	vshrl.u32 v4, $0x3  }
0x7c: {  	p0 =	seq.s32 s14, $0x1;
	v5 =	vmul.u32 $0x18, v5  }
.Ltmp5:
0x7d: {  	v4 =	vand.u32 $0x7, v4;
	(pc) =	sbr.rel @!p0 .LBB2_4-.Ltmp5, $3  }
0x7e: {  	v4 =	vor.u32 v4, v5  }
0x7f: {  	v5 =	vperm.xlane v4, v0;
	v4 =	vperm.xlane v4, v3;
	_ =	sdelay $0x1  }
0x80: {  	v5 =	vadd.s32 v1, v5;
	v4 =	vadd.s32 v1, v4  }
0x81: {  	_ =	sdelay $0x3  }
0x82: {  	[tilespmem:s31], [sflag:$0x2] =	stream.indirect_vreg.gather [hbm4b:s2+s3], $0x80, v5, vm0, $0xb8;
	[tilespmem:$0x11780] =	vst v63  }
0x83: {  	s14 =	simm.s32 $0xA780  }
0x84: {  	[tilespmem:s14], [sflag:$0x2] =	stream.indirect_vreg.gather [hbm4b:s5+s3], $0x80, v5, vm1, $0xb8;
	[tilespmem:$0x11780] =	vst v63  }
0x85: {  	s14 =	simm.s32 $0xAB80  }
0x86: {  	[tilespmem:s14], [sflag:$0x2] =	stream.indirect_vreg.gather [hbm4b:s2+s3], $0x80, v4, vm0, $0xb8;
	[tilespmem:$0x11780] =	vst v63  }
0x87: {  	s14 =	simm.s32 $0xB380  }
0x88: {  	[tilespmem:s14], [sflag:$0x2] =	stream.indirect_vreg.gather [hbm4b:s5+s3], $0x80, v4, vm1, $0xb8;
	[tilespmem:$0x11780] =	vst v63  }
0x89: {  	v4 =	vld [tilespmem:s0+$0xFFFFFFD0];
	_ =	sdelay $0x4  }
0x8a: {  	v5 =	vshrl.u32 v4, $0x3  }
0x8b: {  	v5 =	vmul.u32 $0x18, v5  }
0x8c: {  	v4 =	vand.u32 $0x7, v4  }
0x8d: {  	v4 =	vor.u32 v4, v5  }
0x8e: {  	v5 =	vperm.xlane v4, v0;
	_ =	sdelay $0x1  }
0x8f: {  	v5 =	vadd.s32 v1, v5;
	_ =	sdelay $0x1  }
0x90: {  	v4 =	vperm.xlane v4, v3;
	_ =	sdelay $0x1  }
0x91: {  	s14 =	simm.s32 $0xB780;
	v4 =	vadd.s32 v1, v4  }
0x92: {  	[tilespmem:s14], [sflag:$0x2] =	stream.indirect_vreg.gather [hbm4b:s2+s3], $0x80, v5, vm0, $0xb8;
	[tilespmem:$0x11780] =	vst v63  }
0x93: {  	s14 =	simm.s32 $0xBF80  }
0x94: {  	[tilespmem:s14], [sflag:$0x2] =	stream.indirect_vreg.gather [hbm4b:s5+s3], $0x80, v5, vm1, $0xb8;
	[tilespmem:$0x11780] =	vst v63  }
0x95: {  	s14 =	simm.s32 $0xC380  }
0x96: {  	[tilespmem:s14], [sflag:$0x2] =	stream.indirect_vreg.gather [hbm4b:s2+s3], $0x80, v4, vm0, $0xb8;
	[tilespmem:$0x11780] =	vst v63  }
0x97: {  	s14 =	simm.s32 $0xCB80  }
0x98: {  	[tilespmem:s14], [sflag:$0x2] =	stream.indirect_vreg.gather [hbm4b:s5+s3], $0x80, v4, vm1, $0xb8;
	[tilespmem:$0x11780] =	vst v63  }
0x99: {  	v4 =	vld [tilespmem:s0+$0xFFFFFFE0];
	_ =	sdelay $0x4  }
0x9a: {  	v5 =	vshrl.u32 v4, $0x3  }
0x9b: {  	v5 =	vmul.u32 $0x18, v5  }
0x9c: {  	v4 =	vand.u32 $0x7, v4  }
0x9d: {  	v4 =	vor.u32 v4, v5  }
0x9e: {  	v5 =	vperm.xlane v4, v0;
	_ =	sdelay $0x1  }
0x9f: {  	v5 =	vadd.s32 v1, v5;
	_ =	sdelay $0x1  }
0xa0: {  	v4 =	vperm.xlane v4, v3;
	_ =	sdelay $0x1  }
0xa1: {  	s14 =	simm.s32 $0xCF80;
	v4 =	vadd.s32 v1, v4  }
0xa2: {  	[tilespmem:s14], [sflag:$0x2] =	stream.indirect_vreg.gather [hbm4b:s2+s3], $0x80, v5, vm0, $0xb8;
	[tilespmem:$0x11780] =	vst v63  }
0xa3: {  	s14 =	simm.s32 $0xD780  }
0xa4: {  	[tilespmem:s14], [sflag:$0x2] =	stream.indirect_vreg.gather [hbm4b:s5+s3], $0x80, v5, vm1, $0xb8;
	[tilespmem:$0x11780] =	vst v63  }
0xa5: {  	s14 =	simm.s32 $0xDB80  }
0xa6: {  	[tilespmem:s14], [sflag:$0x2] =	stream.indirect_vreg.gather [hbm4b:s2+s3], $0x80, v4, vm0, $0xb8;
	[tilespmem:$0x11780] =	vst v63  }
0xa7: {  	s14 =	simm.s32 $0xE380  }
0xa8: {  	[tilespmem:s14], [sflag:$0x2] =	stream.indirect_vreg.gather [hbm4b:s5+s3], $0x80, v4, vm1, $0xb8;
	[tilespmem:$0x11780] =	vst v63  }
0xa9: {  	v4 =	vld [tilespmem:s0+$0xFFFFFFF0];
	_ =	sdelay $0x4  }
0xaa: {  	v5 =	vshrl.u32 v4, $0x3  }
0xab: {  	v5 =	vmul.u32 $0x18, v5  }
0xac: {  	v4 =	vand.u32 $0x7, v4  }
0xad: {  	v4 =	vor.u32 v4, v5  }
0xae: {  	v5 =	vperm.xlane v4, v0;
	_ =	sdelay $0x1  }
0xaf: {  	v5 =	vadd.s32 v1, v5;
	_ =	sdelay $0x1  }
0xb0: {  	v4 =	vperm.xlane v4, v3;
	_ =	sdelay $0x1  }
0xb1: {  	s14 =	simm.s32 $0xE780;
	v4 =	vadd.s32 v1, v4  }
0xb2: {  	[tilespmem:s14], [sflag:$0x2] =	stream.indirect_vreg.gather [hbm4b:s2+s3], $0x80, v5, vm0, $0xb8;
	[tilespmem:$0x11780] =	vst v63  }
0xb3: {  	s14 =	simm.s32 $0xEF80  }
0xb4: {  	[tilespmem:s14], [sflag:$0x2] =	stream.indirect_vreg.gather [hbm4b:s5+s3], $0x80, v5, vm1, $0xb8;
	[tilespmem:$0x11780] =	vst v63  }
0xb5: {  	s14 =	simm.s32 $0xF380  }
0xb6: {  	[tilespmem:s14], [sflag:$0x2] =	stream.indirect_vreg.gather [hbm4b:s2+s3], $0x80, v4, vm0, $0xb8;
	[tilespmem:$0x11780] =	vst v63  }
0xb7: {  	s14 =	simm.s32 $0xFB80  }
0xb8: {  	[tilespmem:s14], [sflag:$0x2] =	stream.indirect_vreg.gather [hbm4b:s5+s3], $0x80, v4, vm1, $0xb8;
	[tilespmem:$0x11780] =	vst v63  }
0xb9: {  	v4 =	vld [tilespmem:s0+$0x0];
	_ =	sdelay $0x4  }
0xba: {  	v5 =	vshrl.u32 v4, $0x3  }
0xbb: {  	v5 =	vmul.u32 $0x18, v5  }
0xbc: {  	v4 =	vand.u32 $0x7, v4  }
0xbd: {  	v4 =	vor.u32 v4, v5  }
0xbe: {  	v5 =	vperm.xlane v4, v0;
	_ =	sdelay $0x1  }
0xbf: {  	v5 =	vadd.s32 v1, v5;
	_ =	sdelay $0x2  }
0xc0: {  	v4 =	vperm.xlane v4, v3;
	_ =	sdelay $0x1  }
0xc1: {  	v4 =	vadd.s32 v1, v4;
	[tilespmem:s6], [sflag:$0x2] =	stream.indirect_vreg.gather [hbm4b:s2+s3], $0x80, v5, vm0, $0xb8;
	[tilespmem:$0x11780] =	vst v63  }
0xc2: {  	_ = 	snop  }
0xc3: {  	[tilespmem:s7], [sflag:$0x2] =	stream.indirect_vreg.gather [hbm4b:s5+s3], $0x80, v5, vm1, $0xb8;
	[tilespmem:$0x11780] =	vst v63  }
.Ltmp6:
0xc4: {  	_ = 	snop;
	(pc) =	sbr.rel .LBB2_6-.Ltmp6, $4  }
0xc5: {  	_ = 	snop  }
0xc6: {  	[tilespmem:s8], [sflag:$0x2] =	stream.indirect_vreg.gather [hbm4b:s2+s3], $0x80, v4, vm0, $0xb8;
	[tilespmem:$0x11780] =	vst v63  }
0xc7: {  	_ = 	snop  }
0xc8: {  	[tilespmem:s10], [sflag:$0x2] =	stream.indirect_vreg.gather [hbm4b:s5+s3], $0x80, v4, vm1, $0xb8;
	[tilespmem:$0x11780] =	vst v63  }
.LBB2_4:
0xc9: {  	_ =	sdelay $0x3  }
0xca: {  	[tilespmem:s9], [sflag:$0x1] =	stream.indirect_vreg.gather [hbm4b:s2+s3], $0x80, v5, vm0, $0xb8;
	[tilespmem:$0x11780] =	vst v63  }
0xcb: {  	s14 =	simm.s32 $0x2F80  }
0xcc: {  	[tilespmem:s14], [sflag:$0x1] =	stream.indirect_vreg.gather [hbm4b:s5+s3], $0x80, v5, vm1, $0xb8;
	[tilespmem:$0x11780] =	vst v63  }
0xcd: {  	s14 =	simm.s32 $0x3380  }
0xce: {  	[tilespmem:s14], [sflag:$0x1] =	stream.indirect_vreg.gather [hbm4b:s2+s3], $0x80, v4, vm0, $0xb8;
	[tilespmem:$0x11780] =	vst v63  }
0xcf: {  	s14 =	simm.s32 $0x3B80  }
0xd0: {  	[tilespmem:s14], [sflag:$0x1] =	stream.indirect_vreg.gather [hbm4b:s5+s3], $0x80, v4, vm1, $0xb8;
	[tilespmem:$0x11780] =	vst v63  }
0xd1: {  	v4 =	vld [tilespmem:s0+$0xFFFFFFD0];
	_ =	sdelay $0x4  }
0xd2: {  	v5 =	vshrl.u32 v4, $0x3  }
0xd3: {  	v5 =	vmul.u32 $0x18, v5  }
0xd4: {  	v4 =	vand.u32 $0x7, v4  }
0xd5: {  	v4 =	vor.u32 v4, v5  }
0xd6: {  	v5 =	vperm.xlane v4, v0;
	_ =	sdelay $0x1  }
0xd7: {  	v5 =	vadd.s32 v1, v5;
	_ =	sdelay $0x1  }
0xd8: {  	v4 =	vperm.xlane v4, v3;
	_ =	sdelay $0x1  }
0xd9: {  	s14 =	simm.s32 $0x3F80;
	v4 =	vadd.s32 v1, v4  }
0xda: {  	[tilespmem:s14], [sflag:$0x1] =	stream.indirect_vreg.gather [hbm4b:s2+s3], $0x80, v5, vm0, $0xb8;
	[tilespmem:$0x11780] =	vst v63  }
0xdb: {  	s14 =	simm.s32 $0x4780  }
0xdc: {  	[tilespmem:s14], [sflag:$0x1] =	stream.indirect_vreg.gather [hbm4b:s5+s3], $0x80, v5, vm1, $0xb8;
	[tilespmem:$0x11780] =	vst v63  }
0xdd: {  	_ = 	snop  }
0xde: {  	[tilespmem:s15], [sflag:$0x1] =	stream.indirect_vreg.gather [hbm4b:s2+s3], $0x80, v4, vm0, $0xb8;
	[tilespmem:$0x11780] =	vst v63  }
0xdf: {  	_ = 	snop  }
0xe0: {  	[tilespmem:s16], [sflag:$0x1] =	stream.indirect_vreg.gather [hbm4b:s5+s3], $0x80, v4, vm1, $0xb8;
	[tilespmem:$0x11780] =	vst v63  }
0xe1: {  	v4 =	vld [tilespmem:s0+$0xFFFFFFE0];
	_ =	sdelay $0x4  }
0xe2: {  	v5 =	vshrl.u32 v4, $0x3  }
0xe3: {  	v5 =	vmul.u32 $0x18, v5  }
0xe4: {  	v4 =	vand.u32 $0x7, v4  }
0xe5: {  	v4 =	vor.u32 v4, v5  }
0xe6: {  	v5 =	vperm.xlane v4, v0;
	_ =	sdelay $0x1  }
0xe7: {  	v5 =	vadd.s32 v1, v5;
	_ =	sdelay $0x1  }
0xe8: {  	v4 =	vperm.xlane v4, v3;
	_ =	sdelay $0x1  }
0xe9: {  	v4 =	vadd.s32 v1, v4  }
0xea: {  	[tilespmem:s17], [sflag:$0x1] =	stream.indirect_vreg.gather [hbm4b:s2+s3], $0x80, v5, vm0, $0xb8;
	[tilespmem:$0x11780] =	vst v63  }
0xeb: {  	_ = 	snop  }
0xec: {  	[tilespmem:s18], [sflag:$0x1] =	stream.indirect_vreg.gather [hbm4b:s5+s3], $0x80, v5, vm1, $0xb8;
	[tilespmem:$0x11780] =	vst v63  }
0xed: {  	_ = 	snop  }
0xee: {  	[tilespmem:s19], [sflag:$0x1] =	stream.indirect_vreg.gather [hbm4b:s2+s3], $0x80, v4, vm0, $0xb8;
	[tilespmem:$0x11780] =	vst v63  }
0xef: {  	_ = 	snop  }
0xf0: {  	[tilespmem:s20], [sflag:$0x1] =	stream.indirect_vreg.gather [hbm4b:s5+s3], $0x80, v4, vm1, $0xb8;
	[tilespmem:$0x11780] =	vst v63  }
0xf1: {  	v4 =	vld [tilespmem:s0+$0xFFFFFFF0];
	_ =	sdelay $0x4  }
0xf2: {  	v5 =	vshrl.u32 v4, $0x3  }
0xf3: {  	v5 =	vmul.u32 $0x18, v5  }
0xf4: {  	v4 =	vand.u32 $0x7, v4  }
0xf5: {  	v4 =	vor.u32 v4, v5  }
0xf6: {  	v5 =	vperm.xlane v4, v0;
	_ =	sdelay $0x1  }
0xf7: {  	v5 =	vadd.s32 v1, v5;
	_ =	sdelay $0x1  }
0xf8: {  	v4 =	vperm.xlane v4, v3;
	_ =	sdelay $0x1  }
0xf9: {  	v4 =	vadd.s32 v1, v4  }
0xfa: {  	[tilespmem:s21], [sflag:$0x1] =	stream.indirect_vreg.gather [hbm4b:s2+s3], $0x80, v5, vm0, $0xb8;
	[tilespmem:$0x11780] =	vst v63  }
0xfb: {  	_ = 	snop  }
0xfc: {  	[tilespmem:s22], [sflag:$0x1] =	stream.indirect_vreg.gather [hbm4b:s5+s3], $0x80, v5, vm1, $0xb8;
	[tilespmem:$0x11780] =	vst v63  }
0xfd: {  	_ = 	snop  }
0xfe: {  	[tilespmem:s23], [sflag:$0x1] =	stream.indirect_vreg.gather [hbm4b:s2+s3], $0x80, v4, vm0, $0xb8;
	[tilespmem:$0x11780] =	vst v63  }
0xff: {  	_ = 	snop  }
0x100: {  	[tilespmem:s24], [sflag:$0x1] =	stream.indirect_vreg.gather [hbm4b:s5+s3], $0x80, v4, vm1, $0xb8;
	[tilespmem:$0x11780] =	vst v63  }
0x101: {  	v4 =	vld [tilespmem:s0+$0x0];
	_ =	sdelay $0x4  }
0x102: {  	v5 =	vshrl.u32 v4, $0x3  }
0x103: {  	v5 =	vmul.u32 $0x18, v5  }
0x104: {  	v4 =	vand.u32 $0x7, v4  }
0x105: {  	v4 =	vor.u32 v4, v5  }
0x106: {  	v5 =	vperm.xlane v4, v0;
	_ =	sdelay $0x1  }
0x107: {  	v5 =	vadd.s32 v1, v5;
	_ =	sdelay $0x1  }
0x108: {  	v4 =	vperm.xlane v4, v3;
	_ =	sdelay $0x1  }
0x109: {  	v4 =	vadd.s32 v1, v4  }
0x10a: {  	[tilespmem:s25], [sflag:$0x1] =	stream.indirect_vreg.gather [hbm4b:s2+s3], $0x80, v5, vm0, $0xb8;
	[tilespmem:$0x11780] =	vst v63  }
0x10b: {  	_ = 	snop  }
0x10c: {  	[tilespmem:s26], [sflag:$0x1] =	stream.indirect_vreg.gather [hbm4b:s5+s3], $0x80, v5, vm1, $0xb8;
	[tilespmem:$0x11780] =	vst v63  }
0x10d: {  	_ = 	snop  }
0x10e: {  	[tilespmem:s28], [sflag:$0x1] =	stream.indirect_vreg.gather [hbm4b:s2+s3], $0x80, v4, vm0, $0xb8;
	[tilespmem:$0x11780] =	vst v63  }
0x10f: {  	_ = 	snop  }
0x110: {  	[tilespmem:s29], [sflag:$0x1] =	stream.indirect_vreg.gather [hbm4b:s5+s3], $0x80, v4, vm1, $0xb8;
	[tilespmem:$0x11780] =	vst v63  }
.LBB2_6:
0x111: {  	s4 =	sand.u32 $0x1, s4  }
0x112: {  	p0 =	seq.s32 s4, $0x1  }
.Ltmp7:
0x113: {  	_ = 	snop;
	(pc) =	sbr.rel @!p0 .LBB2_7-.Ltmp7, $1  }
0x114: {  	_ =	sdelay $0x3  }
.Ltmp8:
0x115: {  	(pc) =	sbr.rel .LBB2_9-.Ltmp8, $4  }
0x116: {  	_ =	swait.ge [sflag:s1], $0x7800  }
0x117: {  	[sflag:s1] =	ssyncset.done $0x0  }
0x118: {  	s4 =	simm.s32 $0x3;
	[sflag:s1] =	ssyncadd.s32 $0xFFFF8800  }
0x119: {  	[hbm4b:s12+s3] =	stream.linear.scatter [tilespmem:s31], [sflag:$0x3], $0x7800, $0x38;
	[tilespmem:$0x11780] =	vst v63  }
.LBB2_11:
0x11a: {  	_ =	sfence.sel $0x180000  }
0x11b: {  	[bflag:$0x0] =	sbarrier.arrive $0xFFFF  }
0x11c: {  	_ =	strace $0x90000047  }
0x11d: {  	s0 =	stileid.u32;
	[bflag:$0x2] =	sbarrier.arrive $0xFFFF  }
0x11e: {  	p0 =	sne.s32 s0, $0x0;
	s0 =	rddreg [dreg:$0x2]  }
0x11f: {  	s0 =	sadd.s32 @!p0 $0x100000, s0  }
0x120: {  	[sflag:s0] =	ssyncadd.tile.s32 @!p0 $0x1;
	_ =	shalt  }
.Lfunc_end2:
_tile_overlayer_lowered:
.L_overlay_start_2:
0x121: {  	(tag) =	ssettag $0x2  }
0x122: {  	s0 =	rddreg [dreg:$0x0];
	s2 =	stileid.u32  }
0x123: {  	s1 =	rddreg [dreg:$0x1];
	p0 =	sne.s32 s2, $0x0  }
0x124: {  	s3 =	rddreg [dreg:$0x2];
	[bflag:$0x3] =	sbarrier.arrive $0xFFFF;
	s2 =	simm.s32 @!p0 $0x1C03  }
0x125: {  	[timem:s3], [sflag:s2] =	dma.local @!p0 [hbm:s0], s1  }
0x126: {  	s0 =	simm.s32 @!p0 $0x3  }
0x127: {  	_ =	swait.ge @!p0 [sflag:s0], s1  }
0x128: {  	s1 =	ssub.s32 @!p0 $0x0, s1;
	[sflag:s0] =	ssyncset.done @!p0 $0x0  }
0x129: {  	[sflag:s0] =	ssyncadd.s32 @!p0 s1  }
0x12a: {  	[bflag:$0x3] =	sbarrier.arrive $0xFFFF  }
0x12b: {  	_ =	shalt  }

</sc_bundles>
